<compile_context>
chip_gen: v7x
topology: tpu7x:2x2x1
jax: 0.10.2.dev20260603
libtpu: 0.0.44.dev20260713+nightly
codegen_flags: <defaults>
</compile_context>

<pallas_src>
import functools

import jax
import jax.numpy as jnp
from jax import lax
from jax.experimental import pallas as pl
from jax.experimental.pallas import tpu as pltpu
from jax.experimental.pallas import tpu_sc as plsc

NC = 2
NS = 16
CH = 128


def _sc_mesh():
    return plsc.VectorSubcoreMesh(core_axis_name="c", subcore_axis_name="s")


def _row_split(n):
    big = -(-n // NS)
    big = -(-big // 8) * 8
    last = n - (NS - 1) * big
    assert last > 0 and last % 8 == 0 and big % 8 == 0
    return big, last


def _tile_rows_copy(s, big, last, copy_big, copy_last):
    @pl.when(s < NS - 1)
    def _():
        copy_big()

    @pl.when(s == NS - 1)
    def _():
        copy_last()


def _make_deg_kernel(E, n):
    EC = E // NC
    ET = EC // NS
    assert EC * NC == E and ET * NS == EC
    n_full = ET // CH
    tail = ET - n_full * CH

    K = 3
    n_body = n_full // K
    assert n_body * K == n_full

    @functools.partial(
        pl.kernel,
        out_type=jax.ShapeDtypeStruct((NC, n), jnp.float32),
        mesh=_sc_mesh(),
        scratch_types=[
            pltpu.VMEM_SHARED((n,), jnp.float32),
            pltpu.VMEM((CH,), jnp.float32),
            [pltpu.VMEM((CH,), jnp.int32) for _ in range(K)],
            pltpu.VMEM((max(tail, 8),), jnp.float32),
            pltpu.VMEM((max(tail, 8),), jnp.int32),
            pltpu.VMEM((n,), jnp.float32),
            pltpu.SemaphoreType.DMA,
            pltpu.SemaphoreType.DMA,
        ],
    )
    def deg_kernel(dst_hbm, ones_hbm, zeros_hbm, out_hbm,
                   deg_sh, ones_v, dst_vs, ones_t, dst_t, zed_v,
                   sem_d, sem_s):
        c = lax.axis_index("c")
        s = lax.axis_index("s")
        base = c * EC + s * ET

        @pl.when(s == 0)
        def _():
            pltpu.sync_copy(zeros_hbm, zed_v)
            pltpu.sync_copy(zed_v, deg_sh)
        pltpu.sync_copy(ones_hbm, ones_v)
        if tail:
            pltpu.sync_copy(ones_hbm.at[pl.ds(0, tail)], ones_t)
        plsc.subcore_barrier()

        @pl.loop(0, n_body)
        def _(i):
            off = base + i * (K * CH)
            ddescs = [
                pltpu.async_copy(dst_hbm.at[pl.ds(off + b * CH, CH)],
                                 dst_vs[b], sem_d)
                for b in range(K)
            ]
            sdescs = []
            for b in range(K):
                ddescs[b].wait()
                sdescs.append(
                    pltpu.async_copy(ones_v, deg_sh.at[dst_vs[b]],
                                     sem_s, add=True))
            for d in sdescs:
                d.wait()

        if tail:
            off = base + n_full * CH
            pltpu.sync_copy(dst_hbm.at[pl.ds(off, tail)], dst_t)
            pltpu.sync_copy(ones_t, deg_sh.at[dst_t], add=True)
        plsc.subcore_barrier()

        @pl.when(s == 0)
        def _():
            pltpu.sync_copy(deg_sh, out_hbm.at[c])

    return deg_kernel


def _make_agg_kernel(E, n, F):
    EC = E // NC
    ET = EC // NS
    assert EC * NC == E and ET * NS == EC
    n_full = ET // CH
    tail = ET - n_full * CH
    big, last = _row_split(n)

    K = 2
    n_body = n_full // K
    assert n_body * K == n_full, "pick K dividing the per-tile chunk count"

    @functools.partial(
        pl.kernel,
        out_type=jax.ShapeDtypeStruct((NC, n, F), jnp.float32),
        mesh=_sc_mesh(),
        scratch_types=[
            pltpu.VMEM_SHARED((n, F), jnp.float32),
            pltpu.VMEM((ET,), jnp.int32),
            [pltpu.VMEM((CH,), jnp.int32) for _ in range(K)],
            [pltpu.VMEM((CH, F), jnp.float32) for _ in range(K)],
            pltpu.VMEM((max(tail, 8),), jnp.int32),
            pltpu.VMEM((max(tail, 8), F), jnp.float32),
            pltpu.SemaphoreType.DMA,
            pltpu.SemaphoreType.DMA,
            pltpu.SemaphoreType.DMA,
        ],
    )
    def agg_kernel(hs_hbm, src_hbm, dst_hbm, zeros_hbm, out_hbm,
                   agg_sh, src_all, dst_vs, rows_vs, dst_t, rows_t,
                   sem_g, sem_d, sem_s):
        c = lax.axis_index("c")
        s = lax.axis_index("s")
        base = c * EC + s * ET
        row0 = s * big
        src_desc = pltpu.async_copy(src_hbm.at[pl.ds(base, ET)], src_all,
                                    sem_d)
        _tile_rows_copy(
            s, big, last,
            lambda: pltpu.sync_copy(zeros_hbm.at[pl.ds(0, big)],
                                    agg_sh.at[pl.ds(row0, big)]),
            lambda: pltpu.sync_copy(zeros_hbm.at[pl.ds(0, last)],
                                    agg_sh.at[pl.ds(row0, last)]))
        src_desc.wait()
        plsc.subcore_barrier()

        def drain_scatter(b):
            pltpu.make_async_copy(hs_hbm.at[pl.ds(0, CH)], rows_vs[b],
                                  sem_s).wait()

        @pl.loop(0, n_body)
        def _(i):
            off = base + i * (K * CH)
            loc = i * (K * CH)
            ddescs, gdescs = [], []
            for b in range(K):
                @pl.when(i > 0)
                def _():
                    drain_scatter(b)
                ddescs.append(
                    pltpu.async_copy(dst_hbm.at[pl.ds(off + b * CH, CH)],
                                     dst_vs[b], sem_d))
                gdescs.append(
                    pltpu.async_copy(
                        hs_hbm.at[src_all.at[pl.ds(loc + b * CH, CH)]],
                        rows_vs[b], sem_g))
            for b in range(K):
                ddescs[b].wait()
                gdescs[b].wait()
                pltpu.async_copy(rows_vs[b], agg_sh.at[dst_vs[b]],
                                 sem_s, add=True)

        for b in range(K):
            drain_scatter(b)

        if tail:
            off = base + n_full * CH
            pltpu.sync_copy(dst_hbm.at[pl.ds(off, tail)], dst_t)
            pltpu.async_copy(
                hs_hbm.at[src_all.at[pl.ds(n_full * CH, tail)]],
                rows_t, sem_g).wait()
            pltpu.sync_copy(rows_t, agg_sh.at[dst_t], add=True)
        plsc.subcore_barrier()
        _tile_rows_copy(
            s, big, last,
            lambda: pltpu.sync_copy(agg_sh.at[pl.ds(row0, big)],
                                    out_hbm.at[c, pl.ds(row0, big)]),
            lambda: pltpu.sync_copy(agg_sh.at[pl.ds(row0, last)],
                                    out_hbm.at[c, pl.ds(row0, last)]))

    return agg_kernel


def _b0_body(x_ref, w_ref, degp_ref, dinvb_ref, hs_ref):
    n = degp_ref.shape[1]
    degp = degp_ref[...]
    deg_row = degp[0:1, :] + degp[1:2, :] + 1.0
    dinv = jnp.transpose(lax.rsqrt(deg_row), (1, 0))
    dinvb = jnp.broadcast_to(dinv, (n, 128))
    dinvb_ref[...] = dinvb
    h = jnp.dot(x_ref[...], w_ref[...], preferred_element_type=jnp.float32)
    hs_ref[...] = h * dinvb


def _mid_body(aggp_ref, hs_ref, dinvb_ref, b_ref, w_ref, out_ref):
    t = (aggp_ref[0] + aggp_ref[1] + hs_ref[...]) * dinvb_ref[:, : hs_ref.shape[1]]
    t = t + b_ref[...]
    t = t * jax.nn.sigmoid(t)
    h = jnp.dot(t, w_ref[...], preferred_element_type=jnp.float32)
    out_ref[...] = h * dinvb_ref[:, : out_ref.shape[1]]


def _b3_body(aggp_ref, hs_ref, dinvb_ref, b_ref, out_ref):
    w = hs_ref.shape[1]
    z = (aggp_ref[0] + aggp_ref[1] + hs_ref[...]) * dinvb_ref[:, :w] + b_ref[...]
    m = jnp.max(z, axis=0, keepdims=True)
    lse = jnp.log(jnp.sum(jnp.exp(z - m), axis=0, keepdims=True)) + m
    out_ref[...] = (z - lse)[:, : out_ref.shape[1]]


def kernel(x, edge_index, W0, b0, W1, b1, W2, b2):
    n, f_in = x.shape
    E = edge_index.shape[1]
    C = W2.shape[1]
    f32 = jnp.float32
    src = edge_index[0].astype(jnp.int32)
    dst = edge_index[1].astype(jnp.int32)

    big, _ = _row_split(n)
    ones_ch = jnp.ones((CH,), f32)
    z128 = jnp.zeros((big, 128), f32)
    zn = jnp.zeros((n,), f32)

    degp = _make_deg_kernel(E, n)(dst, ones_ch, zn)

    dinvb, hs0 = pl.pallas_call(
        _b0_body,
        out_shape=[jax.ShapeDtypeStruct((n, 128), f32),
                   jax.ShapeDtypeStruct((n, 128), f32)],
    )(x, W0, degp)

    agg128 = _make_agg_kernel(E, n, 128)
    agg0 = agg128(hs0, src, dst, z128)

    hs1 = pl.pallas_call(
        _mid_body, out_shape=jax.ShapeDtypeStruct((n, 128), f32),
    )(agg0, hs0, dinvb, b0.reshape(1, 128), W1)

    agg1 = agg128(hs1, src, dst, z128)

    W2p = jnp.pad(W2, ((0, 0), (0, 128 - C)))
    b2p = jnp.pad(b2, (0, 128 - C)).reshape(1, 128)
    hs2 = pl.pallas_call(
        _mid_body, out_shape=jax.ShapeDtypeStruct((n, 128), f32),
    )(agg1, hs1, dinvb, b1.reshape(1, 128), W2p)

    agg2 = agg128(hs2, src, dst, z128)

    out = pl.pallas_call(
        _b3_body, out_shape=jax.ShapeDtypeStruct((n, C), f32),
    )(agg2, hs2, dinvb, b2p)
    return out

# --- scband reference (transcript-rebuilt; emitter-appended) ---
"""Pipeline reference for scband-gcn-6356551598696 (READ-ONLY COPY).

The authoritative reference and input builder live on the scoring server;
editing this copy changes nothing except your own understanding.
"""

import jax, jax.numpy as jnp
import numpy as np

N, E, F_IN, HID, C = 10000, 320000, 128, 128, 40


def gcn_conv(x, src, dst, n, W, b):
    # PyG GCNConv: X' = D^{-1/2} (A + I) D^{-1/2} X W + b  (self loops already in src/dst)
    h = x @ W
    deg = jnp.zeros((n,), dtype=h.dtype).at[dst].add(1.0)
    dinv = jnp.where(deg > 0, jax.lax.rsqrt(deg), 0.0)
    norm = dinv[src] * dinv[dst]
    msg = h[src] * norm[:, None]
    out = jnp.zeros((n, h.shape[1]), dtype=h.dtype).at[dst].add(msg)
    return out + b


def setup_inputs(seed: int = 0) -> dict:
    key = jax.random.key(seed)
    ks = jax.random.split(key, 9)
    x = jax.random.normal(ks[0], (N, F_IN), dtype=jnp.float32)
    edge_index = jax.random.randint(ks[1], (2, E), 0, N)

    def glorot(k, fan_in, fan_out):
        limit = float(np.sqrt(6.0 / (fan_in + fan_out)))
        return jax.random.uniform(k, (fan_in, fan_out), dtype=jnp.float32, minval=-limit, maxval=limit)

    W0 = glorot(ks[2], F_IN, HID)
    b0 = jnp.zeros((HID,), dtype=jnp.float32)
    W1 = glorot(ks[3], HID, HID)
    b1 = jnp.zeros((HID,), dtype=jnp.float32)
    W2 = glorot(ks[4], HID, C)
    b2 = jnp.zeros((C,), dtype=jnp.float32)
    return {"x": x, "edge_index": edge_index, "W0": W0, "b0": b0, "W1": W1, "b1": b1, "W2": W2, "b2": b2}


def reference(x, edge_index, W0, b0, W1, b1, W2, b2):
    n = x.shape[0]
    loop = jnp.arange(n, dtype=edge_index.dtype)
    src = jnp.concatenate([edge_index[0], loop])
    dst = jnp.concatenate([edge_index[1], loop])
    # SVDOrNot is assumed empty (len != 2), so the SVD logging branch is skipped.
    h = gcn_conv(x, src, dst, n, W0, b0)
    h = h * jax.nn.sigmoid(h)
    h = gcn_conv(h, src, dst, n, W1, b1)
    h = h * jax.nn.sigmoid(h)
    h = gcn_conv(h, src, dst, n, W2, b2)
    # faithful to original: log_softmax over dim=0 (the node dimension)
    return jax.nn.log_softmax(h, axis=0)

if __name__ == "__main__":
    import jax
    _d = setup_inputs()
    print(jax.jit(kernel)(*tuple(_d.values())))

</pallas_src>

<mosaic_0001>
#map = affine_map<(d0, d1) -> (0, 0)>
#map1 = affine_map<(d0, d1) -> (0)>
#map2 = affine_map<(d0, d1) -> (0, 0, 0)>
module attributes {stable_mosaic.version = 14 : i64} {
  func.func @agg_kernel(%arg0: i32, %arg1: i32, %arg2: memref<10000x128xf32, #tpu.memory_space<hbm>>, %arg3: memref<320000xi32, #tpu.memory_space<hbm>>, %arg4: memref<320000xi32, #tpu.memory_space<hbm>>, %arg5: memref<632x128xf32, #tpu.memory_space<hbm>>, %arg6: memref<2x10000x128xf32, #tpu.memory_space<hbm>>, %arg7: memref<10000x128xf32, #tpu.memory_space<vmem_shared>>, %arg8: memref<10000xi32, #tpu.memory_space<vmem>>, %arg9: memref<128xi32, #tpu.memory_space<vmem>>, %arg10: memref<128xi32, #tpu.memory_space<vmem>>, %arg11: memref<128x128xf32, #tpu.memory_space<vmem>>, %arg12: memref<128x128xf32, #tpu.memory_space<vmem>>, %arg13: memref<16xi32, #tpu.memory_space<vmem>>, %arg14: memref<16x128xf32, #tpu.memory_space<vmem>>, %arg15: memref<!tpu.dma_semaphore, #tpu.memory_space<semaphore_mem>>, %arg16: memref<!tpu.dma_semaphore, #tpu.memory_space<semaphore_mem>>, %arg17: memref<!tpu.dma_semaphore, #tpu.memory_space<semaphore_mem>>) attributes {dimension_semantics = [#tpu.dimension_semantics<core_parallel>, #tpu.dimension_semantics<subcore_parallel>], iteration_bounds = array<i64: 2, 16>, scalar_prefetch = 0 : i64, scratch_operands = 11 : i64, tpu.core_type = #tpu.core_type<sc_vector_subcore>, window_params = [{transform_indices = #map}, {transform_indices = #map1}, {transform_indices = #map1}, {transform_indices = #map}, {transform_indices = #map2}]} {
    %mul3A = arith.constant 160000 : i32
    %mul3A_0 = arith.muli %arg0, %mul3A : i32
    %mul3A_1 = arith.constant 10000 : i32
    %mul3A_2 = arith.muli %arg1, %mul3A_1 : i32
    %add3A = arith.addi %mul3A_0, %mul3A_2 : i32
    %mul3A_3 = arith.constant 632 : i32
    %mul3A_4 = arith.muli %arg1, %mul3A_3 : i32
    %dma_start3A = tpu.memref_slice %arg3[%add3A] : memref<320000xi32, #tpu.memory_space<hbm>> -> memref<10000xi32, #tpu.memory_space<hbm>>
    %dma_start3A_5 = tpu.memref_slice %arg3[%add3A] : memref<320000xi32, #tpu.memory_space<hbm>> -> memref<10000xi32, #tpu.memory_space<hbm>>
    tpu.enqueue_dma source(%dma_start3A_5 : memref<10000xi32, #tpu.memory_space<hbm>>) target(%arg8 : memref<10000xi32, #tpu.memory_space<vmem>>) target_semaphore(%arg16 : memref<!tpu.dma_semaphore, #tpu.memory_space<semaphore_mem>>)
    %lt3A = arith.constant 15 : i32
    %lt3A_6 = arith.cmpi slt, %arg1, %lt3A : i32
    %convert_element_type3A = arith.extui %lt3A_6 : i1 to i32
    %cond3A = arith.constant 0 : i32
    %cond3A_7 = arith.cmpi ne, %convert_element_type3A, %cond3A : i32
    scf.if %cond3A_7 {
      "tpu.region"() ({
        %run_scoped3A = tpu.sem_alloc : memref<!tpu.dma_semaphore, #tpu.memory_space<semaphore_mem>>
        %dma_start3A_52 = arith.constant 0 : i32
        %dma_start3A_53 = tpu.memref_slice %arg7[%mul3A_4, %dma_start3A_52] : memref<10000x128xf32, #tpu.memory_space<vmem_shared>> -> memref<632x128xf32, #tpu.memory_space<vmem_shared>>
        %dma_start3A_54 = arith.constant 0 : i32
        %dma_start3A_55 = arith.constant 0 : i32
        %dma_start3A_56 = tpu.memref_slice %arg5[%dma_start3A_54, %dma_start3A_55] : memref<632x128xf32, #tpu.memory_space<hbm>> -> memref<632x128xf32, #tpu.memory_space<hbm>>
        tpu.enqueue_dma source(%dma_start3A_56 : memref<632x128xf32, #tpu.memory_space<hbm>>) target(%dma_start3A_53 : memref<632x128xf32, #tpu.memory_space<vmem_shared>>) target_semaphore(%run_scoped3A : memref<!tpu.dma_semaphore, #tpu.memory_space<semaphore_mem>>)
        %dma_wait3A_57 = arith.constant 0 : i32
        %dma_wait3A_58 = tpu.memref_slice %arg7[%mul3A_4, %dma_wait3A_57] : memref<10000x128xf32, #tpu.memory_space<vmem_shared>> -> memref<632x128xf32, #tpu.memory_space<vmem_shared>>
        %dma_wait3A_59 = arith.constant 0 : i32
        %dma_wait3A_60 = arith.constant 0 : i32
        %dma_wait3A_61 = tpu.memref_slice %arg5[%dma_wait3A_59, %dma_wait3A_60] : memref<632x128xf32, #tpu.memory_space<hbm>> -> memref<632x128xf32, #tpu.memory_space<hbm>>
        tpu.wait_dma2 semaphore(%run_scoped3A : memref<!tpu.dma_semaphore, #tpu.memory_space<semaphore_mem>>) src(%dma_wait3A_61 : memref<632x128xf32, #tpu.memory_space<hbm>>) dst(%dma_wait3A_58 : memref<632x128xf32, #tpu.memory_space<vmem_shared>>)
        tpu.yield
      }) : () -> ()
    } else {
    }
    %eq3A = arith.constant 15 : i32
    %eq3A_8 = arith.cmpi eq, %arg1, %eq3A : i32
    %convert_element_type3A_9 = arith.extui %eq3A_8 : i1 to i32
    %cond3A_10 = arith.constant 0 : i32
    %cond3A_11 = arith.cmpi ne, %convert_element_type3A_9, %cond3A_10 : i32
    scf.if %cond3A_11 {
      "tpu.region"() ({
        %run_scoped3A = tpu.sem_alloc : memref<!tpu.dma_semaphore, #tpu.memory_space<semaphore_mem>>
        %dma_start3A_52 = arith.constant 0 : i32
        %dma_start3A_53 = tpu.memref_slice %arg7[%mul3A_4, %dma_start3A_52] : memref<10000x128xf32, #tpu.memory_space<vmem_shared>> -> memref<520x128xf32, #tpu.memory_space<vmem_shared>>
        %dma_start3A_54 = arith.constant 0 : i32
        %dma_start3A_55 = arith.constant 0 : i32
        %dma_start3A_56 = tpu.memref_slice %arg5[%dma_start3A_54, %dma_start3A_55] : memref<632x128xf32, #tpu.memory_space<hbm>> -> memref<520x128xf32, #tpu.memory_space<hbm>>
        tpu.enqueue_dma source(%dma_start3A_56 : memref<520x128xf32, #tpu.memory_space<hbm>>) target(%dma_start3A_53 : memref<520x128xf32, #tpu.memory_space<vmem_shared>>) target_semaphore(%run_scoped3A : memref<!tpu.dma_semaphore, #tpu.memory_space<semaphore_mem>>)
        %dma_wait3A_57 = arith.constant 0 : i32
        %dma_wait3A_58 = tpu.memref_slice %arg7[%mul3A_4, %dma_wait3A_57] : memref<10000x128xf32, #tpu.memory_space<vmem_shared>> -> memref<520x128xf32, #tpu.memory_space<vmem_shared>>
        %dma_wait3A_59 = arith.constant 0 : i32
        %dma_wait3A_60 = arith.constant 0 : i32
        %dma_wait3A_61 = tpu.memref_slice %arg5[%dma_wait3A_59, %dma_wait3A_60] : memref<632x128xf32, #tpu.memory_space<hbm>> -> memref<520x128xf32, #tpu.memory_space<hbm>>
        tpu.wait_dma2 semaphore(%run_scoped3A : memref<!tpu.dma_semaphore, #tpu.memory_space<semaphore_mem>>) src(%dma_wait3A_61 : memref<520x128xf32, #tpu.memory_space<hbm>>) dst(%dma_wait3A_58 : memref<520x128xf32, #tpu.memory_space<vmem_shared>>)
        tpu.yield
      }) : () -> ()
    } else {
    }
    %dma_wait3A = tpu.memref_slice %arg3[%add3A] : memref<320000xi32, #tpu.memory_space<hbm>> -> memref<10000xi32, #tpu.memory_space<hbm>>
    %dma_wait3A_12 = tpu.memref_slice %arg3[%add3A] : memref<320000xi32, #tpu.memory_space<hbm>> -> memref<10000xi32, #tpu.memory_space<hbm>>
    tpu.wait_dma2 semaphore(%arg16 : memref<!tpu.dma_semaphore, #tpu.memory_space<semaphore_mem>>) src(%dma_wait3A_12 : memref<10000xi32, #tpu.memory_space<hbm>>) dst(%arg8 : memref<10000xi32, #tpu.memory_space<vmem>>)
    %barrier3A = arith.constant 0 : index
    tpu.barrier barrier_id(%barrier3A)
    %scan3A = arith.constant 0 : i32
    %scan3A_13 = arith.constant 39 : i32
    %scan3A_14 = arith.addi %scan3A, %scan3A_13 : i32
    %scan3A_15 = arith.constant 1 : i32
    scf.for %scan3A_52 = %scan3A to %scan3A_14 step %scan3A_15  : i32 {
      %mul3A_53 = arith.constant 1 : i32
      %mul3A_54 = arith.muli %scan3A_52, %mul3A_53 : i32
      %add3A_55 = arith.constant 0 : i32
      %add3A_56 = arith.addi %add3A_55, %mul3A_54 : i32
      %mul3A_57 = arith.constant 256 : i32
      %mul3A_58 = arith.muli %add3A_56, %mul3A_57 : i32
      %add3A_59 = arith.addi %add3A, %mul3A_58 : i32
      %mul3A_60 = arith.constant 256 : i32
      %mul3A_61 = arith.muli %add3A_56, %mul3A_60 : i32
      %gt3A = arith.constant 0 : i32
      %gt3A_62 = arith.cmpi sgt, %add3A_56, %gt3A : i32
      %convert_element_type3A_63 = arith.extui %gt3A_62 : i1 to i32
      %cond3A_64 = arith.constant 0 : i32
      %cond3A_65 = arith.cmpi ne, %convert_element_type3A_63, %cond3A_64 : i32
      scf.if %cond3A_65 {
        %dma_wait3A_109 = arith.constant 0 : i32
        %dma_wait3A_110 = arith.constant 0 : i32
        %dma_wait3A_111 = tpu.memref_slice %arg2[%dma_wait3A_109, %dma_wait3A_110] : memref<10000x128xf32, #tpu.memory_space<hbm>> -> memref<128x128xf32, #tpu.memory_space<hbm>>
        %dma_wait3A_112 = arith.constant 0 : i32
        %dma_wait3A_113 = arith.constant 0 : i32
        %dma_wait3A_114 = tpu.memref_slice %arg2[%dma_wait3A_112, %dma_wait3A_113] : memref<10000x128xf32, #tpu.memory_space<hbm>> -> memref<128x128xf32, #tpu.memory_space<hbm>>
        tpu.wait_dma2 semaphore(%arg17 : memref<!tpu.dma_semaphore, #tpu.memory_space<semaphore_mem>>) src(%dma_wait3A_114 : memref<128x128xf32, #tpu.memory_space<hbm>>) dst(%arg11 : memref<128x128xf32, #tpu.memory_space<vmem>>)
      } else {
      }
      %add3A_66 = arith.constant 0 : i32
      %add3A_67 = arith.addi %add3A_59, %add3A_66 : i32
      %dma_start3A_68 = tpu.memref_slice %arg4[%add3A_67] : memref<320000xi32, #tpu.memory_space<hbm>> -> memref<128xi32, #tpu.memory_space<hbm>>
      %dma_start3A_69 = tpu.memref_slice %arg4[%add3A_67] : memref<320000xi32, #tpu.memory_space<hbm>> -> memref<128xi32, #tpu.memory_space<hbm>>
      tpu.enqueue_dma source(%dma_start3A_69 : memref<128xi32, #tpu.memory_space<hbm>>) target(%arg9 : memref<128xi32, #tpu.memory_space<vmem>>) target_semaphore(%arg16 : memref<!tpu.dma_semaphore, #tpu.memory_space<semaphore_mem>>)
      %add3A_70 = arith.constant 0 : i32
      %add3A_71 = arith.addi %mul3A_61, %add3A_70 : i32
      %dma_start3A_72 = tpu.memref_slice %arg8[%add3A_71] : memref<10000xi32, #tpu.memory_space<vmem>> -> memref<128xi32, #tpu.memory_space<vmem>>
      %dma_start3A_73 = arith.constant 0 : i32
      %dma_start3A_74 = arith.constant 0 : i32
      %dma_start3A_75 = tpu.memref_slice %arg2[%dma_start3A_73, %dma_start3A_74] : memref<10000x128xf32, #tpu.memory_space<hbm>> -> memref<10000x128xf32, #tpu.memory_space<hbm>>
      tpu.enqueue_indirect_dma source(%dma_start3A_75 : memref<10000x128xf32, #tpu.memory_space<hbm>>) target(%arg11 : memref<128x128xf32, #tpu.memory_space<vmem>>) offsets(%dma_start3A_72 : memref<128xi32, #tpu.memory_space<vmem>>) semaphore(%arg15 : memref<!tpu.dma_semaphore, #tpu.memory_space<semaphore_mem>>)
      %gt3A_76 = arith.constant 0 : i32
      %gt3A_77 = arith.cmpi sgt, %add3A_56, %gt3A_76 : i32
      %convert_element_type3A_78 = arith.extui %gt3A_77 : i1 to i32
      %cond3A_79 = arith.constant 0 : i32
      %cond3A_80 = arith.cmpi ne, %convert_element_type3A_78, %cond3A_79 : i32
      scf.if %cond3A_80 {
        %dma_wait3A_109 = arith.constant 0 : i32
        %dma_wait3A_110 = arith.constant 0 : i32
        %dma_wait3A_111 = tpu.memref_slice %arg2[%dma_wait3A_109, %dma_wait3A_110] : memref<10000x128xf32, #tpu.memory_space<hbm>> -> memref<128x128xf32, #tpu.memory_space<hbm>>
        %dma_wait3A_112 = arith.constant 0 : i32
        %dma_wait3A_113 = arith.constant 0 : i32
        %dma_wait3A_114 = tpu.memref_slice %arg2[%dma_wait3A_112, %dma_wait3A_113] : memref<10000x128xf32, #tpu.memory_space<hbm>> -> memref<128x128xf32, #tpu.memory_space<hbm>>
        tpu.wait_dma2 semaphore(%arg17 : memref<!tpu.dma_semaphore, #tpu.memory_space<semaphore_mem>>) src(%dma_wait3A_114 : memref<128x128xf32, #tpu.memory_space<hbm>>) dst(%arg12 : memref<128x128xf32, #tpu.memory_space<vmem>>)
      } else {
      }
      %add3A_81 = arith.constant 128 : i32
      %add3A_82 = arith.addi %add3A_59, %add3A_81 : i32
      %dma_start3A_83 = tpu.memref_slice %arg4[%add3A_82] : memref<320000xi32, #tpu.memory_space<hbm>> -> memref<128xi32, #tpu.memory_space<hbm>>
      %dma_start3A_84 = tpu.memref_slice %arg4[%add3A_82] : memref<320000xi32, #tpu.memory_space<hbm>> -> memref<128xi32, #tpu.memory_space<hbm>>
      tpu.enqueue_dma source(%dma_start3A_84 : memref<128xi32, #tpu.memory_space<hbm>>) target(%arg10 : memref<128xi32, #tpu.memory_space<vmem>>) target_semaphore(%arg16 : memref<!tpu.dma_semaphore, #tpu.memory_space<semaphore_mem>>)
      %add3A_85 = arith.constant 128 : i32
      %add3A_86 = arith.addi %mul3A_61, %add3A_85 : i32
      %dma_start3A_87 = tpu.memref_slice %arg8[%add3A_86] : memref<10000xi32, #tpu.memory_space<vmem>> -> memref<128xi32, #tpu.memory_space<vmem>>
      %dma_start3A_88 = arith.constant 0 : i32
      %dma_start3A_89 = arith.constant 0 : i32
      %dma_start3A_90 = tpu.memref_slice %arg2[%dma_start3A_88, %dma_start3A_89] : memref<10000x128xf32, #tpu.memory_space<hbm>> -> memref<10000x128xf32, #tpu.memory_space<hbm>>
      tpu.enqueue_indirect_dma source(%dma_start3A_90 : memref<10000x128xf32, #tpu.memory_space<hbm>>) target(%arg12 : memref<128x128xf32, #tpu.memory_space<vmem>>) offsets(%dma_start3A_87 : memref<128xi32, #tpu.memory_space<vmem>>) semaphore(%arg15 : memref<!tpu.dma_semaphore, #tpu.memory_space<semaphore_mem>>)
      %dma_wait3A_91 = tpu.memref_slice %arg4[%add3A_67] : memref<320000xi32, #tpu.memory_space<hbm>> -> memref<128xi32, #tpu.memory_space<hbm>>
      %dma_wait3A_92 = tpu.memref_slice %arg4[%add3A_67] : memref<320000xi32, #tpu.memory_space<hbm>> -> memref<128xi32, #tpu.memory_space<hbm>>
      tpu.wait_dma2 semaphore(%arg16 : memref<!tpu.dma_semaphore, #tpu.memory_space<semaphore_mem>>) src(%dma_wait3A_92 : memref<128xi32, #tpu.memory_space<hbm>>) dst(%arg9 : memref<128xi32, #tpu.memory_space<vmem>>)
      %dma_wait3A_93 = tpu.memref_slice %arg8[%add3A_71] : memref<10000xi32, #tpu.memory_space<vmem>> -> memref<128xi32, #tpu.memory_space<vmem>>
      %dma_wait3A_94 = arith.constant 0 : i32
      %dma_wait3A_95 = arith.constant 0 : i32
      %dma_wait3A_96 = tpu.memref_slice %arg2[%dma_wait3A_94, %dma_wait3A_95] : memref<10000x128xf32, #tpu.memory_space<hbm>> -> memref<10000x128xf32, #tpu.memory_space<hbm>>
      tpu.wait_indirect_dma semaphore(%arg15 : memref<!tpu.dma_semaphore, #tpu.memory_space<semaphore_mem>>) src(%dma_wait3A_96 : memref<10000x128xf32, #tpu.memory_space<hbm>>) dst(%arg11 : memref<128x128xf32, #tpu.memory_space<vmem>>)
      %dma_start3A_97 = arith.constant 0 : i32
      %dma_start3A_98 = arith.constant 0 : i32
      %dma_start3A_99 = tpu.memref_slice %arg7[%dma_start3A_97, %dma_start3A_98] : memref<10000x128xf32, #tpu.memory_space<vmem_shared>> -> memref<10000x128xf32, #tpu.memory_space<vmem_shared>>
      tpu.enqueue_indirect_dma source(%arg11 : memref<128x128xf32, #tpu.memory_space<vmem>>) target(%dma_start3A_99 : memref<10000x128xf32, #tpu.memory_space<vmem_shared>>) offsets(%arg9 : memref<128xi32, #tpu.memory_space<vmem>>) semaphore(%arg17 : memref<!tpu.dma_semaphore, #tpu.memory_space<semaphore_mem>>) {add = true}
      %dma_wait3A_100 = tpu.memref_slice %arg4[%add3A_82] : memref<320000xi32, #tpu.memory_space<hbm>> -> memref<128xi32, #tpu.memory_space<hbm>>
      %dma_wait3A_101 = tpu.memref_slice %arg4[%add3A_82] : memref<320000xi32, #tpu.memory_space<hbm>> -> memref<128xi32, #tpu.memory_space<hbm>>
      tpu.wait_dma2 semaphore(%arg16 : memref<!tpu.dma_semaphore, #tpu.memory_space<semaphore_mem>>) src(%dma_wait3A_101 : memref<128xi32, #tpu.memory_space<hbm>>) dst(%arg10 : memref<128xi32, #tpu.memory_space<vmem>>)
      %dma_wait3A_102 = tpu.memref_slice %arg8[%add3A_86] : memref<10000xi32, #tpu.memory_space<vmem>> -> memref<128xi32, #tpu.memory_space<vmem>>
      %dma_wait3A_103 = arith.constant 0 : i32
      %dma_wait3A_104 = arith.constant 0 : i32
      %dma_wait3A_105 = tpu.memref_slice %arg2[%dma_wait3A_103, %dma_wait3A_104] : memref<10000x128xf32, #tpu.memory_space<hbm>> -> memref<10000x128xf32, #tpu.memory_space<hbm>>
      tpu.wait_indirect_dma semaphore(%arg15 : memref<!tpu.dma_semaphore, #tpu.memory_space<semaphore_mem>>) src(%dma_wait3A_105 : memref<10000x128xf32, #tpu.memory_space<hbm>>) dst(%arg12 : memref<128x128xf32, #tpu.memory_space<vmem>>)
      %dma_start3A_106 = arith.constant 0 : i32
      %dma_start3A_107 = arith.constant 0 : i32
      %dma_start3A_108 = tpu.memref_slice %arg7[%dma_start3A_106, %dma_start3A_107] : memref<10000x128xf32, #tpu.memory_space<vmem_shared>> -> memref<10000x128xf32, #tpu.memory_space<vmem_shared>>
      tpu.enqueue_indirect_dma source(%arg12 : memref<128x128xf32, #tpu.memory_space<vmem>>) target(%dma_start3A_108 : memref<10000x128xf32, #tpu.memory_space<vmem_shared>>) offsets(%arg10 : memref<128xi32, #tpu.memory_space<vmem>>) semaphore(%arg17 : memref<!tpu.dma_semaphore, #tpu.memory_space<semaphore_mem>>) {add = true}
    }
    %scan3A_16 = arith.constant 39 : i32
    %dma_wait3A_17 = arith.constant 0 : i32
    %dma_wait3A_18 = arith.constant 0 : i32
    %dma_wait3A_19 = tpu.memref_slice %arg2[%dma_wait3A_17, %dma_wait3A_18] : memref<10000x128xf32, #tpu.memory_space<hbm>> -> memref<128x128xf32, #tpu.memory_space<hbm>>
    %dma_wait3A_20 = arith.constant 0 : i32
    %dma_wait3A_21 = arith.constant 0 : i32
    %dma_wait3A_22 = tpu.memref_slice %arg2[%dma_wait3A_20, %dma_wait3A_21] : memref<10000x128xf32, #tpu.memory_space<hbm>> -> memref<128x128xf32, #tpu.memory_space<hbm>>
    tpu.wait_dma2 semaphore(%arg17 : memref<!tpu.dma_semaphore, #tpu.memory_space<semaphore_mem>>) src(%dma_wait3A_22 : memref<128x128xf32, #tpu.memory_space<hbm>>) dst(%arg11 : memref<128x128xf32, #tpu.memory_space<vmem>>)
    %dma_wait3A_23 = arith.constant 0 : i32
    %dma_wait3A_24 = arith.constant 0 : i32
    %dma_wait3A_25 = tpu.memref_slice %arg2[%dma_wait3A_23, %dma_wait3A_24] : memref<10000x128xf32, #tpu.memory_space<hbm>> -> memref<128x128xf32, #tpu.memory_space<hbm>>
    %dma_wait3A_26 = arith.constant 0 : i32
    %dma_wait3A_27 = arith.constant 0 : i32
    %dma_wait3A_28 = tpu.memref_slice %arg2[%dma_wait3A_26, %dma_wait3A_27] : memref<10000x128xf32, #tpu.memory_space<hbm>> -> memref<128x128xf32, #tpu.memory_space<hbm>>
    tpu.wait_dma2 semaphore(%arg17 : memref<!tpu.dma_semaphore, #tpu.memory_space<semaphore_mem>>) src(%dma_wait3A_28 : memref<128x128xf32, #tpu.memory_space<hbm>>) dst(%arg12 : memref<128x128xf32, #tpu.memory_space<vmem>>)
    %add3A_29 = arith.constant 9984 : i32
    %add3A_30 = arith.addi %add3A, %add3A_29 : i32
    "tpu.region"() ({
      %run_scoped3A = tpu.sem_alloc : memref<!tpu.dma_semaphore, #tpu.memory_space<semaphore_mem>>
      %dma_start3A_52 = tpu.memref_slice %arg4[%add3A_30] : memref<320000xi32, #tpu.memory_space<hbm>> -> memref<16xi32, #tpu.memory_space<hbm>>
      %dma_start3A_53 = tpu.memref_slice %arg4[%add3A_30] : memref<320000xi32, #tpu.memory_space<hbm>> -> memref<16xi32, #tpu.memory_space<hbm>>
      tpu.enqueue_dma source(%dma_start3A_53 : memref<16xi32, #tpu.memory_space<hbm>>) target(%arg13 : memref<16xi32, #tpu.memory_space<vmem>>) target_semaphore(%run_scoped3A : memref<!tpu.dma_semaphore, #tpu.memory_space<semaphore_mem>>)
      %dma_wait3A_54 = tpu.memref_slice %arg4[%add3A_30] : memref<320000xi32, #tpu.memory_space<hbm>> -> memref<16xi32, #tpu.memory_space<hbm>>
      %dma_wait3A_55 = tpu.memref_slice %arg4[%add3A_30] : memref<320000xi32, #tpu.memory_space<hbm>> -> memref<16xi32, #tpu.memory_space<hbm>>
      tpu.wait_dma2 semaphore(%run_scoped3A : memref<!tpu.dma_semaphore, #tpu.memory_space<semaphore_mem>>) src(%dma_wait3A_55 : memref<16xi32, #tpu.memory_space<hbm>>) dst(%arg13 : memref<16xi32, #tpu.memory_space<vmem>>)
      tpu.yield
    }) : () -> ()
    %dma_start3A_31 = arith.constant 9984 : i32
    %dma_start3A_32 = tpu.memref_slice %arg8[%dma_start3A_31] : memref<10000xi32, #tpu.memory_space<vmem>> -> memref<16xi32, #tpu.memory_space<vmem>>
    %dma_start3A_33 = arith.constant 0 : i32
    %dma_start3A_34 = arith.constant 0 : i32
    %dma_start3A_35 = tpu.memref_slice %arg2[%dma_start3A_33, %dma_start3A_34] : memref<10000x128xf32, #tpu.memory_space<hbm>> -> memref<10000x128xf32, #tpu.memory_space<hbm>>
    tpu.enqueue_indirect_dma source(%dma_start3A_35 : memref<10000x128xf32, #tpu.memory_space<hbm>>) target(%arg14 : memref<16x128xf32, #tpu.memory_space<vmem>>) offsets(%dma_start3A_32 : memref<16xi32, #tpu.memory_space<vmem>>) semaphore(%arg15 : memref<!tpu.dma_semaphore, #tpu.memory_space<semaphore_mem>>)
    %dma_wait3A_36 = arith.constant 9984 : i32
    %dma_wait3A_37 = tpu.memref_slice %arg8[%dma_wait3A_36] : memref<10000xi32, #tpu.memory_space<vmem>> -> memref<16xi32, #tpu.memory_space<vmem>>
    %dma_wait3A_38 = arith.constant 0 : i32
    %dma_wait3A_39 = arith.constant 0 : i32
    %dma_wait3A_40 = tpu.memref_slice %arg2[%dma_wait3A_38, %dma_wait3A_39] : memref<10000x128xf32, #tpu.memory_space<hbm>> -> memref<10000x128xf32, #tpu.memory_space<hbm>>
    tpu.wait_indirect_dma semaphore(%arg15 : memref<!tpu.dma_semaphore, #tpu.memory_space<semaphore_mem>>) src(%dma_wait3A_40 : memref<10000x128xf32, #tpu.memory_space<hbm>>) dst(%arg14 : memref<16x128xf32, #tpu.memory_space<vmem>>)
    "tpu.region"() ({
      %run_scoped3A = tpu.sem_alloc : memref<!tpu.dma_semaphore, #tpu.memory_space<semaphore_mem>>
      %dma_start3A_52 = arith.constant 0 : i32
      %dma_start3A_53 = arith.constant 0 : i32
      %dma_start3A_54 = tpu.memref_slice %arg7[%dma_start3A_52, %dma_start3A_53] : memref<10000x128xf32, #tpu.memory_space<vmem_shared>> -> memref<10000x128xf32, #tpu.memory_space<vmem_shared>>
      tpu.enqueue_indirect_dma source(%arg14 : memref<16x128xf32, #tpu.memory_space<vmem>>) target(%dma_start3A_54 : memref<10000x128xf32, #tpu.memory_space<vmem_shared>>) offsets(%arg13 : memref<16xi32, #tpu.memory_space<vmem>>) semaphore(%run_scoped3A : memref<!tpu.dma_semaphore, #tpu.memory_space<semaphore_mem>>) {add = true}
      %dma_wait3A_55 = arith.constant 0 : i32
      %dma_wait3A_56 = arith.constant 0 : i32
      %dma_wait3A_57 = tpu.memref_slice %arg7[%dma_wait3A_55, %dma_wait3A_56] : memref<10000x128xf32, #tpu.memory_space<vmem_shared>> -> memref<10000x128xf32, #tpu.memory_space<vmem_shared>>
      tpu.wait_indirect_dma semaphore(%run_scoped3A : memref<!tpu.dma_semaphore, #tpu.memory_space<semaphore_mem>>) src(%arg14 : memref<16x128xf32, #tpu.memory_space<vmem>>) dst(%dma_wait3A_57 : memref<10000x128xf32, #tpu.memory_space<vmem_shared>>)
      tpu.yield
    }) : () -> ()
    %barrier3A_41 = arith.constant 0 : index
    tpu.barrier barrier_id(%barrier3A_41)
    %lt3A_42 = arith.constant 15 : i32
    %lt3A_43 = arith.cmpi slt, %arg1, %lt3A_42 : i32
    %convert_element_type3A_44 = arith.extui %lt3A_43 : i1 to i32
    %cond3A_45 = arith.constant 0 : i32
    %cond3A_46 = arith.cmpi ne, %convert_element_type3A_44, %cond3A_45 : i32
    scf.if %cond3A_46 {
      "tpu.region"() ({
        %run_scoped3A = tpu.sem_alloc : memref<!tpu.dma_semaphore, #tpu.memory_space<semaphore_mem>>
        %dma_start3A_52 = arith.constant 0 : i32
        %dma_start3A_53 = tpu.memref_slice %arg6[%arg0, %mul3A_4, %dma_start3A_52] : memref<2x10000x128xf32, #tpu.memory_space<hbm>> -> memref<1x632x128xf32, #tpu.memory_space<hbm>>
        %dma_start3A_54 = tpu.memref_squeeze %dma_start3A_53 : memref<1x632x128xf32, #tpu.memory_space<hbm>> -> memref<632x128xf32, #tpu.memory_space<hbm>>
        %dma_start3A_55 = arith.constant 0 : i32
        %dma_start3A_56 = tpu.memref_slice %arg7[%mul3A_4, %dma_start3A_55] : memref<10000x128xf32, #tpu.memory_space<vmem_shared>> -> memref<632x128xf32, #tpu.memory_space<vmem_shared>>
        tpu.enqueue_dma source(%dma_start3A_56 : memref<632x128xf32, #tpu.memory_space<vmem_shared>>) target(%dma_start3A_54 : memref<632x128xf32, #tpu.memory_space<hbm>>) target_semaphore(%run_scoped3A : memref<!tpu.dma_semaphore, #tpu.memory_space<semaphore_mem>>)
        %dma_wait3A_57 = arith.constant 0 : i32
        %dma_wait3A_58 = tpu.memref_slice %arg6[%arg0, %mul3A_4, %dma_wait3A_57] : memref<2x10000x128xf32, #tpu.memory_space<hbm>> -> memref<1x632x128xf32, #tpu.memory_space<hbm>>
        %dma_wait3A_59 = tpu.memref_squeeze %dma_wait3A_58 : memref<1x632x128xf32, #tpu.memory_space<hbm>> -> memref<632x128xf32, #tpu.memory_space<hbm>>
        %dma_wait3A_60 = arith.constant 0 : i32
        %dma_wait3A_61 = tpu.memref_slice %arg7[%mul3A_4, %dma_wait3A_60] : memref<10000x128xf32, #tpu.memory_space<vmem_shared>> -> memref<632x128xf32, #tpu.memory_space<vmem_shared>>
        tpu.wait_dma2 semaphore(%run_scoped3A : memref<!tpu.dma_semaphore, #tpu.memory_space<semaphore_mem>>) src(%dma_wait3A_61 : memref<632x128xf32, #tpu.memory_space<vmem_shared>>) dst(%dma_wait3A_59 : memref<632x128xf32, #tpu.memory_space<hbm>>)
        tpu.yield
      }) : () -> ()
    } else {
    }
    %eq3A_47 = arith.constant 15 : i32
    %eq3A_48 = arith.cmpi eq, %arg1, %eq3A_47 : i32
    %convert_element_type3A_49 = arith.extui %eq3A_48 : i1 to i32
    %cond3A_50 = arith.constant 0 : i32
    %cond3A_51 = arith.cmpi ne, %convert_element_type3A_49, %cond3A_50 : i32
    scf.if %cond3A_51 {
      "tpu.region"() ({
        %run_scoped3A = tpu.sem_alloc : memref<!tpu.dma_semaphore, #tpu.memory_space<semaphore_mem>>
        %dma_start3A_52 = arith.constant 0 : i32
        %dma_start3A_53 = tpu.memref_slice %arg6[%arg0, %mul3A_4, %dma_start3A_52] : memref<2x10000x128xf32, #tpu.memory_space<hbm>> -> memref<1x520x128xf32, #tpu.memory_space<hbm>>
        %dma_start3A_54 = tpu.memref_squeeze %dma_start3A_53 : memref<1x520x128xf32, #tpu.memory_space<hbm>> -> memref<520x128xf32, #tpu.memory_space<hbm>>
        %dma_start3A_55 = arith.constant 0 : i32
        %dma_start3A_56 = tpu.memref_slice %arg7[%mul3A_4, %dma_start3A_55] : memref<10000x128xf32, #tpu.memory_space<vmem_shared>> -> memref<520x128xf32, #tpu.memory_space<vmem_shared>>
        tpu.enqueue_dma source(%dma_start3A_56 : memref<520x128xf32, #tpu.memory_space<vmem_shared>>) target(%dma_start3A_54 : memref<520x128xf32, #tpu.memory_space<hbm>>) target_semaphore(%run_scoped3A : memref<!tpu.dma_semaphore, #tpu.memory_space<semaphore_mem>>)
        %dma_wait3A_57 = arith.constant 0 : i32
        %dma_wait3A_58 = tpu.memref_slice %arg6[%arg0, %mul3A_4, %dma_wait3A_57] : memref<2x10000x128xf32, #tpu.memory_space<hbm>> -> memref<1x520x128xf32, #tpu.memory_space<hbm>>
        %dma_wait3A_59 = tpu.memref_squeeze %dma_wait3A_58 : memref<1x520x128xf32, #tpu.memory_space<hbm>> -> memref<520x128xf32, #tpu.memory_space<hbm>>
        %dma_wait3A_60 = arith.constant 0 : i32
        %dma_wait3A_61 = tpu.memref_slice %arg7[%mul3A_4, %dma_wait3A_60] : memref<10000x128xf32, #tpu.memory_space<vmem_shared>> -> memref<520x128xf32, #tpu.memory_space<vmem_shared>>
        tpu.wait_dma2 semaphore(%run_scoped3A : memref<!tpu.dma_semaphore, #tpu.memory_space<semaphore_mem>>) src(%dma_wait3A_61 : memref<520x128xf32, #tpu.memory_space<vmem_shared>>) dst(%dma_wait3A_59 : memref<520x128xf32, #tpu.memory_space<hbm>>)
        tpu.yield
      }) : () -> ()
    } else {
    }
    return
  }
}

#map = affine_map<(d0, d1) -> (0)>
#map1 = affine_map<(d0, d1) -> (0, 0)>
module attributes {stable_mosaic.version = 14 : i64} {
  func.func @deg_kernel(%arg0: i32, %arg1: i32, %arg2: memref<320000xi32, #tpu.memory_space<hbm>>, %arg3: memref<128xf32, #tpu.memory_space<hbm>>, %arg4: memref<10000xf32, #tpu.memory_space<hbm>>, %arg5: memref<2x10000xf32, #tpu.memory_space<hbm>>, %arg6: memref<10000xf32, #tpu.memory_space<vmem_shared>>, %arg7: memref<128xf32, #tpu.memory_space<vmem>>, %arg8: memref<128xi32, #tpu.memory_space<vmem>>, %arg9: memref<128xi32, #tpu.memory_space<vmem>>, %arg10: memref<128xi32, #tpu.memory_space<vmem>>, %arg11: memref<16xf32, #tpu.memory_space<vmem>>, %arg12: memref<16xi32, #tpu.memory_space<vmem>>, %arg13: memref<10000xf32, #tpu.memory_space<vmem>>, %arg14: memref<!tpu.dma_semaphore, #tpu.memory_space<semaphore_mem>>, %arg15: memref<!tpu.dma_semaphore, #tpu.memory_space<semaphore_mem>>) attributes {dimension_semantics = [#tpu.dimension_semantics<core_parallel>, #tpu.dimension_semantics<subcore_parallel>], iteration_bounds = array<i64: 2, 16>, scalar_prefetch = 0 : i64, scratch_operands = 10 : i64, tpu.core_type = #tpu.core_type<sc_vector_subcore>, window_params = [{transform_indices = #map}, {transform_indices = #map}, {transform_indices = #map}, {transform_indices = #map1}]} {
    %mul3A = arith.constant 160000 : i32
    %mul3A_0 = arith.muli %arg0, %mul3A : i32
    %mul3A_1 = arith.constant 10000 : i32
    %mul3A_2 = arith.muli %arg1, %mul3A_1 : i32
    %add3A = arith.addi %mul3A_0, %mul3A_2 : i32
    %eq3A = arith.constant 0 : i32
    %eq3A_3 = arith.cmpi eq, %arg1, %eq3A : i32
    %convert_element_type3A = arith.extui %eq3A_3 : i1 to i32
    %cond3A = arith.constant 0 : i32
    %cond3A_4 = arith.cmpi ne, %convert_element_type3A, %cond3A : i32
    scf.if %cond3A_4 {
      "tpu.region"() ({
        %run_scoped3A = tpu.sem_alloc : memref<!tpu.dma_semaphore, #tpu.memory_space<semaphore_mem>>
        tpu.enqueue_dma source(%arg4 : memref<10000xf32, #tpu.memory_space<hbm>>) target(%arg13 : memref<10000xf32, #tpu.memory_space<vmem>>) target_semaphore(%run_scoped3A : memref<!tpu.dma_semaphore, #tpu.memory_space<semaphore_mem>>)
        tpu.wait_dma2 semaphore(%run_scoped3A : memref<!tpu.dma_semaphore, #tpu.memory_space<semaphore_mem>>) src(%arg4 : memref<10000xf32, #tpu.memory_space<hbm>>) dst(%arg13 : memref<10000xf32, #tpu.memory_space<vmem>>)
        tpu.yield
      }) : () -> ()
      "tpu.region"() ({
        %run_scoped3A = tpu.sem_alloc : memref<!tpu.dma_semaphore, #tpu.memory_space<semaphore_mem>>
        tpu.enqueue_dma source(%arg13 : memref<10000xf32, #tpu.memory_space<vmem>>) target(%arg6 : memref<10000xf32, #tpu.memory_space<vmem_shared>>) target_semaphore(%run_scoped3A : memref<!tpu.dma_semaphore, #tpu.memory_space<semaphore_mem>>)
        tpu.wait_dma2 semaphore(%run_scoped3A : memref<!tpu.dma_semaphore, #tpu.memory_space<semaphore_mem>>) src(%arg13 : memref<10000xf32, #tpu.memory_space<vmem>>) dst(%arg6 : memref<10000xf32, #tpu.memory_space<vmem_shared>>)
        tpu.yield
      }) : () -> ()
    } else {
    }
    "tpu.region"() ({
      %run_scoped3A = tpu.sem_alloc : memref<!tpu.dma_semaphore, #tpu.memory_space<semaphore_mem>>
      tpu.enqueue_dma source(%arg3 : memref<128xf32, #tpu.memory_space<hbm>>) target(%arg7 : memref<128xf32, #tpu.memory_space<vmem>>) target_semaphore(%run_scoped3A : memref<!tpu.dma_semaphore, #tpu.memory_space<semaphore_mem>>)
      tpu.wait_dma2 semaphore(%run_scoped3A : memref<!tpu.dma_semaphore, #tpu.memory_space<semaphore_mem>>) src(%arg3 : memref<128xf32, #tpu.memory_space<hbm>>) dst(%arg7 : memref<128xf32, #tpu.memory_space<vmem>>)
      tpu.yield
    }) : () -> ()
    "tpu.region"() ({
      %run_scoped3A = tpu.sem_alloc : memref<!tpu.dma_semaphore, #tpu.memory_space<semaphore_mem>>
      %dma_start3A = arith.constant 0 : i32
      %dma_start3A_17 = tpu.memref_slice %arg3[%dma_start3A] : memref<128xf32, #tpu.memory_space<hbm>> -> memref<16xf32, #tpu.memory_space<hbm>>
      %dma_start3A_18 = arith.constant 0 : i32
      %dma_start3A_19 = tpu.memref_slice %arg3[%dma_start3A_18] : memref<128xf32, #tpu.memory_space<hbm>> -> memref<16xf32, #tpu.memory_space<hbm>>
      tpu.enqueue_dma source(%dma_start3A_19 : memref<16xf32, #tpu.memory_space<hbm>>) target(%arg11 : memref<16xf32, #tpu.memory_space<vmem>>) target_semaphore(%run_scoped3A : memref<!tpu.dma_semaphore, #tpu.memory_space<semaphore_mem>>)
      %dma_wait3A = arith.constant 0 : i32
      %dma_wait3A_20 = tpu.memref_slice %arg3[%dma_wait3A] : memref<128xf32, #tpu.memory_space<hbm>> -> memref<16xf32, #tpu.memory_space<hbm>>
      %dma_wait3A_21 = arith.constant 0 : i32
      %dma_wait3A_22 = tpu.memref_slice %arg3[%dma_wait3A_21] : memref<128xf32, #tpu.memory_space<hbm>> -> memref<16xf32, #tpu.memory_space<hbm>>
      tpu.wait_dma2 semaphore(%run_scoped3A : memref<!tpu.dma_semaphore, #tpu.memory_space<semaphore_mem>>) src(%dma_wait3A_22 : memref<16xf32, #tpu.memory_space<hbm>>) dst(%arg11 : memref<16xf32, #tpu.memory_space<vmem>>)
      tpu.yield
    }) : () -> ()
    %barrier3A = arith.constant 0 : index
    tpu.barrier barrier_id(%barrier3A)
    %scan3A = arith.constant 0 : i32
    %scan3A_5 = arith.constant 26 : i32
    %scan3A_6 = arith.addi %scan3A, %scan3A_5 : i32
    %scan3A_7 = arith.constant 1 : i32
    scf.for %scan3A_17 = %scan3A to %scan3A_6 step %scan3A_7  : i32 {
      %mul3A_18 = arith.constant 1 : i32
      %mul3A_19 = arith.muli %scan3A_17, %mul3A_18 : i32
      %add3A_20 = arith.constant 0 : i32
      %add3A_21 = arith.addi %add3A_20, %mul3A_19 : i32
      %mul3A_22 = arith.constant 384 : i32
      %mul3A_23 = arith.muli %add3A_21, %mul3A_22 : i32
      %add3A_24 = arith.addi %add3A, %mul3A_23 : i32
      %add3A_25 = arith.constant 0 : i32
      %add3A_26 = arith.addi %add3A_24, %add3A_25 : i32
      %dma_start3A = tpu.memref_slice %arg2[%add3A_26] : memref<320000xi32, #tpu.memory_space<hbm>> -> memref<128xi32, #tpu.memory_space<hbm>>
      %dma_start3A_27 = tpu.memref_slice %arg2[%add3A_26] : memref<320000xi32, #tpu.memory_space<hbm>> -> memref<128xi32, #tpu.memory_space<hbm>>
      tpu.enqueue_dma source(%dma_start3A_27 : memref<128xi32, #tpu.memory_space<hbm>>) target(%arg8 : memref<128xi32, #tpu.memory_space<vmem>>) target_semaphore(%arg14 : memref<!tpu.dma_semaphore, #tpu.memory_space<semaphore_mem>>)
      %add3A_28 = arith.constant 128 : i32
      %add3A_29 = arith.addi %add3A_24, %add3A_28 : i32
      %dma_start3A_30 = tpu.memref_slice %arg2[%add3A_29] : memref<320000xi32, #tpu.memory_space<hbm>> -> memref<128xi32, #tpu.memory_space<hbm>>
      %dma_start3A_31 = tpu.memref_slice %arg2[%add3A_29] : memref<320000xi32, #tpu.memory_space<hbm>> -> memref<128xi32, #tpu.memory_space<hbm>>
      tpu.enqueue_dma source(%dma_start3A_31 : memref<128xi32, #tpu.memory_space<hbm>>) target(%arg9 : memref<128xi32, #tpu.memory_space<vmem>>) target_semaphore(%arg14 : memref<!tpu.dma_semaphore, #tpu.memory_space<semaphore_mem>>)
      %add3A_32 = arith.constant 256 : i32
      %add3A_33 = arith.addi %add3A_24, %add3A_32 : i32
      %dma_start3A_34 = tpu.memref_slice %arg2[%add3A_33] : memref<320000xi32, #tpu.memory_space<hbm>> -> memref<128xi32, #tpu.memory_space<hbm>>
      %dma_start3A_35 = tpu.memref_slice %arg2[%add3A_33] : memref<320000xi32, #tpu.memory_space<hbm>> -> memref<128xi32, #tpu.memory_space<hbm>>
      tpu.enqueue_dma source(%dma_start3A_35 : memref<128xi32, #tpu.memory_space<hbm>>) target(%arg10 : memref<128xi32, #tpu.memory_space<vmem>>) target_semaphore(%arg14 : memref<!tpu.dma_semaphore, #tpu.memory_space<semaphore_mem>>)
      %dma_wait3A = tpu.memref_slice %arg2[%add3A_26] : memref<320000xi32, #tpu.memory_space<hbm>> -> memref<128xi32, #tpu.memory_space<hbm>>
      %dma_wait3A_36 = tpu.memref_slice %arg2[%add3A_26] : memref<320000xi32, #tpu.memory_space<hbm>> -> memref<128xi32, #tpu.memory_space<hbm>>
      tpu.wait_dma2 semaphore(%arg14 : memref<!tpu.dma_semaphore, #tpu.memory_space<semaphore_mem>>) src(%dma_wait3A_36 : memref<128xi32, #tpu.memory_space<hbm>>) dst(%arg8 : memref<128xi32, #tpu.memory_space<vmem>>)
      %dma_start3A_37 = arith.constant 0 : i32
      %dma_start3A_38 = tpu.memref_slice %arg6[%dma_start3A_37] : memref<10000xf32, #tpu.memory_space<vmem_shared>> -> memref<10000xf32, #tpu.memory_space<vmem_shared>>
      tpu.enqueue_indirect_dma source(%arg7 : memref<128xf32, #tpu.memory_space<vmem>>) target(%dma_start3A_38 : memref<10000xf32, #tpu.memory_space<vmem_shared>>) offsets(%arg8 : memref<128xi32, #tpu.memory_space<vmem>>) semaphore(%arg15 : memref<!tpu.dma_semaphore, #tpu.memory_space<semaphore_mem>>) {add = true}
      %dma_wait3A_39 = tpu.memref_slice %arg2[%add3A_29] : memref<320000xi32, #tpu.memory_space<hbm>> -> memref<128xi32, #tpu.memory_space<hbm>>
      %dma_wait3A_40 = tpu.memref_slice %arg2[%add3A_29] : memref<320000xi32, #tpu.memory_space<hbm>> -> memref<128xi32, #tpu.memory_space<hbm>>
      tpu.wait_dma2 semaphore(%arg14 : memref<!tpu.dma_semaphore, #tpu.memory_space<semaphore_mem>>) src(%dma_wait3A_40 : memref<128xi32, #tpu.memory_space<hbm>>) dst(%arg9 : memref<128xi32, #tpu.memory_space<vmem>>)
      %dma_start3A_41 = arith.constant 0 : i32
      %dma_start3A_42 = tpu.memref_slice %arg6[%dma_start3A_41] : memref<10000xf32, #tpu.memory_space<vmem_shared>> -> memref<10000xf32, #tpu.memory_space<vmem_shared>>
      tpu.enqueue_indirect_dma source(%arg7 : memref<128xf32, #tpu.memory_space<vmem>>) target(%dma_start3A_42 : memref<10000xf32, #tpu.memory_space<vmem_shared>>) offsets(%arg9 : memref<128xi32, #tpu.memory_space<vmem>>) semaphore(%arg15 : memref<!tpu.dma_semaphore, #tpu.memory_space<semaphore_mem>>) {add = true}
      %dma_wait3A_43 = tpu.memref_slice %arg2[%add3A_33] : memref<320000xi32, #tpu.memory_space<hbm>> -> memref<128xi32, #tpu.memory_space<hbm>>
      %dma_wait3A_44 = tpu.memref_slice %arg2[%add3A_33] : memref<320000xi32, #tpu.memory_space<hbm>> -> memref<128xi32, #tpu.memory_space<hbm>>
      tpu.wait_dma2 semaphore(%arg14 : memref<!tpu.dma_semaphore, #tpu.memory_space<semaphore_mem>>) src(%dma_wait3A_44 : memref<128xi32, #tpu.memory_space<hbm>>) dst(%arg10 : memref<128xi32, #tpu.memory_space<vmem>>)
      %dma_start3A_45 = arith.constant 0 : i32
      %dma_start3A_46 = tpu.memref_slice %arg6[%dma_start3A_45] : memref<10000xf32, #tpu.memory_space<vmem_shared>> -> memref<10000xf32, #tpu.memory_space<vmem_shared>>
      tpu.enqueue_indirect_dma source(%arg7 : memref<128xf32, #tpu.memory_space<vmem>>) target(%dma_start3A_46 : memref<10000xf32, #tpu.memory_space<vmem_shared>>) offsets(%arg10 : memref<128xi32, #tpu.memory_space<vmem>>) semaphore(%arg15 : memref<!tpu.dma_semaphore, #tpu.memory_space<semaphore_mem>>) {add = true}
      %dma_wait3A_47 = arith.constant 0 : i32
      %dma_wait3A_48 = tpu.memref_slice %arg6[%dma_wait3A_47] : memref<10000xf32, #tpu.memory_space<vmem_shared>> -> memref<10000xf32, #tpu.memory_space<vmem_shared>>
      tpu.wait_indirect_dma semaphore(%arg15 : memref<!tpu.dma_semaphore, #tpu.memory_space<semaphore_mem>>) src(%arg7 : memref<128xf32, #tpu.memory_space<vmem>>) dst(%dma_wait3A_48 : memref<10000xf32, #tpu.memory_space<vmem_shared>>)
      %dma_wait3A_49 = arith.constant 0 : i32
      %dma_wait3A_50 = tpu.memref_slice %arg6[%dma_wait3A_49] : memref<10000xf32, #tpu.memory_space<vmem_shared>> -> memref<10000xf32, #tpu.memory_space<vmem_shared>>
      tpu.wait_indirect_dma semaphore(%arg15 : memref<!tpu.dma_semaphore, #tpu.memory_space<semaphore_mem>>) src(%arg7 : memref<128xf32, #tpu.memory_space<vmem>>) dst(%dma_wait3A_50 : memref<10000xf32, #tpu.memory_space<vmem_shared>>)
      %dma_wait3A_51 = arith.constant 0 : i32
      %dma_wait3A_52 = tpu.memref_slice %arg6[%dma_wait3A_51] : memref<10000xf32, #tpu.memory_space<vmem_shared>> -> memref<10000xf32, #tpu.memory_space<vmem_shared>>
      tpu.wait_indirect_dma semaphore(%arg15 : memref<!tpu.dma_semaphore, #tpu.memory_space<semaphore_mem>>) src(%arg7 : memref<128xf32, #tpu.memory_space<vmem>>) dst(%dma_wait3A_52 : memref<10000xf32, #tpu.memory_space<vmem_shared>>)
    }
    %scan3A_8 = arith.constant 26 : i32
    %add3A_9 = arith.constant 9984 : i32
    %add3A_10 = arith.addi %add3A, %add3A_9 : i32
    "tpu.region"() ({
      %run_scoped3A = tpu.sem_alloc : memref<!tpu.dma_semaphore, #tpu.memory_space<semaphore_mem>>
      %dma_start3A = tpu.memref_slice %arg2[%add3A_10] : memref<320000xi32, #tpu.memory_space<hbm>> -> memref<16xi32, #tpu.memory_space<hbm>>
      %dma_start3A_17 = tpu.memref_slice %arg2[%add3A_10] : memref<320000xi32, #tpu.memory_space<hbm>> -> memref<16xi32, #tpu.memory_space<hbm>>
      tpu.enqueue_dma source(%dma_start3A_17 : memref<16xi32, #tpu.memory_space<hbm>>) target(%arg12 : memref<16xi32, #tpu.memory_space<vmem>>) target_semaphore(%run_scoped3A : memref<!tpu.dma_semaphore, #tpu.memory_space<semaphore_mem>>)
      %dma_wait3A = tpu.memref_slice %arg2[%add3A_10] : memref<320000xi32, #tpu.memory_space<hbm>> -> memref<16xi32, #tpu.memory_space<hbm>>
      %dma_wait3A_18 = tpu.memref_slice %arg2[%add3A_10] : memref<320000xi32, #tpu.memory_space<hbm>> -> memref<16xi32, #tpu.memory_space<hbm>>
      tpu.wait_dma2 semaphore(%run_scoped3A : memref<!tpu.dma_semaphore, #tpu.memory_space<semaphore_mem>>) src(%dma_wait3A_18 : memref<16xi32, #tpu.memory_space<hbm>>) dst(%arg12 : memref<16xi32, #tpu.memory_space<vmem>>)
      tpu.yield
    }) : () -> ()
    "tpu.region"() ({
      %run_scoped3A = tpu.sem_alloc : memref<!tpu.dma_semaphore, #tpu.memory_space<semaphore_mem>>
      %dma_start3A = arith.constant 0 : i32
      %dma_start3A_17 = tpu.memref_slice %arg6[%dma_start3A] : memref<10000xf32, #tpu.memory_space<vmem_shared>> -> memref<10000xf32, #tpu.memory_space<vmem_shared>>
      tpu.enqueue_indirect_dma source(%arg11 : memref<16xf32, #tpu.memory_space<vmem>>) target(%dma_start3A_17 : memref<10000xf32, #tpu.memory_space<vmem_shared>>) offsets(%arg12 : memref<16xi32, #tpu.memory_space<vmem>>) semaphore(%run_scoped3A : memref<!tpu.dma_semaphore, #tpu.memory_space<semaphore_mem>>) {add = true}
      %dma_wait3A = arith.constant 0 : i32
      %dma_wait3A_18 = tpu.memref_slice %arg6[%dma_wait3A] : memref<10000xf32, #tpu.memory_space<vmem_shared>> -> memref<10000xf32, #tpu.memory_space<vmem_shared>>
      tpu.wait_indirect_dma semaphore(%run_scoped3A : memref<!tpu.dma_semaphore, #tpu.memory_space<semaphore_mem>>) src(%arg11 : memref<16xf32, #tpu.memory_space<vmem>>) dst(%dma_wait3A_18 : memref<10000xf32, #tpu.memory_space<vmem_shared>>)
      tpu.yield
    }) : () -> ()
    %barrier3A_11 = arith.constant 0 : index
    tpu.barrier barrier_id(%barrier3A_11)
    %eq3A_12 = arith.constant 0 : i32
    %eq3A_13 = arith.cmpi eq, %arg1, %eq3A_12 : i32
    %convert_element_type3A_14 = arith.extui %eq3A_13 : i1 to i32
    %cond3A_15 = arith.constant 0 : i32
    %cond3A_16 = arith.cmpi ne, %convert_element_type3A_14, %cond3A_15 : i32
    scf.if %cond3A_16 {
      "tpu.region"() ({
        %run_scoped3A = tpu.sem_alloc : memref<!tpu.dma_semaphore, #tpu.memory_space<semaphore_mem>>
        %dma_start3A = arith.constant 0 : i32
        %dma_start3A_17 = tpu.memref_slice %arg5[%arg0, %dma_start3A] : memref<2x10000xf32, #tpu.memory_space<hbm>> -> memref<1x10000xf32, #tpu.memory_space<hbm>>
        %dma_start3A_18 = tpu.memref_squeeze %dma_start3A_17 : memref<1x10000xf32, #tpu.memory_space<hbm>> -> memref<10000xf32, #tpu.memory_space<hbm>>
        tpu.enqueue_dma source(%arg6 : memref<10000xf32, #tpu.memory_space<vmem_shared>>) target(%dma_start3A_18 : memref<10000xf32, #tpu.memory_space<hbm>>) target_semaphore(%run_scoped3A : memref<!tpu.dma_semaphore, #tpu.memory_space<semaphore_mem>>)
        %dma_wait3A = arith.constant 0 : i32
        %dma_wait3A_19 = tpu.memref_slice %arg5[%arg0, %dma_wait3A] : memref<2x10000xf32, #tpu.memory_space<hbm>> -> memref<1x10000xf32, #tpu.memory_space<hbm>>
        %dma_wait3A_20 = tpu.memref_squeeze %dma_wait3A_19 : memref<1x10000xf32, #tpu.memory_space<hbm>> -> memref<10000xf32, #tpu.memory_space<hbm>>
        tpu.wait_dma2 semaphore(%run_scoped3A : memref<!tpu.dma_semaphore, #tpu.memory_space<semaphore_mem>>) src(%arg6 : memref<10000xf32, #tpu.memory_space<vmem_shared>>) dst(%dma_wait3A_20 : memref<10000xf32, #tpu.memory_space<hbm>>)
        tpu.yield
      }) : () -> ()
    } else {
    }
    return
  }
}

#map = affine_map<(d0, d1) -> (0, 0)>
#map1 = affine_map<(d0, d1) -> (0)>
#map2 = affine_map<(d0, d1) -> (0, 0, 0)>
module attributes {stable_mosaic.version = 14 : i64} {
  func.func @agg_kernel(%arg0: i32, %arg1: i32, %arg2: memref<10000x128xf32, #tpu.memory_space<hbm>>, %arg3: memref<320000xi32, #tpu.memory_space<hbm>>, %arg4: memref<320000xi32, #tpu.memory_space<hbm>>, %arg5: memref<632x128xf32, #tpu.memory_space<hbm>>, %arg6: memref<2x10000x128xf32, #tpu.memory_space<hbm>>, %arg7: memref<10000x128xf32, #tpu.memory_space<vmem_shared>>, %arg8: memref<10000xi32, #tpu.memory_space<vmem>>, %arg9: memref<128xi32, #tpu.memory_space<vmem>>, %arg10: memref<128xi32, #tpu.memory_space<vmem>>, %arg11: memref<128x128xf32, #tpu.memory_space<vmem>>, %arg12: memref<128x128xf32, #tpu.memory_space<vmem>>, %arg13: memref<16xi32, #tpu.memory_space<vmem>>, %arg14: memref<16x128xf32, #tpu.memory_space<vmem>>, %arg15: memref<!tpu.dma_semaphore, #tpu.memory_space<semaphore_mem>>, %arg16: memref<!tpu.dma_semaphore, #tpu.memory_space<semaphore_mem>>, %arg17: memref<!tpu.dma_semaphore, #tpu.memory_space<semaphore_mem>>) attributes {dimension_semantics = [#tpu.dimension_semantics<core_parallel>, #tpu.dimension_semantics<subcore_parallel>], iteration_bounds = array<i64: 2, 16>, scalar_prefetch = 0 : i64, scratch_operands = 11 : i64, tpu.core_type = #tpu.core_type<sc_vector_subcore>, window_params = [{transform_indices = #map}, {transform_indices = #map1}, {transform_indices = #map1}, {transform_indices = #map}, {transform_indices = #map2}]} {
    %mul3A = arith.constant 160000 : i32
    %mul3A_0 = arith.muli %arg0, %mul3A : i32
    %mul3A_1 = arith.constant 10000 : i32
    %mul3A_2 = arith.muli %arg1, %mul3A_1 : i32
    %add3A = arith.addi %mul3A_0, %mul3A_2 : i32
    %mul3A_3 = arith.constant 632 : i32
    %mul3A_4 = arith.muli %arg1, %mul3A_3 : i32
    %dma_start3A = tpu.memref_slice %arg3[%add3A] : memref<320000xi32, #tpu.memory_space<hbm>> -> memref<10000xi32, #tpu.memory_space<hbm>>
    %dma_start3A_5 = tpu.memref_slice %arg3[%add3A] : memref<320000xi32, #tpu.memory_space<hbm>> -> memref<10000xi32, #tpu.memory_space<hbm>>
    tpu.enqueue_dma source(%dma_start3A_5 : memref<10000xi32, #tpu.memory_space<hbm>>) target(%arg8 : memref<10000xi32, #tpu.memory_space<vmem>>) target_semaphore(%arg16 : memref<!tpu.dma_semaphore, #tpu.memory_space<semaphore_mem>>)
    %lt3A = arith.constant 15 : i32
    %lt3A_6 = arith.cmpi slt, %arg1, %lt3A : i32
    %convert_element_type3A = arith.extui %lt3A_6 : i1 to i32
    %cond3A = arith.constant 0 : i32
    %cond3A_7 = arith.cmpi ne, %convert_element_type3A, %cond3A : i32
    scf.if %cond3A_7 {
      "tpu.region"() ({
        %run_scoped3A = tpu.sem_alloc : memref<!tpu.dma_semaphore, #tpu.memory_space<semaphore_mem>>
        %dma_start3A_52 = arith.constant 0 : i32
        %dma_start3A_53 = tpu.memref_slice %arg7[%mul3A_4, %dma_start3A_52] : memref<10000x128xf32, #tpu.memory_space<vmem_shared>> -> memref<632x128xf32, #tpu.memory_space<vmem_shared>>
        %dma_start3A_54 = arith.constant 0 : i32
        %dma_start3A_55 = arith.constant 0 : i32
        %dma_start3A_56 = tpu.memref_slice %arg5[%dma_start3A_54, %dma_start3A_55] : memref<632x128xf32, #tpu.memory_space<hbm>> -> memref<632x128xf32, #tpu.memory_space<hbm>>
        tpu.enqueue_dma source(%dma_start3A_56 : memref<632x128xf32, #tpu.memory_space<hbm>>) target(%dma_start3A_53 : memref<632x128xf32, #tpu.memory_space<vmem_shared>>) target_semaphore(%run_scoped3A : memref<!tpu.dma_semaphore, #tpu.memory_space<semaphore_mem>>)
        %dma_wait3A_57 = arith.constant 0 : i32
        %dma_wait3A_58 = tpu.memref_slice %arg7[%mul3A_4, %dma_wait3A_57] : memref<10000x128xf32, #tpu.memory_space<vmem_shared>> -> memref<632x128xf32, #tpu.memory_space<vmem_shared>>
        %dma_wait3A_59 = arith.constant 0 : i32
        %dma_wait3A_60 = arith.constant 0 : i32
        %dma_wait3A_61 = tpu.memref_slice %arg5[%dma_wait3A_59, %dma_wait3A_60] : memref<632x128xf32, #tpu.memory_space<hbm>> -> memref<632x128xf32, #tpu.memory_space<hbm>>
        tpu.wait_dma2 semaphore(%run_scoped3A : memref<!tpu.dma_semaphore, #tpu.memory_space<semaphore_mem>>) src(%dma_wait3A_61 : memref<632x128xf32, #tpu.memory_space<hbm>>) dst(%dma_wait3A_58 : memref<632x128xf32, #tpu.memory_space<vmem_shared>>)
        tpu.yield
      }) : () -> ()
    } else {
    }
    %eq3A = arith.constant 15 : i32
    %eq3A_8 = arith.cmpi eq, %arg1, %eq3A : i32
    %convert_element_type3A_9 = arith.extui %eq3A_8 : i1 to i32
    %cond3A_10 = arith.constant 0 : i32
    %cond3A_11 = arith.cmpi ne, %convert_element_type3A_9, %cond3A_10 : i32
    scf.if %cond3A_11 {
      "tpu.region"() ({
        %run_scoped3A = tpu.sem_alloc : memref<!tpu.dma_semaphore, #tpu.memory_space<semaphore_mem>>
        %dma_start3A_52 = arith.constant 0 : i32
        %dma_start3A_53 = tpu.memref_slice %arg7[%mul3A_4, %dma_start3A_52] : memref<10000x128xf32, #tpu.memory_space<vmem_shared>> -> memref<520x128xf32, #tpu.memory_space<vmem_shared>>
        %dma_start3A_54 = arith.constant 0 : i32
        %dma_start3A_55 = arith.constant 0 : i32
        %dma_start3A_56 = tpu.memref_slice %arg5[%dma_start3A_54, %dma_start3A_55] : memref<632x128xf32, #tpu.memory_space<hbm>> -> memref<520x128xf32, #tpu.memory_space<hbm>>
        tpu.enqueue_dma source(%dma_start3A_56 : memref<520x128xf32, #tpu.memory_space<hbm>>) target(%dma_start3A_53 : memref<520x128xf32, #tpu.memory_space<vmem_shared>>) target_semaphore(%run_scoped3A : memref<!tpu.dma_semaphore, #tpu.memory_space<semaphore_mem>>)
        %dma_wait3A_57 = arith.constant 0 : i32
        %dma_wait3A_58 = tpu.memref_slice %arg7[%mul3A_4, %dma_wait3A_57] : memref<10000x128xf32, #tpu.memory_space<vmem_shared>> -> memref<520x128xf32, #tpu.memory_space<vmem_shared>>
        %dma_wait3A_59 = arith.constant 0 : i32
        %dma_wait3A_60 = arith.constant 0 : i32
        %dma_wait3A_61 = tpu.memref_slice %arg5[%dma_wait3A_59, %dma_wait3A_60] : memref<632x128xf32, #tpu.memory_space<hbm>> -> memref<520x128xf32, #tpu.memory_space<hbm>>
        tpu.wait_dma2 semaphore(%run_scoped3A : memref<!tpu.dma_semaphore, #tpu.memory_space<semaphore_mem>>) src(%dma_wait3A_61 : memref<520x128xf32, #tpu.memory_space<hbm>>) dst(%dma_wait3A_58 : memref<520x128xf32, #tpu.memory_space<vmem_shared>>)
        tpu.yield
      }) : () -> ()
    } else {
    }
    %dma_wait3A = tpu.memref_slice %arg3[%add3A] : memref<320000xi32, #tpu.memory_space<hbm>> -> memref<10000xi32, #tpu.memory_space<hbm>>
    %dma_wait3A_12 = tpu.memref_slice %arg3[%add3A] : memref<320000xi32, #tpu.memory_space<hbm>> -> memref<10000xi32, #tpu.memory_space<hbm>>
    tpu.wait_dma2 semaphore(%arg16 : memref<!tpu.dma_semaphore, #tpu.memory_space<semaphore_mem>>) src(%dma_wait3A_12 : memref<10000xi32, #tpu.memory_space<hbm>>) dst(%arg8 : memref<10000xi32, #tpu.memory_space<vmem>>)
    %barrier3A = arith.constant 0 : index
    tpu.barrier barrier_id(%barrier3A)
    %scan3A = arith.constant 0 : i32
    %scan3A_13 = arith.constant 39 : i32
    %scan3A_14 = arith.addi %scan3A, %scan3A_13 : i32
    %scan3A_15 = arith.constant 1 : i32
    scf.for %scan3A_52 = %scan3A to %scan3A_14 step %scan3A_15  : i32 {
      %mul3A_53 = arith.constant 1 : i32
      %mul3A_54 = arith.muli %scan3A_52, %mul3A_53 : i32
      %add3A_55 = arith.constant 0 : i32
      %add3A_56 = arith.addi %add3A_55, %mul3A_54 : i32
      %mul3A_57 = arith.constant 256 : i32
      %mul3A_58 = arith.muli %add3A_56, %mul3A_57 : i32
      %add3A_59 = arith.addi %add3A, %mul3A_58 : i32
      %mul3A_60 = arith.constant 256 : i32
      %mul3A_61 = arith.muli %add3A_56, %mul3A_60 : i32
      %gt3A = arith.constant 0 : i32
      %gt3A_62 = arith.cmpi sgt, %add3A_56, %gt3A : i32
      %convert_element_type3A_63 = arith.extui %gt3A_62 : i1 to i32
      %cond3A_64 = arith.constant 0 : i32
      %cond3A_65 = arith.cmpi ne, %convert_element_type3A_63, %cond3A_64 : i32
      scf.if %cond3A_65 {
        %dma_wait3A_109 = arith.constant 0 : i32
        %dma_wait3A_110 = arith.constant 0 : i32
        %dma_wait3A_111 = tpu.memref_slice %arg2[%dma_wait3A_109, %dma_wait3A_110] : memref<10000x128xf32, #tpu.memory_space<hbm>> -> memref<128x128xf32, #tpu.memory_space<hbm>>
        %dma_wait3A_112 = arith.constant 0 : i32
        %dma_wait3A_113 = arith.constant 0 : i32
        %dma_wait3A_114 = tpu.memref_slice %arg2[%dma_wait3A_112, %dma_wait3A_113] : memref<10000x128xf32, #tpu.memory_space<hbm>> -> memref<128x128xf32, #tpu.memory_space<hbm>>
        tpu.wait_dma2 semaphore(%arg17 : memref<!tpu.dma_semaphore, #tpu.memory_space<semaphore_mem>>) src(%dma_wait3A_114 : memref<128x128xf32, #tpu.memory_space<hbm>>) dst(%arg11 : memref<128x128xf32, #tpu.memory_space<vmem>>)
      } else {
      }
      %add3A_66 = arith.constant 0 : i32
      %add3A_67 = arith.addi %add3A_59, %add3A_66 : i32
      %dma_start3A_68 = tpu.memref_slice %arg4[%add3A_67] : memref<320000xi32, #tpu.memory_space<hbm>> -> memref<128xi32, #tpu.memory_space<hbm>>
      %dma_start3A_69 = tpu.memref_slice %arg4[%add3A_67] : memref<320000xi32, #tpu.memory_space<hbm>> -> memref<128xi32, #tpu.memory_space<hbm>>
      tpu.enqueue_dma source(%dma_start3A_69 : memref<128xi32, #tpu.memory_space<hbm>>) target(%arg9 : memref<128xi32, #tpu.memory_space<vmem>>) target_semaphore(%arg16 : memref<!tpu.dma_semaphore, #tpu.memory_space<semaphore_mem>>)
      %add3A_70 = arith.constant 0 : i32
      %add3A_71 = arith.addi %mul3A_61, %add3A_70 : i32
      %dma_start3A_72 = tpu.memref_slice %arg8[%add3A_71] : memref<10000xi32, #tpu.memory_space<vmem>> -> memref<128xi32, #tpu.memory_space<vmem>>
      %dma_start3A_73 = arith.constant 0 : i32
      %dma_start3A_74 = arith.constant 0 : i32
      %dma_start3A_75 = tpu.memref_slice %arg2[%dma_start3A_73, %dma_start3A_74] : memref<10000x128xf32, #tpu.memory_space<hbm>> -> memref<10000x128xf32, #tpu.memory_space<hbm>>
      tpu.enqueue_indirect_dma source(%dma_start3A_75 : memref<10000x128xf32, #tpu.memory_space<hbm>>) target(%arg11 : memref<128x128xf32, #tpu.memory_space<vmem>>) offsets(%dma_start3A_72 : memref<128xi32, #tpu.memory_space<vmem>>) semaphore(%arg15 : memref<!tpu.dma_semaphore, #tpu.memory_space<semaphore_mem>>)
      %gt3A_76 = arith.constant 0 : i32
      %gt3A_77 = arith.cmpi sgt, %add3A_56, %gt3A_76 : i32
      %convert_element_type3A_78 = arith.extui %gt3A_77 : i1 to i32
      %cond3A_79 = arith.constant 0 : i32
      %cond3A_80 = arith.cmpi ne, %convert_element_type3A_78, %cond3A_79 : i32
      scf.if %cond3A_80 {
        %dma_wait3A_109 = arith.constant 0 : i32
        %dma_wait3A_110 = arith.constant 0 : i32
        %dma_wait3A_111 = tpu.memref_slice %arg2[%dma_wait3A_109, %dma_wait3A_110] : memref<10000x128xf32, #tpu.memory_space<hbm>> -> memref<128x128xf32, #tpu.memory_space<hbm>>
        %dma_wait3A_112 = arith.constant 0 : i32
        %dma_wait3A_113 = arith.constant 0 : i32
        %dma_wait3A_114 = tpu.memref_slice %arg2[%dma_wait3A_112, %dma_wait3A_113] : memref<10000x128xf32, #tpu.memory_space<hbm>> -> memref<128x128xf32, #tpu.memory_space<hbm>>
        tpu.wait_dma2 semaphore(%arg17 : memref<!tpu.dma_semaphore, #tpu.memory_space<semaphore_mem>>) src(%dma_wait3A_114 : memref<128x128xf32, #tpu.memory_space<hbm>>) dst(%arg12 : memref<128x128xf32, #tpu.memory_space<vmem>>)
      } else {
      }
      %add3A_81 = arith.constant 128 : i32
      %add3A_82 = arith.addi %add3A_59, %add3A_81 : i32
      %dma_start3A_83 = tpu.memref_slice %arg4[%add3A_82] : memref<320000xi32, #tpu.memory_space<hbm>> -> memref<128xi32, #tpu.memory_space<hbm>>
      %dma_start3A_84 = tpu.memref_slice %arg4[%add3A_82] : memref<320000xi32, #tpu.memory_space<hbm>> -> memref<128xi32, #tpu.memory_space<hbm>>
      tpu.enqueue_dma source(%dma_start3A_84 : memref<128xi32, #tpu.memory_space<hbm>>) target(%arg10 : memref<128xi32, #tpu.memory_space<vmem>>) target_semaphore(%arg16 : memref<!tpu.dma_semaphore, #tpu.memory_space<semaphore_mem>>)
      %add3A_85 = arith.constant 128 : i32
      %add3A_86 = arith.addi %mul3A_61, %add3A_85 : i32
      %dma_start3A_87 = tpu.memref_slice %arg8[%add3A_86] : memref<10000xi32, #tpu.memory_space<vmem>> -> memref<128xi32, #tpu.memory_space<vmem>>
      %dma_start3A_88 = arith.constant 0 : i32
      %dma_start3A_89 = arith.constant 0 : i32
      %dma_start3A_90 = tpu.memref_slice %arg2[%dma_start3A_88, %dma_start3A_89] : memref<10000x128xf32, #tpu.memory_space<hbm>> -> memref<10000x128xf32, #tpu.memory_space<hbm>>
      tpu.enqueue_indirect_dma source(%dma_start3A_90 : memref<10000x128xf32, #tpu.memory_space<hbm>>) target(%arg12 : memref<128x128xf32, #tpu.memory_space<vmem>>) offsets(%dma_start3A_87 : memref<128xi32, #tpu.memory_space<vmem>>) semaphore(%arg15 : memref<!tpu.dma_semaphore, #tpu.memory_space<semaphore_mem>>)
      %dma_wait3A_91 = tpu.memref_slice %arg4[%add3A_67] : memref<320000xi32, #tpu.memory_space<hbm>> -> memref<128xi32, #tpu.memory_space<hbm>>
      %dma_wait3A_92 = tpu.memref_slice %arg4[%add3A_67] : memref<320000xi32, #tpu.memory_space<hbm>> -> memref<128xi32, #tpu.memory_space<hbm>>
      tpu.wait_dma2 semaphore(%arg16 : memref<!tpu.dma_semaphore, #tpu.memory_space<semaphore_mem>>) src(%dma_wait3A_92 : memref<128xi32, #tpu.memory_space<hbm>>) dst(%arg9 : memref<128xi32, #tpu.memory_space<vmem>>)
      %dma_wait3A_93 = tpu.memref_slice %arg8[%add3A_71] : memref<10000xi32, #tpu.memory_space<vmem>> -> memref<128xi32, #tpu.memory_space<vmem>>
      %dma_wait3A_94 = arith.constant 0 : i32
      %dma_wait3A_95 = arith.constant 0 : i32
      %dma_wait3A_96 = tpu.memref_slice %arg2[%dma_wait3A_94, %dma_wait3A_95] : memref<10000x128xf32, #tpu.memory_space<hbm>> -> memref<10000x128xf32, #tpu.memory_space<hbm>>
      tpu.wait_indirect_dma semaphore(%arg15 : memref<!tpu.dma_semaphore, #tpu.memory_space<semaphore_mem>>) src(%dma_wait3A_96 : memref<10000x128xf32, #tpu.memory_space<hbm>>) dst(%arg11 : memref<128x128xf32, #tpu.memory_space<vmem>>)
      %dma_start3A_97 = arith.constant 0 : i32
      %dma_start3A_98 = arith.constant 0 : i32
      %dma_start3A_99 = tpu.memref_slice %arg7[%dma_start3A_97, %dma_start3A_98] : memref<10000x128xf32, #tpu.memory_space<vmem_shared>> -> memref<10000x128xf32, #tpu.memory_space<vmem_shared>>
      tpu.enqueue_indirect_dma source(%arg11 : memref<128x128xf32, #tpu.memory_space<vmem>>) target(%dma_start3A_99 : memref<10000x128xf32, #tpu.memory_space<vmem_shared>>) offsets(%arg9 : memref<128xi32, #tpu.memory_space<vmem>>) semaphore(%arg17 : memref<!tpu.dma_semaphore, #tpu.memory_space<semaphore_mem>>) {add = true}
      %dma_wait3A_100 = tpu.memref_slice %arg4[%add3A_82] : memref<320000xi32, #tpu.memory_space<hbm>> -> memref<128xi32, #tpu.memory_space<hbm>>
      %dma_wait3A_101 = tpu.memref_slice %arg4[%add3A_82] : memref<320000xi32, #tpu.memory_space<hbm>> -> memref<128xi32, #tpu.memory_space<hbm>>
      tpu.wait_dma2 semaphore(%arg16 : memref<!tpu.dma_semaphore, #tpu.memory_space<semaphore_mem>>) src(%dma_wait3A_101 : memref<128xi32, #tpu.memory_space<hbm>>) dst(%arg10 : memref<128xi32, #tpu.memory_space<vmem>>)
      %dma_wait3A_102 = tpu.memref_slice %arg8[%add3A_86] : memref<10000xi32, #tpu.memory_space<vmem>> -> memref<128xi32, #tpu.memory_space<vmem>>
      %dma_wait3A_103 = arith.constant 0 : i32
      %dma_wait3A_104 = arith.constant 0 : i32
      %dma_wait3A_105 = tpu.memref_slice %arg2[%dma_wait3A_103, %dma_wait3A_104] : memref<10000x128xf32, #tpu.memory_space<hbm>> -> memref<10000x128xf32, #tpu.memory_space<hbm>>
      tpu.wait_indirect_dma semaphore(%arg15 : memref<!tpu.dma_semaphore, #tpu.memory_space<semaphore_mem>>) src(%dma_wait3A_105 : memref<10000x128xf32, #tpu.memory_space<hbm>>) dst(%arg12 : memref<128x128xf32, #tpu.memory_space<vmem>>)
      %dma_start3A_106 = arith.constant 0 : i32
      %dma_start3A_107 = arith.constant 0 : i32
      %dma_start3A_108 = tpu.memref_slice %arg7[%dma_start3A_106, %dma_start3A_107] : memref<10000x128xf32, #tpu.memory_space<vmem_shared>> -> memref<10000x128xf32, #tpu.memory_space<vmem_shared>>
      tpu.enqueue_indirect_dma source(%arg12 : memref<128x128xf32, #tpu.memory_space<vmem>>) target(%dma_start3A_108 : memref<10000x128xf32, #tpu.memory_space<vmem_shared>>) offsets(%arg10 : memref<128xi32, #tpu.memory_space<vmem>>) semaphore(%arg17 : memref<!tpu.dma_semaphore, #tpu.memory_space<semaphore_mem>>) {add = true}
    }
    %scan3A_16 = arith.constant 39 : i32
    %dma_wait3A_17 = arith.constant 0 : i32
    %dma_wait3A_18 = arith.constant 0 : i32
    %dma_wait3A_19 = tpu.memref_slice %arg2[%dma_wait3A_17, %dma_wait3A_18] : memref<10000x128xf32, #tpu.memory_space<hbm>> -> memref<128x128xf32, #tpu.memory_space<hbm>>
    %dma_wait3A_20 = arith.constant 0 : i32
    %dma_wait3A_21 = arith.constant 0 : i32
    %dma_wait3A_22 = tpu.memref_slice %arg2[%dma_wait3A_20, %dma_wait3A_21] : memref<10000x128xf32, #tpu.memory_space<hbm>> -> memref<128x128xf32, #tpu.memory_space<hbm>>
    tpu.wait_dma2 semaphore(%arg17 : memref<!tpu.dma_semaphore, #tpu.memory_space<semaphore_mem>>) src(%dma_wait3A_22 : memref<128x128xf32, #tpu.memory_space<hbm>>) dst(%arg11 : memref<128x128xf32, #tpu.memory_space<vmem>>)
    %dma_wait3A_23 = arith.constant 0 : i32
    %dma_wait3A_24 = arith.constant 0 : i32
    %dma_wait3A_25 = tpu.memref_slice %arg2[%dma_wait3A_23, %dma_wait3A_24] : memref<10000x128xf32, #tpu.memory_space<hbm>> -> memref<128x128xf32, #tpu.memory_space<hbm>>
    %dma_wait3A_26 = arith.constant 0 : i32
    %dma_wait3A_27 = arith.constant 0 : i32
    %dma_wait3A_28 = tpu.memref_slice %arg2[%dma_wait3A_26, %dma_wait3A_27] : memref<10000x128xf32, #tpu.memory_space<hbm>> -> memref<128x128xf32, #tpu.memory_space<hbm>>
    tpu.wait_dma2 semaphore(%arg17 : memref<!tpu.dma_semaphore, #tpu.memory_space<semaphore_mem>>) src(%dma_wait3A_28 : memref<128x128xf32, #tpu.memory_space<hbm>>) dst(%arg12 : memref<128x128xf32, #tpu.memory_space<vmem>>)
    %add3A_29 = arith.constant 9984 : i32
    %add3A_30 = arith.addi %add3A, %add3A_29 : i32
    "tpu.region"() ({
      %run_scoped3A = tpu.sem_alloc : memref<!tpu.dma_semaphore, #tpu.memory_space<semaphore_mem>>
      %dma_start3A_52 = tpu.memref_slice %arg4[%add3A_30] : memref<320000xi32, #tpu.memory_space<hbm>> -> memref<16xi32, #tpu.memory_space<hbm>>
      %dma_start3A_53 = tpu.memref_slice %arg4[%add3A_30] : memref<320000xi32, #tpu.memory_space<hbm>> -> memref<16xi32, #tpu.memory_space<hbm>>
      tpu.enqueue_dma source(%dma_start3A_53 : memref<16xi32, #tpu.memory_space<hbm>>) target(%arg13 : memref<16xi32, #tpu.memory_space<vmem>>) target_semaphore(%run_scoped3A : memref<!tpu.dma_semaphore, #tpu.memory_space<semaphore_mem>>)
      %dma_wait3A_54 = tpu.memref_slice %arg4[%add3A_30] : memref<320000xi32, #tpu.memory_space<hbm>> -> memref<16xi32, #tpu.memory_space<hbm>>
      %dma_wait3A_55 = tpu.memref_slice %arg4[%add3A_30] : memref<320000xi32, #tpu.memory_space<hbm>> -> memref<16xi32, #tpu.memory_space<hbm>>
      tpu.wait_dma2 semaphore(%run_scoped3A : memref<!tpu.dma_semaphore, #tpu.memory_space<semaphore_mem>>) src(%dma_wait3A_55 : memref<16xi32, #tpu.memory_space<hbm>>) dst(%arg13 : memref<16xi32, #tpu.memory_space<vmem>>)
      tpu.yield
    }) : () -> ()
    %dma_start3A_31 = arith.constant 9984 : i32
    %dma_start3A_32 = tpu.memref_slice %arg8[%dma_start3A_31] : memref<10000xi32, #tpu.memory_space<vmem>> -> memref<16xi32, #tpu.memory_space<vmem>>
    %dma_start3A_33 = arith.constant 0 : i32
    %dma_start3A_34 = arith.constant 0 : i32
    %dma_start3A_35 = tpu.memref_slice %arg2[%dma_start3A_33, %dma_start3A_34] : memref<10000x128xf32, #tpu.memory_space<hbm>> -> memref<10000x128xf32, #tpu.memory_space<hbm>>
    tpu.enqueue_indirect_dma source(%dma_start3A_35 : memref<10000x128xf32, #tpu.memory_space<hbm>>) target(%arg14 : memref<16x128xf32, #tpu.memory_space<vmem>>) offsets(%dma_start3A_32 : memref<16xi32, #tpu.memory_space<vmem>>) semaphore(%arg15 : memref<!tpu.dma_semaphore, #tpu.memory_space<semaphore_mem>>)
    %dma_wait3A_36 = arith.constant 9984 : i32
    %dma_wait3A_37 = tpu.memref_slice %arg8[%dma_wait3A_36] : memref<10000xi32, #tpu.memory_space<vmem>> -> memref<16xi32, #tpu.memory_space<vmem>>
    %dma_wait3A_38 = arith.constant 0 : i32
    %dma_wait3A_39 = arith.constant 0 : i32
    %dma_wait3A_40 = tpu.memref_slice %arg2[%dma_wait3A_38, %dma_wait3A_39] : memref<10000x128xf32, #tpu.memory_space<hbm>> -> memref<10000x128xf32, #tpu.memory_space<hbm>>
    tpu.wait_indirect_dma semaphore(%arg15 : memref<!tpu.dma_semaphore, #tpu.memory_space<semaphore_mem>>) src(%dma_wait3A_40 : memref<10000x128xf32, #tpu.memory_space<hbm>>) dst(%arg14 : memref<16x128xf32, #tpu.memory_space<vmem>>)
    "tpu.region"() ({
      %run_scoped3A = tpu.sem_alloc : memref<!tpu.dma_semaphore, #tpu.memory_space<semaphore_mem>>
      %dma_start3A_52 = arith.constant 0 : i32
      %dma_start3A_53 = arith.constant 0 : i32
      %dma_start3A_54 = tpu.memref_slice %arg7[%dma_start3A_52, %dma_start3A_53] : memref<10000x128xf32, #tpu.memory_space<vmem_shared>> -> memref<10000x128xf32, #tpu.memory_space<vmem_shared>>
      tpu.enqueue_indirect_dma source(%arg14 : memref<16x128xf32, #tpu.memory_space<vmem>>) target(%dma_start3A_54 : memref<10000x128xf32, #tpu.memory_space<vmem_shared>>) offsets(%arg13 : memref<16xi32, #tpu.memory_space<vmem>>) semaphore(%run_scoped3A : memref<!tpu.dma_semaphore, #tpu.memory_space<semaphore_mem>>) {add = true}
      %dma_wait3A_55 = arith.constant 0 : i32
      %dma_wait3A_56 = arith.constant 0 : i32
      %dma_wait3A_57 = tpu.memref_slice %arg7[%dma_wait3A_55, %dma_wait3A_56] : memref<10000x128xf32, #tpu.memory_space<vmem_shared>> -> memref<10000x128xf32, #tpu.memory_space<vmem_shared>>
      tpu.wait_indirect_dma semaphore(%run_scoped3A : memref<!tpu.dma_semaphore, #tpu.memory_space<semaphore_mem>>) src(%arg14 : memref<16x128xf32, #tpu.memory_space<vmem>>) dst(%dma_wait3A_57 : memref<10000x128xf32, #tpu.memory_space<vmem_shared>>)
      tpu.yield
    }) : () -> ()
    %barrier3A_41 = arith.constant 0 : index
    tpu.barrier barrier_id(%barrier3A_41)
    %lt3A_42 = arith.constant 15 : i32
    %lt3A_43 = arith.cmpi slt, %arg1, %lt3A_42 : i32
    %convert_element_type3A_44 = arith.extui %lt3A_43 : i1 to i32
    %cond3A_45 = arith.constant 0 : i32
    %cond3A_46 = arith.cmpi ne, %convert_element_type3A_44, %cond3A_45 : i32
    scf.if %cond3A_46 {
      "tpu.region"() ({
        %run_scoped3A = tpu.sem_alloc : memref<!tpu.dma_semaphore, #tpu.memory_space<semaphore_mem>>
        %dma_start3A_52 = arith.constant 0 : i32
        %dma_start3A_53 = tpu.memref_slice %arg6[%arg0, %mul3A_4, %dma_start3A_52] : memref<2x10000x128xf32, #tpu.memory_space<hbm>> -> memref<1x632x128xf32, #tpu.memory_space<hbm>>
        %dma_start3A_54 = tpu.memref_squeeze %dma_start3A_53 : memref<1x632x128xf32, #tpu.memory_space<hbm>> -> memref<632x128xf32, #tpu.memory_space<hbm>>
        %dma_start3A_55 = arith.constant 0 : i32
        %dma_start3A_56 = tpu.memref_slice %arg7[%mul3A_4, %dma_start3A_55] : memref<10000x128xf32, #tpu.memory_space<vmem_shared>> -> memref<632x128xf32, #tpu.memory_space<vmem_shared>>
        tpu.enqueue_dma source(%dma_start3A_56 : memref<632x128xf32, #tpu.memory_space<vmem_shared>>) target(%dma_start3A_54 : memref<632x128xf32, #tpu.memory_space<hbm>>) target_semaphore(%run_scoped3A : memref<!tpu.dma_semaphore, #tpu.memory_space<semaphore_mem>>)
        %dma_wait3A_57 = arith.constant 0 : i32
        %dma_wait3A_58 = tpu.memref_slice %arg6[%arg0, %mul3A_4, %dma_wait3A_57] : memref<2x10000x128xf32, #tpu.memory_space<hbm>> -> memref<1x632x128xf32, #tpu.memory_space<hbm>>
        %dma_wait3A_59 = tpu.memref_squeeze %dma_wait3A_58 : memref<1x632x128xf32, #tpu.memory_space<hbm>> -> memref<632x128xf32, #tpu.memory_space<hbm>>
        %dma_wait3A_60 = arith.constant 0 : i32
        %dma_wait3A_61 = tpu.memref_slice %arg7[%mul3A_4, %dma_wait3A_60] : memref<10000x128xf32, #tpu.memory_space<vmem_shared>> -> memref<632x128xf32, #tpu.memory_space<vmem_shared>>
        tpu.wait_dma2 semaphore(%run_scoped3A : memref<!tpu.dma_semaphore, #tpu.memory_space<semaphore_mem>>) src(%dma_wait3A_61 : memref<632x128xf32, #tpu.memory_space<vmem_shared>>) dst(%dma_wait3A_59 : memref<632x128xf32, #tpu.memory_space<hbm>>)
        tpu.yield
      }) : () -> ()
    } else {
    }
    %eq3A_47 = arith.constant 15 : i32
    %eq3A_48 = arith.cmpi eq, %arg1, %eq3A_47 : i32
    %convert_element_type3A_49 = arith.extui %eq3A_48 : i1 to i32
    %cond3A_50 = arith.constant 0 : i32
    %cond3A_51 = arith.cmpi ne, %convert_element_type3A_49, %cond3A_50 : i32
    scf.if %cond3A_51 {
      "tpu.region"() ({
        %run_scoped3A = tpu.sem_alloc : memref<!tpu.dma_semaphore, #tpu.memory_space<semaphore_mem>>
        %dma_start3A_52 = arith.constant 0 : i32
        %dma_start3A_53 = tpu.memref_slice %arg6[%arg0, %mul3A_4, %dma_start3A_52] : memref<2x10000x128xf32, #tpu.memory_space<hbm>> -> memref<1x520x128xf32, #tpu.memory_space<hbm>>
        %dma_start3A_54 = tpu.memref_squeeze %dma_start3A_53 : memref<1x520x128xf32, #tpu.memory_space<hbm>> -> memref<520x128xf32, #tpu.memory_space<hbm>>
        %dma_start3A_55 = arith.constant 0 : i32
        %dma_start3A_56 = tpu.memref_slice %arg7[%mul3A_4, %dma_start3A_55] : memref<10000x128xf32, #tpu.memory_space<vmem_shared>> -> memref<520x128xf32, #tpu.memory_space<vmem_shared>>
        tpu.enqueue_dma source(%dma_start3A_56 : memref<520x128xf32, #tpu.memory_space<vmem_shared>>) target(%dma_start3A_54 : memref<520x128xf32, #tpu.memory_space<hbm>>) target_semaphore(%run_scoped3A : memref<!tpu.dma_semaphore, #tpu.memory_space<semaphore_mem>>)
        %dma_wait3A_57 = arith.constant 0 : i32
        %dma_wait3A_58 = tpu.memref_slice %arg6[%arg0, %mul3A_4, %dma_wait3A_57] : memref<2x10000x128xf32, #tpu.memory_space<hbm>> -> memref<1x520x128xf32, #tpu.memory_space<hbm>>
        %dma_wait3A_59 = tpu.memref_squeeze %dma_wait3A_58 : memref<1x520x128xf32, #tpu.memory_space<hbm>> -> memref<520x128xf32, #tpu.memory_space<hbm>>
        %dma_wait3A_60 = arith.constant 0 : i32
        %dma_wait3A_61 = tpu.memref_slice %arg7[%mul3A_4, %dma_wait3A_60] : memref<10000x128xf32, #tpu.memory_space<vmem_shared>> -> memref<520x128xf32, #tpu.memory_space<vmem_shared>>
        tpu.wait_dma2 semaphore(%run_scoped3A : memref<!tpu.dma_semaphore, #tpu.memory_space<semaphore_mem>>) src(%dma_wait3A_61 : memref<520x128xf32, #tpu.memory_space<vmem_shared>>) dst(%dma_wait3A_59 : memref<520x128xf32, #tpu.memory_space<hbm>>)
        tpu.yield
      }) : () -> ()
    } else {
    }
    return
  }
}

#map = affine_map<(d0, d1) -> (0, 0)>
#map1 = affine_map<(d0, d1) -> (0)>
#map2 = affine_map<(d0, d1) -> (0, 0, 0)>
module attributes {stable_mosaic.version = 14 : i64} {
  func.func @agg_kernel(%arg0: i32, %arg1: i32, %arg2: memref<10000x128xf32, #tpu.memory_space<hbm>>, %arg3: memref<320000xi32, #tpu.memory_space<hbm>>, %arg4: memref<320000xi32, #tpu.memory_space<hbm>>, %arg5: memref<632x128xf32, #tpu.memory_space<hbm>>, %arg6: memref<2x10000x128xf32, #tpu.memory_space<hbm>>, %arg7: memref<10000x128xf32, #tpu.memory_space<vmem_shared>>, %arg8: memref<10000xi32, #tpu.memory_space<vmem>>, %arg9: memref<128xi32, #tpu.memory_space<vmem>>, %arg10: memref<128xi32, #tpu.memory_space<vmem>>, %arg11: memref<128x128xf32, #tpu.memory_space<vmem>>, %arg12: memref<128x128xf32, #tpu.memory_space<vmem>>, %arg13: memref<16xi32, #tpu.memory_space<vmem>>, %arg14: memref<16x128xf32, #tpu.memory_space<vmem>>, %arg15: memref<!tpu.dma_semaphore, #tpu.memory_space<semaphore_mem>>, %arg16: memref<!tpu.dma_semaphore, #tpu.memory_space<semaphore_mem>>, %arg17: memref<!tpu.dma_semaphore, #tpu.memory_space<semaphore_mem>>) attributes {dimension_semantics = [#tpu.dimension_semantics<core_parallel>, #tpu.dimension_semantics<subcore_parallel>], iteration_bounds = array<i64: 2, 16>, scalar_prefetch = 0 : i64, scratch_operands = 11 : i64, tpu.core_type = #tpu.core_type<sc_vector_subcore>, window_params = [{transform_indices = #map}, {transform_indices = #map1}, {transform_indices = #map1}, {transform_indices = #map}, {transform_indices = #map2}]} {
    %mul3A = arith.constant 160000 : i32
    %mul3A_0 = arith.muli %arg0, %mul3A : i32
    %mul3A_1 = arith.constant 10000 : i32
    %mul3A_2 = arith.muli %arg1, %mul3A_1 : i32
    %add3A = arith.addi %mul3A_0, %mul3A_2 : i32
    %mul3A_3 = arith.constant 632 : i32
    %mul3A_4 = arith.muli %arg1, %mul3A_3 : i32
    %dma_start3A = tpu.memref_slice %arg3[%add3A] : memref<320000xi32, #tpu.memory_space<hbm>> -> memref<10000xi32, #tpu.memory_space<hbm>>
    %dma_start3A_5 = tpu.memref_slice %arg3[%add3A] : memref<320000xi32, #tpu.memory_space<hbm>> -> memref<10000xi32, #tpu.memory_space<hbm>>
    tpu.enqueue_dma source(%dma_start3A_5 : memref<10000xi32, #tpu.memory_space<hbm>>) target(%arg8 : memref<10000xi32, #tpu.memory_space<vmem>>) target_semaphore(%arg16 : memref<!tpu.dma_semaphore, #tpu.memory_space<semaphore_mem>>)
    %lt3A = arith.constant 15 : i32
    %lt3A_6 = arith.cmpi slt, %arg1, %lt3A : i32
    %convert_element_type3A = arith.extui %lt3A_6 : i1 to i32
    %cond3A = arith.constant 0 : i32
    %cond3A_7 = arith.cmpi ne, %convert_element_type3A, %cond3A : i32
    scf.if %cond3A_7 {
      "tpu.region"() ({
        %run_scoped3A = tpu.sem_alloc : memref<!tpu.dma_semaphore, #tpu.memory_space<semaphore_mem>>
        %dma_start3A_52 = arith.constant 0 : i32
        %dma_start3A_53 = tpu.memref_slice %arg7[%mul3A_4, %dma_start3A_52] : memref<10000x128xf32, #tpu.memory_space<vmem_shared>> -> memref<632x128xf32, #tpu.memory_space<vmem_shared>>
        %dma_start3A_54 = arith.constant 0 : i32
        %dma_start3A_55 = arith.constant 0 : i32
        %dma_start3A_56 = tpu.memref_slice %arg5[%dma_start3A_54, %dma_start3A_55] : memref<632x128xf32, #tpu.memory_space<hbm>> -> memref<632x128xf32, #tpu.memory_space<hbm>>
        tpu.enqueue_dma source(%dma_start3A_56 : memref<632x128xf32, #tpu.memory_space<hbm>>) target(%dma_start3A_53 : memref<632x128xf32, #tpu.memory_space<vmem_shared>>) target_semaphore(%run_scoped3A : memref<!tpu.dma_semaphore, #tpu.memory_space<semaphore_mem>>)
        %dma_wait3A_57 = arith.constant 0 : i32
        %dma_wait3A_58 = tpu.memref_slice %arg7[%mul3A_4, %dma_wait3A_57] : memref<10000x128xf32, #tpu.memory_space<vmem_shared>> -> memref<632x128xf32, #tpu.memory_space<vmem_shared>>
        %dma_wait3A_59 = arith.constant 0 : i32
        %dma_wait3A_60 = arith.constant 0 : i32
        %dma_wait3A_61 = tpu.memref_slice %arg5[%dma_wait3A_59, %dma_wait3A_60] : memref<632x128xf32, #tpu.memory_space<hbm>> -> memref<632x128xf32, #tpu.memory_space<hbm>>
        tpu.wait_dma2 semaphore(%run_scoped3A : memref<!tpu.dma_semaphore, #tpu.memory_space<semaphore_mem>>) src(%dma_wait3A_61 : memref<632x128xf32, #tpu.memory_space<hbm>>) dst(%dma_wait3A_58 : memref<632x128xf32, #tpu.memory_space<vmem_shared>>)
        tpu.yield
      }) : () -> ()
    } else {
    }
    %eq3A = arith.constant 15 : i32
    %eq3A_8 = arith.cmpi eq, %arg1, %eq3A : i32
    %convert_element_type3A_9 = arith.extui %eq3A_8 : i1 to i32
    %cond3A_10 = arith.constant 0 : i32
    %cond3A_11 = arith.cmpi ne, %convert_element_type3A_9, %cond3A_10 : i32
    scf.if %cond3A_11 {
      "tpu.region"() ({
        %run_scoped3A = tpu.sem_alloc : memref<!tpu.dma_semaphore, #tpu.memory_space<semaphore_mem>>
        %dma_start3A_52 = arith.constant 0 : i32
        %dma_start3A_53 = tpu.memref_slice %arg7[%mul3A_4, %dma_start3A_52] : memref<10000x128xf32, #tpu.memory_space<vmem_shared>> -> memref<520x128xf32, #tpu.memory_space<vmem_shared>>
        %dma_start3A_54 = arith.constant 0 : i32
        %dma_start3A_55 = arith.constant 0 : i32
        %dma_start3A_56 = tpu.memref_slice %arg5[%dma_start3A_54, %dma_start3A_55] : memref<632x128xf32, #tpu.memory_space<hbm>> -> memref<520x128xf32, #tpu.memory_space<hbm>>
        tpu.enqueue_dma source(%dma_start3A_56 : memref<520x128xf32, #tpu.memory_space<hbm>>) target(%dma_start3A_53 : memref<520x128xf32, #tpu.memory_space<vmem_shared>>) target_semaphore(%run_scoped3A : memref<!tpu.dma_semaphore, #tpu.memory_space<semaphore_mem>>)
        %dma_wait3A_57 = arith.constant 0 : i32
        %dma_wait3A_58 = tpu.memref_slice %arg7[%mul3A_4, %dma_wait3A_57] : memref<10000x128xf32, #tpu.memory_space<vmem_shared>> -> memref<520x128xf32, #tpu.memory_space<vmem_shared>>
        %dma_wait3A_59 = arith.constant 0 : i32
        %dma_wait3A_60 = arith.constant 0 : i32
        %dma_wait3A_61 = tpu.memref_slice %arg5[%dma_wait3A_59, %dma_wait3A_60] : memref<632x128xf32, #tpu.memory_space<hbm>> -> memref<520x128xf32, #tpu.memory_space<hbm>>
        tpu.wait_dma2 semaphore(%run_scoped3A : memref<!tpu.dma_semaphore, #tpu.memory_space<semaphore_mem>>) src(%dma_wait3A_61 : memref<520x128xf32, #tpu.memory_space<hbm>>) dst(%dma_wait3A_58 : memref<520x128xf32, #tpu.memory_space<vmem_shared>>)
        tpu.yield
      }) : () -> ()
    } else {
    }
    %dma_wait3A = tpu.memref_slice %arg3[%add3A] : memref<320000xi32, #tpu.memory_space<hbm>> -> memref<10000xi32, #tpu.memory_space<hbm>>
    %dma_wait3A_12 = tpu.memref_slice %arg3[%add3A] : memref<320000xi32, #tpu.memory_space<hbm>> -> memref<10000xi32, #tpu.memory_space<hbm>>
    tpu.wait_dma2 semaphore(%arg16 : memref<!tpu.dma_semaphore, #tpu.memory_space<semaphore_mem>>) src(%dma_wait3A_12 : memref<10000xi32, #tpu.memory_space<hbm>>) dst(%arg8 : memref<10000xi32, #tpu.memory_space<vmem>>)
    %barrier3A = arith.constant 0 : index
    tpu.barrier barrier_id(%barrier3A)
    %scan3A = arith.constant 0 : i32
    %scan3A_13 = arith.constant 39 : i32
    %scan3A_14 = arith.addi %scan3A, %scan3A_13 : i32
    %scan3A_15 = arith.constant 1 : i32
    scf.for %scan3A_52 = %scan3A to %scan3A_14 step %scan3A_15  : i32 {
      %mul3A_53 = arith.constant 1 : i32
      %mul3A_54 = arith.muli %scan3A_52, %mul3A_53 : i32
      %add3A_55 = arith.constant 0 : i32
      %add3A_56 = arith.addi %add3A_55, %mul3A_54 : i32
      %mul3A_57 = arith.constant 256 : i32
      %mul3A_58 = arith.muli %add3A_56, %mul3A_57 : i32
      %add3A_59 = arith.addi %add3A, %mul3A_58 : i32
      %mul3A_60 = arith.constant 256 : i32
      %mul3A_61 = arith.muli %add3A_56, %mul3A_60 : i32
      %gt3A = arith.constant 0 : i32
      %gt3A_62 = arith.cmpi sgt, %add3A_56, %gt3A : i32
      %convert_element_type3A_63 = arith.extui %gt3A_62 : i1 to i32
      %cond3A_64 = arith.constant 0 : i32
      %cond3A_65 = arith.cmpi ne, %convert_element_type3A_63, %cond3A_64 : i32
      scf.if %cond3A_65 {
        %dma_wait3A_109 = arith.constant 0 : i32
        %dma_wait3A_110 = arith.constant 0 : i32
        %dma_wait3A_111 = tpu.memref_slice %arg2[%dma_wait3A_109, %dma_wait3A_110] : memref<10000x128xf32, #tpu.memory_space<hbm>> -> memref<128x128xf32, #tpu.memory_space<hbm>>
        %dma_wait3A_112 = arith.constant 0 : i32
        %dma_wait3A_113 = arith.constant 0 : i32
        %dma_wait3A_114 = tpu.memref_slice %arg2[%dma_wait3A_112, %dma_wait3A_113] : memref<10000x128xf32, #tpu.memory_space<hbm>> -> memref<128x128xf32, #tpu.memory_space<hbm>>
        tpu.wait_dma2 semaphore(%arg17 : memref<!tpu.dma_semaphore, #tpu.memory_space<semaphore_mem>>) src(%dma_wait3A_114 : memref<128x128xf32, #tpu.memory_space<hbm>>) dst(%arg11 : memref<128x128xf32, #tpu.memory_space<vmem>>)
      } else {
      }
      %add3A_66 = arith.constant 0 : i32
      %add3A_67 = arith.addi %add3A_59, %add3A_66 : i32
      %dma_start3A_68 = tpu.memref_slice %arg4[%add3A_67] : memref<320000xi32, #tpu.memory_space<hbm>> -> memref<128xi32, #tpu.memory_space<hbm>>
      %dma_start3A_69 = tpu.memref_slice %arg4[%add3A_67] : memref<320000xi32, #tpu.memory_space<hbm>> -> memref<128xi32, #tpu.memory_space<hbm>>
      tpu.enqueue_dma source(%dma_start3A_69 : memref<128xi32, #tpu.memory_space<hbm>>) target(%arg9 : memref<128xi32, #tpu.memory_space<vmem>>) target_semaphore(%arg16 : memref<!tpu.dma_semaphore, #tpu.memory_space<semaphore_mem>>)
      %add3A_70 = arith.constant 0 : i32
      %add3A_71 = arith.addi %mul3A_61, %add3A_70 : i32
      %dma_start3A_72 = tpu.memref_slice %arg8[%add3A_71] : memref<10000xi32, #tpu.memory_space<vmem>> -> memref<128xi32, #tpu.memory_space<vmem>>
      %dma_start3A_73 = arith.constant 0 : i32
      %dma_start3A_74 = arith.constant 0 : i32
      %dma_start3A_75 = tpu.memref_slice %arg2[%dma_start3A_73, %dma_start3A_74] : memref<10000x128xf32, #tpu.memory_space<hbm>> -> memref<10000x128xf32, #tpu.memory_space<hbm>>
      tpu.enqueue_indirect_dma source(%dma_start3A_75 : memref<10000x128xf32, #tpu.memory_space<hbm>>) target(%arg11 : memref<128x128xf32, #tpu.memory_space<vmem>>) offsets(%dma_start3A_72 : memref<128xi32, #tpu.memory_space<vmem>>) semaphore(%arg15 : memref<!tpu.dma_semaphore, #tpu.memory_space<semaphore_mem>>)
      %gt3A_76 = arith.constant 0 : i32
      %gt3A_77 = arith.cmpi sgt, %add3A_56, %gt3A_76 : i32
      %convert_element_type3A_78 = arith.extui %gt3A_77 : i1 to i32
      %cond3A_79 = arith.constant 0 : i32
      %cond3A_80 = arith.cmpi ne, %convert_element_type3A_78, %cond3A_79 : i32
      scf.if %cond3A_80 {
        %dma_wait3A_109 = arith.constant 0 : i32
        %dma_wait3A_110 = arith.constant 0 : i32
        %dma_wait3A_111 = tpu.memref_slice %arg2[%dma_wait3A_109, %dma_wait3A_110] : memref<10000x128xf32, #tpu.memory_space<hbm>> -> memref<128x128xf32, #tpu.memory_space<hbm>>
        %dma_wait3A_112 = arith.constant 0 : i32
        %dma_wait3A_113 = arith.constant 0 : i32
        %dma_wait3A_114 = tpu.memref_slice %arg2[%dma_wait3A_112, %dma_wait3A_113] : memref<10000x128xf32, #tpu.memory_space<hbm>> -> memref<128x128xf32, #tpu.memory_space<hbm>>
        tpu.wait_dma2 semaphore(%arg17 : memref<!tpu.dma_semaphore, #tpu.memory_space<semaphore_mem>>) src(%dma_wait3A_114 : memref<128x128xf32, #tpu.memory_space<hbm>>) dst(%arg12 : memref<128x128xf32, #tpu.memory_space<vmem>>)
      } else {
      }
      %add3A_81 = arith.constant 128 : i32
      %add3A_82 = arith.addi %add3A_59, %add3A_81 : i32
      %dma_start3A_83 = tpu.memref_slice %arg4[%add3A_82] : memref<320000xi32, #tpu.memory_space<hbm>> -> memref<128xi32, #tpu.memory_space<hbm>>
      %dma_start3A_84 = tpu.memref_slice %arg4[%add3A_82] : memref<320000xi32, #tpu.memory_space<hbm>> -> memref<128xi32, #tpu.memory_space<hbm>>
      tpu.enqueue_dma source(%dma_start3A_84 : memref<128xi32, #tpu.memory_space<hbm>>) target(%arg10 : memref<128xi32, #tpu.memory_space<vmem>>) target_semaphore(%arg16 : memref<!tpu.dma_semaphore, #tpu.memory_space<semaphore_mem>>)
      %add3A_85 = arith.constant 128 : i32
      %add3A_86 = arith.addi %mul3A_61, %add3A_85 : i32
      %dma_start3A_87 = tpu.memref_slice %arg8[%add3A_86] : memref<10000xi32, #tpu.memory_space<vmem>> -> memref<128xi32, #tpu.memory_space<vmem>>
      %dma_start3A_88 = arith.constant 0 : i32
      %dma_start3A_89 = arith.constant 0 : i32
      %dma_start3A_90 = tpu.memref_slice %arg2[%dma_start3A_88, %dma_start3A_89] : memref<10000x128xf32, #tpu.memory_space<hbm>> -> memref<10000x128xf32, #tpu.memory_space<hbm>>
      tpu.enqueue_indirect_dma source(%dma_start3A_90 : memref<10000x128xf32, #tpu.memory_space<hbm>>) target(%arg12 : memref<128x128xf32, #tpu.memory_space<vmem>>) offsets(%dma_start3A_87 : memref<128xi32, #tpu.memory_space<vmem>>) semaphore(%arg15 : memref<!tpu.dma_semaphore, #tpu.memory_space<semaphore_mem>>)
      %dma_wait3A_91 = tpu.memref_slice %arg4[%add3A_67] : memref<320000xi32, #tpu.memory_space<hbm>> -> memref<128xi32, #tpu.memory_space<hbm>>
      %dma_wait3A_92 = tpu.memref_slice %arg4[%add3A_67] : memref<320000xi32, #tpu.memory_space<hbm>> -> memref<128xi32, #tpu.memory_space<hbm>>
      tpu.wait_dma2 semaphore(%arg16 : memref<!tpu.dma_semaphore, #tpu.memory_space<semaphore_mem>>) src(%dma_wait3A_92 : memref<128xi32, #tpu.memory_space<hbm>>) dst(%arg9 : memref<128xi32, #tpu.memory_space<vmem>>)
      %dma_wait3A_93 = tpu.memref_slice %arg8[%add3A_71] : memref<10000xi32, #tpu.memory_space<vmem>> -> memref<128xi32, #tpu.memory_space<vmem>>
      %dma_wait3A_94 = arith.constant 0 : i32
      %dma_wait3A_95 = arith.constant 0 : i32
      %dma_wait3A_96 = tpu.memref_slice %arg2[%dma_wait3A_94, %dma_wait3A_95] : memref<10000x128xf32, #tpu.memory_space<hbm>> -> memref<10000x128xf32, #tpu.memory_space<hbm>>
      tpu.wait_indirect_dma semaphore(%arg15 : memref<!tpu.dma_semaphore, #tpu.memory_space<semaphore_mem>>) src(%dma_wait3A_96 : memref<10000x128xf32, #tpu.memory_space<hbm>>) dst(%arg11 : memref<128x128xf32, #tpu.memory_space<vmem>>)
      %dma_start3A_97 = arith.constant 0 : i32
      %dma_start3A_98 = arith.constant 0 : i32
      %dma_start3A_99 = tpu.memref_slice %arg7[%dma_start3A_97, %dma_start3A_98] : memref<10000x128xf32, #tpu.memory_space<vmem_shared>> -> memref<10000x128xf32, #tpu.memory_space<vmem_shared>>
      tpu.enqueue_indirect_dma source(%arg11 : memref<128x128xf32, #tpu.memory_space<vmem>>) target(%dma_start3A_99 : memref<10000x128xf32, #tpu.memory_space<vmem_shared>>) offsets(%arg9 : memref<128xi32, #tpu.memory_space<vmem>>) semaphore(%arg17 : memref<!tpu.dma_semaphore, #tpu.memory_space<semaphore_mem>>) {add = true}
      %dma_wait3A_100 = tpu.memref_slice %arg4[%add3A_82] : memref<320000xi32, #tpu.memory_space<hbm>> -> memref<128xi32, #tpu.memory_space<hbm>>
      %dma_wait3A_101 = tpu.memref_slice %arg4[%add3A_82] : memref<320000xi32, #tpu.memory_space<hbm>> -> memref<128xi32, #tpu.memory_space<hbm>>
      tpu.wait_dma2 semaphore(%arg16 : memref<!tpu.dma_semaphore, #tpu.memory_space<semaphore_mem>>) src(%dma_wait3A_101 : memref<128xi32, #tpu.memory_space<hbm>>) dst(%arg10 : memref<128xi32, #tpu.memory_space<vmem>>)
      %dma_wait3A_102 = tpu.memref_slice %arg8[%add3A_86] : memref<10000xi32, #tpu.memory_space<vmem>> -> memref<128xi32, #tpu.memory_space<vmem>>
      %dma_wait3A_103 = arith.constant 0 : i32
      %dma_wait3A_104 = arith.constant 0 : i32
      %dma_wait3A_105 = tpu.memref_slice %arg2[%dma_wait3A_103, %dma_wait3A_104] : memref<10000x128xf32, #tpu.memory_space<hbm>> -> memref<10000x128xf32, #tpu.memory_space<hbm>>
      tpu.wait_indirect_dma semaphore(%arg15 : memref<!tpu.dma_semaphore, #tpu.memory_space<semaphore_mem>>) src(%dma_wait3A_105 : memref<10000x128xf32, #tpu.memory_space<hbm>>) dst(%arg12 : memref<128x128xf32, #tpu.memory_space<vmem>>)
      %dma_start3A_106 = arith.constant 0 : i32
      %dma_start3A_107 = arith.constant 0 : i32
      %dma_start3A_108 = tpu.memref_slice %arg7[%dma_start3A_106, %dma_start3A_107] : memref<10000x128xf32, #tpu.memory_space<vmem_shared>> -> memref<10000x128xf32, #tpu.memory_space<vmem_shared>>
      tpu.enqueue_indirect_dma source(%arg12 : memref<128x128xf32, #tpu.memory_space<vmem>>) target(%dma_start3A_108 : memref<10000x128xf32, #tpu.memory_space<vmem_shared>>) offsets(%arg10 : memref<128xi32, #tpu.memory_space<vmem>>) semaphore(%arg17 : memref<!tpu.dma_semaphore, #tpu.memory_space<semaphore_mem>>) {add = true}
    }
    %scan3A_16 = arith.constant 39 : i32
    %dma_wait3A_17 = arith.constant 0 : i32
    %dma_wait3A_18 = arith.constant 0 : i32
    %dma_wait3A_19 = tpu.memref_slice %arg2[%dma_wait3A_17, %dma_wait3A_18] : memref<10000x128xf32, #tpu.memory_space<hbm>> -> memref<128x128xf32, #tpu.memory_space<hbm>>
    %dma_wait3A_20 = arith.constant 0 : i32
    %dma_wait3A_21 = arith.constant 0 : i32
    %dma_wait3A_22 = tpu.memref_slice %arg2[%dma_wait3A_20, %dma_wait3A_21] : memref<10000x128xf32, #tpu.memory_space<hbm>> -> memref<128x128xf32, #tpu.memory_space<hbm>>
    tpu.wait_dma2 semaphore(%arg17 : memref<!tpu.dma_semaphore, #tpu.memory_space<semaphore_mem>>) src(%dma_wait3A_22 : memref<128x128xf32, #tpu.memory_space<hbm>>) dst(%arg11 : memref<128x128xf32, #tpu.memory_space<vmem>>)
    %dma_wait3A_23 = arith.constant 0 : i32
    %dma_wait3A_24 = arith.constant 0 : i32
    %dma_wait3A_25 = tpu.memref_slice %arg2[%dma_wait3A_23, %dma_wait3A_24] : memref<10000x128xf32, #tpu.memory_space<hbm>> -> memref<128x128xf32, #tpu.memory_space<hbm>>
    %dma_wait3A_26 = arith.constant 0 : i32
    %dma_wait3A_27 = arith.constant 0 : i32
    %dma_wait3A_28 = tpu.memref_slice %arg2[%dma_wait3A_26, %dma_wait3A_27] : memref<10000x128xf32, #tpu.memory_space<hbm>> -> memref<128x128xf32, #tpu.memory_space<hbm>>
    tpu.wait_dma2 semaphore(%arg17 : memref<!tpu.dma_semaphore, #tpu.memory_space<semaphore_mem>>) src(%dma_wait3A_28 : memref<128x128xf32, #tpu.memory_space<hbm>>) dst(%arg12 : memref<128x128xf32, #tpu.memory_space<vmem>>)
    %add3A_29 = arith.constant 9984 : i32
    %add3A_30 = arith.addi %add3A, %add3A_29 : i32
    "tpu.region"() ({
      %run_scoped3A = tpu.sem_alloc : memref<!tpu.dma_semaphore, #tpu.memory_space<semaphore_mem>>
      %dma_start3A_52 = tpu.memref_slice %arg4[%add3A_30] : memref<320000xi32, #tpu.memory_space<hbm>> -> memref<16xi32, #tpu.memory_space<hbm>>
      %dma_start3A_53 = tpu.memref_slice %arg4[%add3A_30] : memref<320000xi32, #tpu.memory_space<hbm>> -> memref<16xi32, #tpu.memory_space<hbm>>
      tpu.enqueue_dma source(%dma_start3A_53 : memref<16xi32, #tpu.memory_space<hbm>>) target(%arg13 : memref<16xi32, #tpu.memory_space<vmem>>) target_semaphore(%run_scoped3A : memref<!tpu.dma_semaphore, #tpu.memory_space<semaphore_mem>>)
      %dma_wait3A_54 = tpu.memref_slice %arg4[%add3A_30] : memref<320000xi32, #tpu.memory_space<hbm>> -> memref<16xi32, #tpu.memory_space<hbm>>
      %dma_wait3A_55 = tpu.memref_slice %arg4[%add3A_30] : memref<320000xi32, #tpu.memory_space<hbm>> -> memref<16xi32, #tpu.memory_space<hbm>>
      tpu.wait_dma2 semaphore(%run_scoped3A : memref<!tpu.dma_semaphore, #tpu.memory_space<semaphore_mem>>) src(%dma_wait3A_55 : memref<16xi32, #tpu.memory_space<hbm>>) dst(%arg13 : memref<16xi32, #tpu.memory_space<vmem>>)
      tpu.yield
    }) : () -> ()
    %dma_start3A_31 = arith.constant 9984 : i32
    %dma_start3A_32 = tpu.memref_slice %arg8[%dma_start3A_31] : memref<10000xi32, #tpu.memory_space<vmem>> -> memref<16xi32, #tpu.memory_space<vmem>>
    %dma_start3A_33 = arith.constant 0 : i32
    %dma_start3A_34 = arith.constant 0 : i32
    %dma_start3A_35 = tpu.memref_slice %arg2[%dma_start3A_33, %dma_start3A_34] : memref<10000x128xf32, #tpu.memory_space<hbm>> -> memref<10000x128xf32, #tpu.memory_space<hbm>>
    tpu.enqueue_indirect_dma source(%dma_start3A_35 : memref<10000x128xf32, #tpu.memory_space<hbm>>) target(%arg14 : memref<16x128xf32, #tpu.memory_space<vmem>>) offsets(%dma_start3A_32 : memref<16xi32, #tpu.memory_space<vmem>>) semaphore(%arg15 : memref<!tpu.dma_semaphore, #tpu.memory_space<semaphore_mem>>)
    %dma_wait3A_36 = arith.constant 9984 : i32
    %dma_wait3A_37 = tpu.memref_slice %arg8[%dma_wait3A_36] : memref<10000xi32, #tpu.memory_space<vmem>> -> memref<16xi32, #tpu.memory_space<vmem>>
    %dma_wait3A_38 = arith.constant 0 : i32
    %dma_wait3A_39 = arith.constant 0 : i32
    %dma_wait3A_40 = tpu.memref_slice %arg2[%dma_wait3A_38, %dma_wait3A_39] : memref<10000x128xf32, #tpu.memory_space<hbm>> -> memref<10000x128xf32, #tpu.memory_space<hbm>>
    tpu.wait_indirect_dma semaphore(%arg15 : memref<!tpu.dma_semaphore, #tpu.memory_space<semaphore_mem>>) src(%dma_wait3A_40 : memref<10000x128xf32, #tpu.memory_space<hbm>>) dst(%arg14 : memref<16x128xf32, #tpu.memory_space<vmem>>)
    "tpu.region"() ({
      %run_scoped3A = tpu.sem_alloc : memref<!tpu.dma_semaphore, #tpu.memory_space<semaphore_mem>>
      %dma_start3A_52 = arith.constant 0 : i32
      %dma_start3A_53 = arith.constant 0 : i32
      %dma_start3A_54 = tpu.memref_slice %arg7[%dma_start3A_52, %dma_start3A_53] : memref<10000x128xf32, #tpu.memory_space<vmem_shared>> -> memref<10000x128xf32, #tpu.memory_space<vmem_shared>>
      tpu.enqueue_indirect_dma source(%arg14 : memref<16x128xf32, #tpu.memory_space<vmem>>) target(%dma_start3A_54 : memref<10000x128xf32, #tpu.memory_space<vmem_shared>>) offsets(%arg13 : memref<16xi32, #tpu.memory_space<vmem>>) semaphore(%run_scoped3A : memref<!tpu.dma_semaphore, #tpu.memory_space<semaphore_mem>>) {add = true}
      %dma_wait3A_55 = arith.constant 0 : i32
      %dma_wait3A_56 = arith.constant 0 : i32
      %dma_wait3A_57 = tpu.memref_slice %arg7[%dma_wait3A_55, %dma_wait3A_56] : memref<10000x128xf32, #tpu.memory_space<vmem_shared>> -> memref<10000x128xf32, #tpu.memory_space<vmem_shared>>
      tpu.wait_indirect_dma semaphore(%run_scoped3A : memref<!tpu.dma_semaphore, #tpu.memory_space<semaphore_mem>>) src(%arg14 : memref<16x128xf32, #tpu.memory_space<vmem>>) dst(%dma_wait3A_57 : memref<10000x128xf32, #tpu.memory_space<vmem_shared>>)
      tpu.yield
    }) : () -> ()
    %barrier3A_41 = arith.constant 0 : index
    tpu.barrier barrier_id(%barrier3A_41)
    %lt3A_42 = arith.constant 15 : i32
    %lt3A_43 = arith.cmpi slt, %arg1, %lt3A_42 : i32
    %convert_element_type3A_44 = arith.extui %lt3A_43 : i1 to i32
    %cond3A_45 = arith.constant 0 : i32
    %cond3A_46 = arith.cmpi ne, %convert_element_type3A_44, %cond3A_45 : i32
    scf.if %cond3A_46 {
      "tpu.region"() ({
        %run_scoped3A = tpu.sem_alloc : memref<!tpu.dma_semaphore, #tpu.memory_space<semaphore_mem>>
        %dma_start3A_52 = arith.constant 0 : i32
        %dma_start3A_53 = tpu.memref_slice %arg6[%arg0, %mul3A_4, %dma_start3A_52] : memref<2x10000x128xf32, #tpu.memory_space<hbm>> -> memref<1x632x128xf32, #tpu.memory_space<hbm>>
        %dma_start3A_54 = tpu.memref_squeeze %dma_start3A_53 : memref<1x632x128xf32, #tpu.memory_space<hbm>> -> memref<632x128xf32, #tpu.memory_space<hbm>>
        %dma_start3A_55 = arith.constant 0 : i32
        %dma_start3A_56 = tpu.memref_slice %arg7[%mul3A_4, %dma_start3A_55] : memref<10000x128xf32, #tpu.memory_space<vmem_shared>> -> memref<632x128xf32, #tpu.memory_space<vmem_shared>>
        tpu.enqueue_dma source(%dma_start3A_56 : memref<632x128xf32, #tpu.memory_space<vmem_shared>>) target(%dma_start3A_54 : memref<632x128xf32, #tpu.memory_space<hbm>>) target_semaphore(%run_scoped3A : memref<!tpu.dma_semaphore, #tpu.memory_space<semaphore_mem>>)
        %dma_wait3A_57 = arith.constant 0 : i32
        %dma_wait3A_58 = tpu.memref_slice %arg6[%arg0, %mul3A_4, %dma_wait3A_57] : memref<2x10000x128xf32, #tpu.memory_space<hbm>> -> memref<1x632x128xf32, #tpu.memory_space<hbm>>
        %dma_wait3A_59 = tpu.memref_squeeze %dma_wait3A_58 : memref<1x632x128xf32, #tpu.memory_space<hbm>> -> memref<632x128xf32, #tpu.memory_space<hbm>>
        %dma_wait3A_60 = arith.constant 0 : i32
        %dma_wait3A_61 = tpu.memref_slice %arg7[%mul3A_4, %dma_wait3A_60] : memref<10000x128xf32, #tpu.memory_space<vmem_shared>> -> memref<632x128xf32, #tpu.memory_space<vmem_shared>>
        tpu.wait_dma2 semaphore(%run_scoped3A : memref<!tpu.dma_semaphore, #tpu.memory_space<semaphore_mem>>) src(%dma_wait3A_61 : memref<632x128xf32, #tpu.memory_space<vmem_shared>>) dst(%dma_wait3A_59 : memref<632x128xf32, #tpu.memory_space<hbm>>)
        tpu.yield
      }) : () -> ()
    } else {
    }
    %eq3A_47 = arith.constant 15 : i32
    %eq3A_48 = arith.cmpi eq, %arg1, %eq3A_47 : i32
    %convert_element_type3A_49 = arith.extui %eq3A_48 : i1 to i32
    %cond3A_50 = arith.constant 0 : i32
    %cond3A_51 = arith.cmpi ne, %convert_element_type3A_49, %cond3A_50 : i32
    scf.if %cond3A_51 {
      "tpu.region"() ({
        %run_scoped3A = tpu.sem_alloc : memref<!tpu.dma_semaphore, #tpu.memory_space<semaphore_mem>>
        %dma_start3A_52 = arith.constant 0 : i32
        %dma_start3A_53 = tpu.memref_slice %arg6[%arg0, %mul3A_4, %dma_start3A_52] : memref<2x10000x128xf32, #tpu.memory_space<hbm>> -> memref<1x520x128xf32, #tpu.memory_space<hbm>>
        %dma_start3A_54 = tpu.memref_squeeze %dma_start3A_53 : memref<1x520x128xf32, #tpu.memory_space<hbm>> -> memref<520x128xf32, #tpu.memory_space<hbm>>
        %dma_start3A_55 = arith.constant 0 : i32
        %dma_start3A_56 = tpu.memref_slice %arg7[%mul3A_4, %dma_start3A_55] : memref<10000x128xf32, #tpu.memory_space<vmem_shared>> -> memref<520x128xf32, #tpu.memory_space<vmem_shared>>
        tpu.enqueue_dma source(%dma_start3A_56 : memref<520x128xf32, #tpu.memory_space<vmem_shared>>) target(%dma_start3A_54 : memref<520x128xf32, #tpu.memory_space<hbm>>) target_semaphore(%run_scoped3A : memref<!tpu.dma_semaphore, #tpu.memory_space<semaphore_mem>>)
        %dma_wait3A_57 = arith.constant 0 : i32
        %dma_wait3A_58 = tpu.memref_slice %arg6[%arg0, %mul3A_4, %dma_wait3A_57] : memref<2x10000x128xf32, #tpu.memory_space<hbm>> -> memref<1x520x128xf32, #tpu.memory_space<hbm>>
        %dma_wait3A_59 = tpu.memref_squeeze %dma_wait3A_58 : memref<1x520x128xf32, #tpu.memory_space<hbm>> -> memref<520x128xf32, #tpu.memory_space<hbm>>
        %dma_wait3A_60 = arith.constant 0 : i32
        %dma_wait3A_61 = tpu.memref_slice %arg7[%mul3A_4, %dma_wait3A_60] : memref<10000x128xf32, #tpu.memory_space<vmem_shared>> -> memref<520x128xf32, #tpu.memory_space<vmem_shared>>
        tpu.wait_dma2 semaphore(%run_scoped3A : memref<!tpu.dma_semaphore, #tpu.memory_space<semaphore_mem>>) src(%dma_wait3A_61 : memref<520x128xf32, #tpu.memory_space<vmem_shared>>) dst(%dma_wait3A_59 : memref<520x128xf32, #tpu.memory_space<hbm>>)
        tpu.yield
      }) : () -> ()
    } else {
    }
    return
  }
}

module attributes {stable_mosaic.version = 14 : i64} {
  func.func @_mid_body(%arg0: memref<2x10000x128xf32, #tpu.memory_space<vmem>>, %arg1: memref<10000x128xf32, #tpu.memory_space<vmem>>, %arg2: memref<10000x128xf32, #tpu.memory_space<vmem>>, %arg3: memref<1x128xf32, #tpu.memory_space<vmem>>, %arg4: memref<128x128xf32, #tpu.memory_space<vmem>>, %arg5: memref<10000x128xf32, #tpu.memory_space<vmem>>) attributes {dimension_semantics = [], scalar_prefetch = 0 : i64, scratch_operands = 0 : i64, tpu.core_type = #tpu.core_type<tc>} {
    %get3A = arith.constant 0 : index
    %get3A_0 = arith.constant 0 : index
    %get3A_1 = arith.constant 0 : index
    %get3A_2 = vector.load %arg0[%get3A, %get3A_0, %get3A_1] : memref<2x10000x128xf32, #tpu.memory_space<vmem>>, vector<1x10000x128xf32>
    %get3A_3 = vector.shape_cast %get3A_2 : vector<1x10000x128xf32> to vector<10000x128xf32>
    %get3A_4 = arith.constant 1 : index
    %get3A_5 = arith.constant 0 : index
    %get3A_6 = arith.constant 0 : index
    %get3A_7 = vector.load %arg0[%get3A_4, %get3A_5, %get3A_6] : memref<2x10000x128xf32, #tpu.memory_space<vmem>>, vector<1x10000x128xf32>
    %get3A_8 = vector.shape_cast %get3A_7 : vector<1x10000x128xf32> to vector<10000x128xf32>
    %add3A = arith.addf %get3A_3, %get3A_8 : vector<10000x128xf32>
    %get3A_9 = arith.constant 0 : index
    %get3A_10 = arith.constant 0 : index
    %get3A_11 = vector.load %arg1[%get3A_9, %get3A_10] : memref<10000x128xf32, #tpu.memory_space<vmem>>, vector<10000x128xf32>
    %add3A_12 = arith.addf %add3A, %get3A_11 : vector<10000x128xf32>
    %get3A_13 = arith.constant 0 : index
    %get3A_14 = arith.constant 0 : index
    %get3A_15 = vector.load %arg2[%get3A_13, %get3A_14] : memref<10000x128xf32, #tpu.memory_space<vmem>>, vector<10000x128xf32>
    %mul3A = arith.mulf %add3A_12, %get3A_15 : vector<10000x128xf32>
    %get3A_16 = arith.constant 0 : index
    %get3A_17 = arith.constant 0 : index
    %get3A_18 = vector.load %arg3[%get3A_16, %get3A_17] : memref<1x128xf32, #tpu.memory_space<vmem>>, vector<1x128xf32>
    %add3A_19 = vector.broadcast %get3A_18 : vector<1x128xf32> to vector<10000x128xf32>
    %add3A_20 = arith.addf %mul3A, %add3A_19 : vector<10000x128xf32>
    %logistic3A = arith.negf %add3A_20 : vector<10000x128xf32>
    %logistic3A_21 = math.exp %logistic3A : vector<10000x128xf32>
    %logistic3A_22 = arith.constant 1.000000e+00 : f32
    %logistic3A_23 = vector.broadcast %logistic3A_22 : f32 to vector<10000x128xf32>
    %logistic3A_24 = arith.addf %logistic3A_23, %logistic3A_21 : vector<10000x128xf32>
    %logistic3A_25 = arith.divf %logistic3A_23, %logistic3A_24 : vector<10000x128xf32>
    %mul3A_26 = arith.mulf %add3A_20, %logistic3A_25 : vector<10000x128xf32>
    %get3A_27 = arith.constant 0 : index
    %get3A_28 = arith.constant 0 : index
    %get3A_29 = vector.load %arg4[%get3A_27, %get3A_28] : memref<128x128xf32, #tpu.memory_space<vmem>>, vector<128x128xf32>
    %dot_general3A = arith.constant dense<0.000000e+00> : vector<10000x128xf32>
    %dot_general3A_30 = tpu.matmul %mul3A_26, %get3A_29, %dot_general3A {dimension_numbers = #tpu.dot_dimension_numbers<[1], [0], [0], [1], [0, 0, 1, 1], [], []>, transpose_lhs_hint = false} : vector<10000x128xf32>, vector<128x128xf32>, vector<10000x128xf32> -> vector<10000x128xf32>
    %get3A_31 = arith.constant 0 : index
    %get3A_32 = arith.constant 0 : index
    %get3A_33 = vector.load %arg2[%get3A_31, %get3A_32] : memref<10000x128xf32, #tpu.memory_space<vmem>>, vector<10000x128xf32>
    %mul3A_34 = arith.mulf %dot_general3A_30, %get3A_33 : vector<10000x128xf32>
    %swap3A = arith.constant 0 : index
    %swap3A_35 = arith.constant 0 : index
    %swap3A_36 = vector.load %arg5[%swap3A, %swap3A_35] : memref<10000x128xf32, #tpu.memory_space<vmem>>, vector<10000x128xf32>
    tpu.vector_store %arg5[%swap3A, %swap3A_35], %mul3A_34 {strides = array<i32>} : memref<10000x128xf32, #tpu.memory_space<vmem>>, vector<10000x128xf32>,
    return
  }
}

module attributes {stable_mosaic.version = 14 : i64} {
  func.func @_b0_body(%arg0: memref<10000x128xf32, #tpu.memory_space<vmem>>, %arg1: memref<128x128xf32, #tpu.memory_space<vmem>>, %arg2: memref<2x10000xf32, #tpu.memory_space<vmem>>, %arg3: memref<10000x128xf32, #tpu.memory_space<vmem>>, %arg4: memref<10000x128xf32, #tpu.memory_space<vmem>>) attributes {dimension_semantics = [], scalar_prefetch = 0 : i64, scratch_operands = 0 : i64, tpu.core_type = #tpu.core_type<tc>} {
    %get3A = arith.constant 0 : index
    %get3A_0 = arith.constant 0 : index
    %get3A_1 = vector.load %arg2[%get3A, %get3A_0] : memref<2x10000xf32, #tpu.memory_space<vmem>>, vector<2x10000xf32>
    %slice3A = vector.extract_strided_slice %get3A_1 {offsets = [0, 0], sizes = [1, 10000], strides = [1, 1]} : vector<2x10000xf32> to vector<1x10000xf32>
    %slice3A_2 = vector.extract_strided_slice %get3A_1 {offsets = [1, 0], sizes = [1, 10000], strides = [1, 1]} : vector<2x10000xf32> to vector<1x10000xf32>
    %add3A = arith.addf %slice3A, %slice3A_2 : vector<1x10000xf32>
    %add3A_3 = arith.constant 1.000000e+00 : f32
    %add3A_4 = vector.broadcast %add3A_3 : f32 to vector<1x10000xf32>
    %add3A_5 = arith.addf %add3A, %add3A_4 : vector<1x10000xf32>
    %rsqrt3A = math.rsqrt %add3A_5 : vector<1x10000xf32>
    %transpose3A = tpu.transpose %rsqrt3A, [1, 0] : vector<1x10000xf32> -> vector<10000x1xf32>
    %broadcast_in_dim3A = vector.shape_cast %transpose3A : vector<10000x1xf32> to vector<10000x1xf32>
    %broadcast_in_dim3A_6 = vector.broadcast %broadcast_in_dim3A : vector<10000x1xf32> to vector<10000x128xf32>
    %swap3A = arith.constant 0 : index
    %swap3A_7 = arith.constant 0 : index
    %swap3A_8 = vector.load %arg3[%swap3A, %swap3A_7] : memref<10000x128xf32, #tpu.memory_space<vmem>>, vector<10000x128xf32>
    tpu.vector_store %arg3[%swap3A, %swap3A_7], %broadcast_in_dim3A_6 {strides = array<i32>} : memref<10000x128xf32, #tpu.memory_space<vmem>>, vector<10000x128xf32>,
    %get3A_9 = arith.constant 0 : index
    %get3A_10 = arith.constant 0 : index
    %get3A_11 = vector.load %arg0[%get3A_9, %get3A_10] : memref<10000x128xf32, #tpu.memory_space<vmem>>, vector<10000x128xf32>
    %get3A_12 = arith.constant 0 : index
    %get3A_13 = arith.constant 0 : index
    %get3A_14 = vector.load %arg1[%get3A_12, %get3A_13] : memref<128x128xf32, #tpu.memory_space<vmem>>, vector<128x128xf32>
    %dot_general3A = arith.constant dense<0.000000e+00> : vector<10000x128xf32>
    %dot_general3A_15 = tpu.matmul %get3A_11, %get3A_14, %dot_general3A {dimension_numbers = #tpu.dot_dimension_numbers<[1], [0], [0], [1], [0, 0, 1, 1], [], []>, transpose_lhs_hint = false} : vector<10000x128xf32>, vector<128x128xf32>, vector<10000x128xf32> -> vector<10000x128xf32>
    %mul3A = arith.mulf %dot_general3A_15, %broadcast_in_dim3A_6 : vector<10000x128xf32>
    %swap3A_16 = arith.constant 0 : index
    %swap3A_17 = arith.constant 0 : index
    %swap3A_18 = vector.load %arg4[%swap3A_16, %swap3A_17] : memref<10000x128xf32, #tpu.memory_space<vmem>>, vector<10000x128xf32>
    tpu.vector_store %arg4[%swap3A_16, %swap3A_17], %mul3A {strides = array<i32>} : memref<10000x128xf32, #tpu.memory_space<vmem>>, vector<10000x128xf32>,
    return
  }
}

module attributes {stable_mosaic.version = 14 : i64} {
  func.func @_b3_body(%arg0: memref<2x10000x128xf32, #tpu.memory_space<vmem>>, %arg1: memref<10000x128xf32, #tpu.memory_space<vmem>>, %arg2: memref<10000x128xf32, #tpu.memory_space<vmem>>, %arg3: memref<1x128xf32, #tpu.memory_space<vmem>>, %arg4: memref<10000x40xf32, #tpu.memory_space<vmem>>) attributes {dimension_semantics = [], scalar_prefetch = 0 : i64, scratch_operands = 0 : i64, tpu.core_type = #tpu.core_type<tc>} {
    %get3A = arith.constant 0 : index
    %get3A_0 = arith.constant 0 : index
    %get3A_1 = arith.constant 0 : index
    %get3A_2 = vector.load %arg0[%get3A, %get3A_0, %get3A_1] : memref<2x10000x128xf32, #tpu.memory_space<vmem>>, vector<1x10000x128xf32>
    %get3A_3 = vector.shape_cast %get3A_2 : vector<1x10000x128xf32> to vector<10000x128xf32>
    %get3A_4 = arith.constant 1 : index
    %get3A_5 = arith.constant 0 : index
    %get3A_6 = arith.constant 0 : index
    %get3A_7 = vector.load %arg0[%get3A_4, %get3A_5, %get3A_6] : memref<2x10000x128xf32, #tpu.memory_space<vmem>>, vector<1x10000x128xf32>
    %get3A_8 = vector.shape_cast %get3A_7 : vector<1x10000x128xf32> to vector<10000x128xf32>
    %add3A = arith.addf %get3A_3, %get3A_8 : vector<10000x128xf32>
    %get3A_9 = arith.constant 0 : index
    %get3A_10 = arith.constant 0 : index
    %get3A_11 = vector.load %arg1[%get3A_9, %get3A_10] : memref<10000x128xf32, #tpu.memory_space<vmem>>, vector<10000x128xf32>
    %add3A_12 = arith.addf %add3A, %get3A_11 : vector<10000x128xf32>
    %get3A_13 = arith.constant 0 : index
    %get3A_14 = arith.constant 0 : index
    %get3A_15 = vector.load %arg2[%get3A_13, %get3A_14] : memref<10000x128xf32, #tpu.memory_space<vmem>>, vector<10000x128xf32>
    %mul3A = arith.mulf %add3A_12, %get3A_15 : vector<10000x128xf32>
    %get3A_16 = arith.constant 0 : index
    %get3A_17 = arith.constant 0 : index
    %get3A_18 = vector.load %arg3[%get3A_16, %get3A_17] : memref<1x128xf32, #tpu.memory_space<vmem>>, vector<1x128xf32>
    %add3A_19 = vector.broadcast %get3A_18 : vector<1x128xf32> to vector<10000x128xf32>
    %add3A_20 = arith.addf %mul3A, %add3A_19 : vector<10000x128xf32>
    %reduce_max3A = arith.constant dense<0xFF800000> : vector<128xf32>
    %reduce_max3A_21 = vector.multi_reduction <maximumf>, %add3A_20, %reduce_max3A [0] : vector<10000x128xf32> to vector<128xf32>
    %broadcast_in_dim3A = vector.shape_cast %reduce_max3A_21 : vector<128xf32> to vector<1x128xf32>
    %sub3A = vector.broadcast %broadcast_in_dim3A : vector<1x128xf32> to vector<10000x128xf32>
    %sub3A_22 = arith.subf %add3A_20, %sub3A : vector<10000x128xf32>
    %exp3A = math.exp %sub3A_22 : vector<10000x128xf32>
    %reduce_sum3A = arith.constant dense<0.000000e+00> : vector<128xf32>
    %reduce_sum3A_23 = vector.multi_reduction <add>, %exp3A, %reduce_sum3A [0] : vector<10000x128xf32> to vector<128xf32>
    %broadcast_in_dim3A_24 = vector.shape_cast %reduce_sum3A_23 : vector<128xf32> to vector<1x128xf32>
    %log3A = math.log %broadcast_in_dim3A_24 : vector<1x128xf32>
    %add3A_25 = arith.addf %log3A, %broadcast_in_dim3A : vector<1x128xf32>
    %sub3A_26 = vector.broadcast %add3A_25 : vector<1x128xf32> to vector<10000x128xf32>
    %sub3A_27 = arith.subf %add3A_20, %sub3A_26 : vector<10000x128xf32>
    %slice3A = vector.extract_strided_slice %sub3A_27 {offsets = [0, 0], sizes = [10000, 40], strides = [1, 1]} : vector<10000x128xf32> to vector<10000x40xf32>
    %swap3A = arith.constant 0 : index
    %swap3A_28 = arith.constant 0 : index
    %swap3A_29 = vector.load %arg4[%swap3A, %swap3A_28] : memref<10000x40xf32, #tpu.memory_space<vmem>>, vector<10000x40xf32>
    tpu.vector_store %arg4[%swap3A, %swap3A_28], %slice3A {strides = array<i32>} : memref<10000x40xf32, #tpu.memory_space<vmem>>, vector<10000x40xf32>,
    return
  }
}

</mosaic_0001>

<sc_bundles>
// kernel: kernel.10.cloned.1.call-start
scs
__scs_entry_jumppad:
0x0: {  	(pc) =	sbr.rel $0x88, $3  }
0x1: {  	(tag) =	ssettag $0x0;
	lr =	simm.s32 $0x1  }
0x2: {  	[smem:$0x3F99] =	sst lr;
	_ =	strace $0xD0000000  }
0x3: {  	_ = 	snop  }
0x4: {  	_ = 	snop  }
0x5: {  	_ = 	snop  }
0x6: {  	_ = 	snop  }
0x7: {  	_ = 	snop  }
__scs_overlays_trampoline_lowered:
0x8: {  	[smem:$0x3FA8] =	sst s0  }
0x9: {  	[smem:$0x3FA9] =	sst s1  }
0xa: {  	[smem:$0x3FAA] =	sst s2  }
0xb: {  	[smem:$0x3FAB] =	sst s3  }
0xc: {  	[smem:$0x3FAC] =	sst s4  }
0xd: {  	[smem:$0x3FAD] =	sst s5  }
0xe: {  	[smem:$0x3FAE] =	sst s6  }
0xf: {  	[smem:$0x3FAF] =	sst s7  }
0x10: {  	[smem:$0x3FB0] =	sst s8  }
0x11: {  	[smem:$0x3FB1] =	sst s9;
	s0 =	simm.s32 @!p0 $0x0  }
0x12: {  	s1 =	sld [smem:$0x3F97];
	s0 =	simm.s32 @p0 $0x1  }
0x13: {  	[smem:$0x3FB2] =	sst s0;
	s0 =	simm.s32 @!p1 $0x0  }
0x14: {  	s2 =	sld [smem:$0x3F96];
	s0 =	simm.s32 @p1 $0x1  }
0x15: {  	[smem:$0x3FB3] =	sst s0;
	s0 =	simm.s32 @!p2 $0x0  }
0x16: {  	s3 =	sld [smem:$0x3FDB];
	s0 =	simm.s32 @p2 $0x1  }
0x17: {  	s4 =	simm.s32 $0x1BF5;
	[smem:$0x3FB5] =	sst s0  }
0x18: {  	s0 =	sld [smem:$0x3F98];
	_ =	swait.ge [sflag:s4], $0x0  }
0x19: {  	s7 =	sld [smem:$0x3F99]  }
0x1a: {  	s8 =	sadd.s32 $0xFFFFE003, lr  }
0x1b: {  	s9 =	sadd.s32 $0xFFFFFEF7, lr;
	s5 =	simm.s32 $0xFFFFFFFF;
	p2 =	slt.u32 s8, $0xFFFFF086  }
0x1c: {  	p1 =	slt.u32 s9, $0xF7A;
	s5 =	simm.s32 @!p2 $0x0  }
0x1d: {  	s5 =	simm.s32 @p1 $0x1;
	p0 =	seq.s32 s7, s2  }
0x1e: {  	s7 =	smul.u32 @!p0 $0xF7A, s2;
	p2 =	seq.s32 @!p0 s5, $0x0  }
0x1f: {  	s9 =	smul.u32 $0xF7A, s1;
	s8 =	simm.s32 @!p0 $0x1BF5;
	p2 =	por !p2, p0  }
0x20: {  	[sflag:s8] =	ssyncset.s32 @!p0 $0xFFFFF086;
	s6 =	sadd.s32 @!p0 s3, s7;
	s7 =	simm.s32 @!p0 $0x108  }
0x21: {  	s3 =	sadd.s32 s3, s9;
	s6 =	sadd.s32 @!p0 $0x88, s6;
	s7 =	simm.s32 @p2 $0x1082  }
0x22: {  	[simem:s7], [sflag:s8] =	dma.local @!p0 [hbm:s6], $0xF7A  }
0x23: {  	s9 =	sor.u32 $0xD0000000, s2;
	s6 =	simm.s32 $0x108;
	_ =	swait.ge @!p0 [sflag:s8], $0x0  }
0x24: {  	s3 =	sadd.s32 $0x88, s3;
	s6 =	simm.s32 @!p1 $0x1082;
	[sflag:s4] =	ssyncset.s32 $0xFFFFF086  }
0x25: {  	[simem:s6], [sflag:s4] =	dma.local [hbm:s3], $0xF7A  }
0x26: {  	[smem:$0x3F99] =	sst s1;
	(tag) =	ssettag s2;
	_ =	strace s9  }
0x27: {  	s1 =	sld [smem:$0x3FA9]  }
0x28: {  	s2 =	sld [smem:$0x3FAA]  }
0x29: {  	s4 =	sld [smem:$0x3FAC]  }
0x2a: {  	p0 =	seq.s32 s5, $0x0;
	s5 =	sld [smem:$0x3FAD]  }
0x2b: {  	s6 =	sld [smem:$0x3FAE]  }
0x2c: {  	s7 =	sld [smem:$0x3FAF]  }
0x2d: {  	s3 =	simm.s32 $0x108;
	s8 =	sld [smem:$0x3FB0]  }
0x2e: {  	s3 =	simm.s32 @!p0 $0x1082;
	s9 =	sld [smem:$0x3FB1]  }
0x2f: {  	lr =	sadd.s32 s0, s3;
	s0 =	sld [smem:$0x3FA8]  }
0x30: {  	s3 =	sld [smem:$0x3FAB]  }
0x31: {  	[smem:$0x3FB4] =	sst s10  }
0x32: {  	s10 =	sld [smem:$0x3FB2];
	_ =	sdelay $0x3  }
0x33: {  	p0 =	seq.s32 s10, $0x1;
	s10 =	sld [smem:$0x3FB4];
	_ =	sdelay $0x3  }
0x34: {  	[smem:$0x3FB4] =	sst s10  }
0x35: {  	s10 =	sld [smem:$0x3FB3];
	_ =	sdelay $0x3  }
0x36: {  	p1 =	seq.s32 s10, $0x1;
	s10 =	sld [smem:$0x3FB4];
	_ =	sdelay $0x3  }
0x37: {  	[smem:$0x3FB4] =	sst s10  }
0x38: {  	s10 =	sld [smem:$0x3FB5]  }
0x39: {  	_ = 	snop;
	(pc) =	sbr.ind lr, $3  }
0x3a: {  	_ = 	snop  }
0x3b: {  	_ = 	snop  }
0x3c: {  	p2 =	seq.s32 s10, $0x1;
	s10 =	sld [smem:$0x3FB4]  }
0x3d: {  	_ =	shalt  }
0x3e: {  	_ =	shalt  }
0x3f: {  	_ =	shalt  }
0x40: {  	_ =	shalt  }
0x41: {  	_ =	shalt  }
0x42: {  	_ =	shalt  }
0x43: {  	_ =	shalt  }
0x44: {  	_ =	shalt  }
0x45: {  	_ =	shalt  }
0x46: {  	_ =	shalt  }
0x47: {  	_ =	shalt  }
0x48: {  	_ =	shalt  }
0x49: {  	_ =	shalt  }
0x4a: {  	_ =	shalt  }
0x4b: {  	_ =	shalt  }
0x4c: {  	_ =	shalt  }
0x4d: {  	_ =	shalt  }
0x4e: {  	_ =	shalt  }
0x4f: {  	_ =	shalt  }
0x50: {  	_ =	shalt  }
0x51: {  	_ =	shalt  }
0x52: {  	_ =	shalt  }
0x53: {  	_ =	shalt  }
0x54: {  	_ =	shalt  }
0x55: {  	_ =	shalt  }
0x56: {  	_ =	shalt  }
0x57: {  	_ =	shalt  }
0x58: {  	_ =	shalt  }
0x59: {  	_ =	shalt  }
0x5a: {  	_ =	shalt  }
0x5b: {  	_ =	shalt  }
0x5c: {  	_ =	shalt  }
0x5d: {  	_ =	shalt  }
0x5e: {  	_ =	shalt  }
0x5f: {  	_ =	shalt  }
0x60: {  	_ =	shalt  }
0x61: {  	_ =	shalt  }
0x62: {  	_ =	shalt  }
0x63: {  	_ =	shalt  }
0x64: {  	_ =	shalt  }
0x65: {  	_ =	shalt  }
0x66: {  	_ =	shalt  }
0x67: {  	_ =	shalt  }
0x68: {  	_ =	shalt  }
0x69: {  	_ =	shalt  }
0x6a: {  	_ =	shalt  }
0x6b: {  	_ =	shalt  }
0x6c: {  	_ =	shalt  }
0x6d: {  	_ =	shalt  }
0x6e: {  	_ =	shalt  }
0x6f: {  	_ =	shalt  }
0x70: {  	_ =	shalt  }
0x71: {  	_ =	shalt  }
0x72: {  	_ =	shalt  }
0x73: {  	_ =	shalt  }
0x74: {  	_ =	shalt  }
0x75: {  	_ =	shalt  }
0x76: {  	_ =	shalt  }
0x77: {  	_ =	shalt  }
0x78: {  	_ =	shalt  }
0x79: {  	_ =	shalt  }
0x7a: {  	_ =	shalt  }
0x7b: {  	_ =	shalt  }
0x7c: {  	_ =	shalt  }
0x7d: {  	_ =	shalt  }
0x7e: {  	_ =	shalt  }
0x7f: {  	_ =	shalt  }
0x80: {  	_ =	shalt  }
0x81: {  	_ =	shalt  }
0x82: {  	_ =	shalt  }
0x83: {  	_ =	shalt  }
0x84: {  	_ =	shalt  }
0x85: {  	_ =	shalt  }
0x86: {  	_ =	shalt  }
0x87: {  	_ =	shalt  }
.Lfunc_end0:
.L_simem_size_0:
called_computation_lowered:
.L_overlay_start_0:
0x88: {  	s2 =	sld [smem:$0x3FD9]  }
0x89: {  	s3 =	sld [smem:$0x3FFE];
	_ =	sdelay $0x1  }
0x8a: {  	s1 =	srdreg.scid  }
0x8b: {  	s0 =	sand.u32 $0x1, s1  }
0x8c: {  	s16 =	sshll.u32 s0, $0xA;
	s2 =	sadd.s32 s3, s2  }
0x8d: {  	s2 =	sadd.s32 s2, s16  }
0x8e: {  	[smem:$0x3FC0] =	sst s2  }
0x8f: {  	_ = 	snop  }
0x90: {  	(tm) =	ssettm $0x1  }
0x91: {  	s17 =	sld [smem:$0x3FFB];
	_ =	sdelay $0x3  }
0x92: {  	_ =	strace s17  }
0x93: {  	s2 =	sld [smem:$0x3FFC];
	_ =	sdelay $0x3  }
0x94: {  	_ =	strace s2  }
0x95: {  	s2 =	sld [smem:$0x3FFD];
	_ =	sdelay $0x3  }
0x96: {  	_ =	strace s2  }
0x97: {  	_ =	strace $0x8FFFFFFF  }
0x98: {  	s18 =	sld [smem:$0x3FDB];
	_ =	sdelay $0x1  }
0x99: {  	s19 =	simm.s32 $_scs_section_size  }
0x9a: {  	s4 =	simm.s32 $_size__tile_overlayer_lowered;
	s5 =	simm.s32 $_tile_overlayer_lowered  }
0x9b: {  	s22 =	simm.s32 $0x1BFF;
	s21 =	sshll.u32 s5, $0x1;
	s2 =	sadd.s32 s19, s18  }
0x9c: {  	s6 =	simm.s32 $0x0;
	s20 =	sshll.u32 s4, $0x1;
	s4 =	sadd.s32 s21, s2  }
0x9d: {  	[timem:s6], [sflag:s22] =	dma.local [hbm:s4], s20  }
0x9e: {  	_ =	swait.ge [sflag:s22], s20  }
0x9f: {  	s3 =	ssub.s32 $0x0, s20;
	[sflag:s22] =	ssyncset.done $0x0  }
0xa0: {  	[sflag:s22] =	ssyncadd.s32 s3;
	_ =	sdelay $0x1  }
0xa1: {  	s23 =	simm.s32 $0x1B8B  }
0xa2: {  	_ =	swait.ge [sflag:s23], $0x1  }
0xa3: {  	[sflag:s23] =	ssyncset.done $0x0  }
0xa4: {  	s25 =	simm.s32 $0x1B8E;
	s24 =	sld [smem:$0x3FFE];
	[sflag:s23] =	ssyncadd.s32 $0xFFFFFFFF  }
0xa5: {  	s26 =	simm.s32 $execute0_lowered;
	[smem:$0x3FD2] =	sst s25  }
0xa6: {  	s4 =	sshll.u32 s26, $0x1;
	_ =	strace $0x80000046;
	[dreg:$0x1] =	wrdreg $0xFFFFFFFF  }
0xa7: {  	s28 =	simm.s32 $_size_execute0_lowered;
	s2 =	sadd.s32 s2, s4;
	[dreg:$0x0] =	wrdreg $0x0  }
0xa8: {  	s4 =	sshll.u32 s28, $0x1;
	[dreg:$0x2] =	wrdreg s2  }
0xa9: {  	[dreg:$0x3] =	wrdreg s4  }
0xaa: {  	[dreg:$0x4] =	wrdreg $0xC0  }
0xab: {  	_ =	task [dreg:s6], $0x5FFFF  }
0xac: {  	[dreg:$0x1] =	wrdreg $0xFFFFFFFF  }
0xad: {  	[dreg:$0x0] =	wrdreg $0x60  }
0xae: {  	[dreg:$0x2] =	wrdreg s24  }
0xaf: {  	[dreg:$0x3] =	wrdreg $0x0  }
0xb0: {  	[dreg:$0x4] =	wrdreg $0x9  }
0xb1: {  	_ =	task.clear_ibuf [dreg:s6], $0x5FFFF;
	_ =	strace $0x90000046  }
0xb2: {  	s29 =	simm.s32 $0x9;
	_ =	strace $0x80000048  }
0xb3: {  	_ =	swait.ge [sflag:s29], $0x1  }
0xb4: {  	[sflag:s29] =	ssyncadd.s32 $0xFFFFFFFF  }
0xb5: {  	_ =	strace $0x90000048  }
0xb6: {  	_ =	sfence  }
0xb7: {  	s30 =	sld [smem:$0x0];
	_ =	sdelay $0x2  }
0xb8: {  	s31 =	sshll.u32 s1, $0xD;
	s1 =	sshrl.u32 s1, $0x2  }
0xb9: {  	s3 =	sand.u32 $0x4000, s31;
	s1 =	sadd.s32 s1, s30  }
0xba: {  	s0 =	sor.u32 s3, s0;
	s1 =	sshll.u32 s1, $0x11  }
0xbb: {  	s0 =	sor.u32 s1, s0  }
0xbc: {  	s0 =	sadd.s32 $0x8F2B, s0  }
0xbd: {  	[sflag:s0] =	ssyncadd.remote.s32 $0x1  }
0xbe: {  	_ =	sfence.sel $0xFFFF  }
0xbf: {  	[dreg:$0x0] =	wrdreg $0xFFFFFFFF;
	(pc) =	sbr.abs _section_cstart, $3  }
0xc0: {  	[dreg:$0x1] =	wrdreg $0xFFFFFFFF  }
0xc1: {  	_ =	task.clear_ibuf [dreg:s6], $0x2FFFF;
	_ =	strace $0x9FFFFFFF  }
0xc2: {  	(tm) =	ssettm $0x7FFFFFFF  }
0xc3: {  	_ =	shalt  }
tec
execute0_lowered:
.L_overlay_start_1:
0x0: {  	(tag) =	ssettag $0x1  }
0x1: {  	s5 =	rddreg [dreg:$0x0]  }
0x2: {  	s1 =	rddreg [dreg:$0x1];
	s2 =	srdreg.scid  }
0x3: {  	s0 =	rddreg [dreg:$0x2];
	s11 =	stileid.u32;
	s14 =	simm.s32 $0x2F8  }
0x4: {  	s15 =	simm.s32 $0x378;
	s16 =	simm.s32 $0x3F8;
	s17 =	simm.s32 $0x1  }
0x5: {  	s18 =	simm.s32 $0x80;
	s19 =	simm.s32 $0x2;
	s20 =	simm.s32 $0x4F8  }
0x6: {  	s21 =	simm.s32 $0x10;
	s23 =	simm.s32 $0x0;
	s6 =	sand.u32 $0x1, s2  }
0x7: {  	s2 =	simm.s32 $0x0;
	s8 =	smul.u32 $0x2710, s11;
	s10 =	sadd.s32 $0x2C00, s5  }
0x8: {  	s3 =	sadd.s32 $0xD000, s5;
	s4 =	sadd.s32 $0xCA00, s5;
	p0 =	sne.s32 s11, $0x0  }
0x9: {  	s11 =	simm.s32 $0x278;
	s7 =	smul.u32 $0x27100, s6;
	[smem:$0x7FF] =	sst s2  }
0xa: {  	s28 =	sshll.u32 s6, $0x4;
	s6 =	ssub.s32 $0x2, s6;
	s22 =	sshrl.u32 @!p0 s1, $0x3  }
0xb: {  	_ =	strace $0x80000047;
	s12 =	sshrl.u32 s6, $0x1;
	s8 =	sadd.s32 s8, s7  }
0xc: {  	s7 =	sadd.s32 s28, s5;
	s29 =	ssub.s32 s6, s12;
	s9 =	sshrl.u32 s8, $0x3  }
0xd: {  	s30 =	sadd.s32 $0x100, s8;
	s7 =	sadd.s32 $0xD200, s7;
	s13 =	sadd.s32 $0x80, s8  }
0xe: {  	s8 =	smax.u32 s29, $0x1;
	s5 =	sadd.s32 s9, s10;
	s12 =	sshrl.u32 s30, $0x3  }
0xf: {  	s31 =	sshrl.u32 s13, $0x3;
	s13 =	simm.s32 $0x478;
	s6 =	sadd.s32 $0x4E0, s5  }
0x10: {  	s9 =	sadd.s32 s12, s10;
	s10 =	sadd.s32 s31, s10;
	s12 =	simm.s32 $0x3  }
.LBB2_1:
0x11: {  	s24 =	simm.s32 @!p0 $0x0;
	s25 =	simm.s32 @!p0 $0x578  }
0x12: {  	[tilespmem:s25], [sflag:$0x3] =	stream.linear.gather @!p0 [hbm4b:s4+s24], $0x2780, $0x38;
	[tilespmem:$0x2CF8] =	vst v63  }
0x13: {  	s24 =	simm.s32 @!p0 $0x3  }
0x14: {  	_ =	swait.ge @!p0 [sflag:s24], $0x2780  }
0x15: {  	[sflag:s24] =	ssyncset.done @!p0 $0x0  }
0x16: {  	[sflag:s24] =	ssyncadd.s32 @!p0 $0xFFFFD880  }
0x17: {  	[spmem:s1] =	stream.linear.scatter @!p0 [tilespmem:s25], [sflag:$0x3], $0x2780, $0x38;
	[tilespmem:$0x2CF8] =	vst v63  }
0x18: {  	_ =	swait.ge @!p0 [sflag:s24], $0x2780  }
0x19: {  	[sflag:s24] =	ssyncset.done @!p0 $0x0  }
0x1a: {  	[sflag:s24] =	ssyncadd.s32 @!p0 $0xFFFFD880  }
0x1b: {  	[tilespmem:s11], [sflag:$0x3] =	stream.linear.gather [hbm4b:s3+s2], $0x80, $0x38;
	[tilespmem:$0x2CF8] =	vst v63  }
0x1c: {  	_ =	swait.ge [sflag:s12], $0x80  }
0x1d: {  	[sflag:s12] =	ssyncset.done $0x0  }
0x1e: {  	[sflag:s12] =	ssyncadd.s32 $0xFFFFFF80  }
0x1f: {  	[tilespmem:s13], [sflag:$0x3] =	stream.linear.gather [hbm4b:s3+s2], $0x10, $0x38;
	[tilespmem:$0x2CF8] =	vst v63  }
0x20: {  	_ =	swait.ge [sflag:s12], $0x10  }
0x21: {  	[sflag:s12] =	ssyncset.done $0x0  }
0x22: {  	[sflag:s12] =	ssyncadd.s32 $0xFFFFFFF0  }
0x23: {  	s29 =	sadd.s32 $0x0, s5;
	[bflag:$0x0] =	sbarrier.arrive $0xFFFF  }
0x24: {  	[tilespmem:s14], [sflag:$0x1] =	stream.linear.gather [hbm4b:s29+s2], $0x80, $0x38;
	[tilespmem:$0x2CF8] =	vst v63  }
0x25: {  	s30 =	sadd.s32 $0x0, s10  }
0x26: {  	[tilespmem:s15], [sflag:$0x1] =	stream.linear.gather [hbm4b:s30+s2], $0x80, $0x38;
	[tilespmem:$0x2CF8] =	vst v63  }
0x27: {  	s31 =	sadd.s32 $0x0, s9  }
0x28: {  	[tilespmem:s16], [sflag:$0x1] =	stream.linear.gather [hbm4b:s31+s2], $0x80, $0x38;
	[tilespmem:$0x2CF8] =	vst v63  }
0x29: {  	_ =	swait.ge [sflag:s17], $0x80  }
0x2a: {  	[sflag:s17] =	ssyncset.done $0x0  }
0x2b: {  	[sflag:s17] =	ssyncadd.s32 $0xFFFFFF80  }
0x2c: {  	[spmem:s1] =	stream.indirect.scatter.add.f32 [tilespmem:s11], [sflag:$0x2], $0x1, s14, s18, $0xb8;
	[tilespmem:$0x2CF8] =	vst v63  }
0x2d: {  	_ =	swait.ge [sflag:s17], $0x80  }
0x2e: {  	[sflag:s17] =	ssyncset.done $0x0  }
0x2f: {  	[sflag:s17] =	ssyncadd.s32 $0xFFFFFF80  }
0x30: {  	[spmem:s1] =	stream.indirect.scatter.add.f32 [tilespmem:s11], [sflag:$0x2], $0x1, s15, s18, $0xb8;
	[tilespmem:$0x2CF8] =	vst v63  }
0x31: {  	_ =	swait.ge [sflag:s17], $0x80  }
0x32: {  	[sflag:s17] =	ssyncset.done $0x0  }
0x33: {  	[sflag:s17] =	ssyncadd.s32 $0xFFFFFF80  }
0x34: {  	[spmem:s1] =	stream.indirect.scatter.add.f32 [tilespmem:s11], [sflag:$0x2], $0x1, s16, s18, $0xb8;
	[tilespmem:$0x2CF8] =	vst v63  }
0x35: {  	_ =	swait.ge [sflag:s19], $0x80  }
0x36: {  	[sflag:s19] =	ssyncset.done $0x0  }
0x37: {  	[sflag:s19] =	ssyncadd.s32 $0xFFFFFF80  }
0x38: {  	_ =	swait.ge [sflag:s19], $0x80  }
0x39: {  	[sflag:s19] =	ssyncset.done $0x0  }
0x3a: {  	[sflag:s19] =	ssyncadd.s32 $0xFFFFFF80  }
0x3b: {  	_ =	swait.ge [sflag:s19], $0x80  }
0x3c: {  	s25 =	simm.s32 $0x60;
	s24 =	simm.s32 $0x30;
	[sflag:s19] =	ssyncset.done $0x0  }
.LBB2_2:
0x3d: {  	s26 =	sadd.s32 s24, s5  }
0x3e: {  	[sflag:s19] =	ssyncadd.s32 $0xFFFFFF80;
	s28 =	smov.u32 s25;
	s29 =	sadd.s32 $0x30, s25  }
0x3f: {  	[tilespmem:s14], [sflag:$0x1] =	stream.linear.gather [hbm4b:s26+s2], $0x80, $0x38;
	[tilespmem:$0x2CF8] =	vst v63  }
0x40: {  	p1 =	sne.s32 s25, $0x4B0;
	s25 =	sadd.s32 s24, s10  }
0x41: {  	[tilespmem:s15], [sflag:$0x1] =	stream.linear.gather [hbm4b:s25+s2], $0x80, $0x38;
	[tilespmem:$0x2CF8] =	vst v63  }
0x42: {  	s25 =	sadd.s32 s24, s9;
	s24 =	smov.u32 s28  }
0x43: {  	[tilespmem:s16], [sflag:$0x1] =	stream.linear.gather [hbm4b:s25+s2], $0x80, $0x38;
	[tilespmem:$0x2CF8] =	vst v63  }
0x44: {  	_ =	swait.ge [sflag:s17], $0x80  }
0x45: {  	[sflag:s17] =	ssyncset.done $0x0  }
0x46: {  	[sflag:s17] =	ssyncadd.s32 $0xFFFFFF80  }
0x47: {  	[spmem:s1] =	stream.indirect.scatter.add.f32 [tilespmem:s11], [sflag:$0x2], $0x1, s14, s18, $0xb8;
	[tilespmem:$0x2CF8] =	vst v63  }
0x48: {  	_ =	swait.ge [sflag:s17], $0x80  }
0x49: {  	[sflag:s17] =	ssyncset.done $0x0  }
0x4a: {  	[sflag:s17] =	ssyncadd.s32 $0xFFFFFF80  }
0x4b: {  	[spmem:s1] =	stream.indirect.scatter.add.f32 [tilespmem:s11], [sflag:$0x2], $0x1, s15, s18, $0xb8;
	[tilespmem:$0x2CF8] =	vst v63  }
0x4c: {  	_ =	swait.ge [sflag:s17], $0x80  }
0x4d: {  	[sflag:s17] =	ssyncset.done $0x0  }
0x4e: {  	[sflag:s17] =	ssyncadd.s32 $0xFFFFFF80  }
0x4f: {  	[spmem:s1] =	stream.indirect.scatter.add.f32 [tilespmem:s11], [sflag:$0x2], $0x1, s16, s18, $0xb8;
	[tilespmem:$0x2CF8] =	vst v63  }
0x50: {  	_ =	swait.ge [sflag:s19], $0x80  }
0x51: {  	[sflag:s19] =	ssyncset.done $0x0  }
0x52: {  	[sflag:s19] =	ssyncadd.s32 $0xFFFFFF80  }
.Ltmp0:
0x53: {  	_ =	swait.ge [sflag:s19], $0x80;
	(pc) =	sbr.rel @p1 .LBB2_2-.Ltmp0, $4  }
0x54: {  	[sflag:s19] =	ssyncset.done $0x0  }
0x55: {  	[sflag:s19] =	ssyncadd.s32 $0xFFFFFF80  }
0x56: {  	_ =	swait.ge [sflag:s19], $0x80  }
0x57: {  	s25 =	smov.u32 s29;
	[sflag:s19] =	ssyncset.done $0x0  }
0x58: {  	s25 =	sadd.s32 s24, s5;
	[sflag:s19] =	ssyncadd.s32 $0xFFFFFF80  }
0x59: {  	[tilespmem:s14], [sflag:$0x1] =	stream.linear.gather [hbm4b:s25+s2], $0x80, $0x38;
	[tilespmem:$0x2CF8] =	vst v63  }
0x5a: {  	s30 =	sadd.s32 s24, s10  }
0x5b: {  	[tilespmem:s15], [sflag:$0x1] =	stream.linear.gather [hbm4b:s30+s2], $0x80, $0x38;
	[tilespmem:$0x2CF8] =	vst v63  }
0x5c: {  	s31 =	sadd.s32 s24, s9  }
0x5d: {  	[tilespmem:s16], [sflag:$0x1] =	stream.linear.gather [hbm4b:s31+s2], $0x80, $0x38;
	[tilespmem:$0x2CF8] =	vst v63  }
0x5e: {  	_ =	swait.ge [sflag:s17], $0x80  }
0x5f: {  	[sflag:s17] =	ssyncset.done $0x0  }
0x60: {  	[sflag:s17] =	ssyncadd.s32 $0xFFFFFF80  }
0x61: {  	[spmem:s1] =	stream.indirect.scatter.add.f32 [tilespmem:s11], [sflag:$0x2], $0x1, s14, s18, $0xb8;
	[tilespmem:$0x2CF8] =	vst v63  }
0x62: {  	_ =	swait.ge [sflag:s17], $0x80  }
0x63: {  	[sflag:s17] =	ssyncset.done $0x0  }
0x64: {  	[sflag:s17] =	ssyncadd.s32 $0xFFFFFF80  }
0x65: {  	[spmem:s1] =	stream.indirect.scatter.add.f32 [tilespmem:s11], [sflag:$0x2], $0x1, s15, s18, $0xb8;
	[tilespmem:$0x2CF8] =	vst v63  }
0x66: {  	_ =	swait.ge [sflag:s17], $0x80  }
0x67: {  	[sflag:s17] =	ssyncset.done $0x0  }
0x68: {  	[sflag:s17] =	ssyncadd.s32 $0xFFFFFF80  }
0x69: {  	[spmem:s1] =	stream.indirect.scatter.add.f32 [tilespmem:s11], [sflag:$0x2], $0x1, s16, s18, $0xb8;
	[tilespmem:$0x2CF8] =	vst v63  }
0x6a: {  	_ =	swait.ge [sflag:s19], $0x80  }
0x6b: {  	[sflag:s19] =	ssyncset.done $0x0  }
0x6c: {  	[sflag:s19] =	ssyncadd.s32 $0xFFFFFF80  }
0x6d: {  	_ =	swait.ge [sflag:s19], $0x80  }
0x6e: {  	[sflag:s19] =	ssyncset.done $0x0  }
0x6f: {  	[sflag:s19] =	ssyncadd.s32 $0xFFFFFF80  }
0x70: {  	_ =	swait.ge [sflag:s19], $0x80  }
0x71: {  	[sflag:s19] =	ssyncset.done $0x0  }
0x72: {  	[sflag:s19] =	ssyncadd.s32 $0xFFFFFF80  }
0x73: {  	[tilespmem:s20], [sflag:$0x3] =	stream.linear.gather [hbm4b:s6+s2], $0x10, $0x38;
	[tilespmem:$0x2CF8] =	vst v63  }
0x74: {  	_ =	swait.ge [sflag:s12], $0x10  }
0x75: {  	[sflag:s12] =	ssyncset.done $0x0  }
0x76: {  	[sflag:s12] =	ssyncadd.s32 $0xFFFFFFF0  }
0x77: {  	[spmem:s1] =	stream.indirect.scatter.add.f32 [tilespmem:s13], [sflag:$0x3], $0x1, s20, s21, $0xb8;
	[tilespmem:$0x2CF8] =	vst v63  }
0x78: {  	_ =	swait.ge [sflag:s12], $0x10  }
0x79: {  	s24 =	simm.s32 @!p0 $0x1;
	s26 =	simm.s32 @!p0 $0x10;
	[sflag:s12] =	ssyncset.done $0x0  }
0x7a: {  	s28 =	simm.s32 @!p0 $0x1C03;
	s23 =	sadd.s32 $0x1, s23;
	[sflag:s12] =	ssyncadd.s32 $0xFFFFFFF0  }
0x7b: {  	s25 =	simm.s32 @!p0 $0x20;
	p1 =	sne.s32 s23, s8;
	[bflag:$0x0] =	sbarrier.arrive $0xFFFF  }
0x7c: {  	[hbm:s7@s25], [sflag:s28] =	dma.strided @!p0 [spmem:s22@s26], $0x4F0, s24, $0x10   }
.Ltmp1:
0x7d: {  	_ = 	snop;
	(pc) =	sbr.rel @p1 .LBB2_1-.Ltmp1, $4  }
0x7e: {  	s24 =	simm.s32 @!p0 $0x3  }
0x7f: {  	_ =	swait.ge @!p0 [sflag:s24], $0x4F0  }
0x80: {  	[sflag:s24] =	ssyncset.done @!p0 $0x0  }
0x81: {  	[sflag:s24] =	ssyncadd.s32 @!p0 $0xFFFFFB10  }
0x82: {  	_ =	sfence.sel $0x180000  }
0x83: {  	[bflag:$0x0] =	sbarrier.arrive $0xFFFF  }
0x84: {  	_ =	strace $0x90000047  }
0x85: {  	s0 =	sadd.s32 @!p0 $0x100000, s0;
	[bflag:$0x2] =	sbarrier.arrive $0xFFFF  }
0x86: {  	[sflag:s0] =	ssyncadd.tile.s32 @!p0 $0x1;
	_ =	shalt  }
.Lfunc_end2:
_tile_overlayer_lowered:
.L_overlay_start_2:
0x87: {  	(tag) =	ssettag $0x2  }
0x88: {  	s0 =	rddreg [dreg:$0x0];
	s2 =	stileid.u32  }
0x89: {  	s1 =	rddreg [dreg:$0x1];
	p0 =	sne.s32 s2, $0x0  }
0x8a: {  	s3 =	rddreg [dreg:$0x2];
	[bflag:$0x3] =	sbarrier.arrive $0xFFFF;
	s2 =	simm.s32 @!p0 $0x1C03  }
0x8b: {  	[timem:s3], [sflag:s2] =	dma.local @!p0 [hbm:s0], s1  }
0x8c: {  	s0 =	simm.s32 @!p0 $0x3  }
0x8d: {  	_ =	swait.ge @!p0 [sflag:s0], s1  }
0x8e: {  	s1 =	ssub.s32 @!p0 $0x0, s1;
	[sflag:s0] =	ssyncset.done @!p0 $0x0  }
0x8f: {  	[sflag:s0] =	ssyncadd.s32 @!p0 s1  }
0x90: {  	[bflag:$0x3] =	sbarrier.arrive $0xFFFF  }
0x91: {  	_ =	shalt  }

// kernel: kernel.13.cloned.1.call-start
scs
__scs_entry_jumppad:
0x0: {  	(pc) =	sbr.rel $0x88, $3  }
0x1: {  	(tag) =	ssettag $0x0;
	lr =	simm.s32 $0x1  }
0x2: {  	[smem:$0x3F99] =	sst lr;
	_ =	strace $0xD0000000  }
0x3: {  	_ = 	snop  }
0x4: {  	_ = 	snop  }
0x5: {  	_ = 	snop  }
0x6: {  	_ = 	snop  }
0x7: {  	_ = 	snop  }
__scs_overlays_trampoline_lowered:
0x8: {  	[smem:$0x3FA8] =	sst s0  }
0x9: {  	[smem:$0x3FA9] =	sst s1  }
0xa: {  	[smem:$0x3FAA] =	sst s2  }
0xb: {  	[smem:$0x3FAB] =	sst s3  }
0xc: {  	[smem:$0x3FAC] =	sst s4  }
0xd: {  	[smem:$0x3FAD] =	sst s5  }
0xe: {  	[smem:$0x3FAE] =	sst s6  }
0xf: {  	[smem:$0x3FAF] =	sst s7  }
0x10: {  	[smem:$0x3FB0] =	sst s8  }
0x11: {  	[smem:$0x3FB1] =	sst s9;
	s0 =	simm.s32 @!p0 $0x0  }
0x12: {  	s1 =	sld [smem:$0x3F97];
	s0 =	simm.s32 @p0 $0x1  }
0x13: {  	[smem:$0x3FB2] =	sst s0;
	s0 =	simm.s32 @!p1 $0x0  }
0x14: {  	s2 =	sld [smem:$0x3F96];
	s0 =	simm.s32 @p1 $0x1  }
0x15: {  	[smem:$0x3FB3] =	sst s0;
	s0 =	simm.s32 @!p2 $0x0  }
0x16: {  	s3 =	sld [smem:$0x3FDB];
	s0 =	simm.s32 @p2 $0x1  }
0x17: {  	s4 =	simm.s32 $0x1BF5;
	[smem:$0x3FB5] =	sst s0  }
0x18: {  	s0 =	sld [smem:$0x3F98];
	_ =	swait.ge [sflag:s4], $0x0  }
0x19: {  	s7 =	sld [smem:$0x3F99]  }
0x1a: {  	s8 =	sadd.s32 $0xFFFFE003, lr  }
0x1b: {  	s9 =	sadd.s32 $0xFFFFFEF7, lr;
	s5 =	simm.s32 $0xFFFFFFFF;
	p2 =	slt.u32 s8, $0xFFFFF086  }
0x1c: {  	p1 =	slt.u32 s9, $0xF7A;
	s5 =	simm.s32 @!p2 $0x0  }
0x1d: {  	s5 =	simm.s32 @p1 $0x1;
	p0 =	seq.s32 s7, s2  }
0x1e: {  	s7 =	smul.u32 @!p0 $0xF7A, s2;
	p2 =	seq.s32 @!p0 s5, $0x0  }
0x1f: {  	s9 =	smul.u32 $0xF7A, s1;
	s8 =	simm.s32 @!p0 $0x1BF5;
	p2 =	por !p2, p0  }
0x20: {  	[sflag:s8] =	ssyncset.s32 @!p0 $0xFFFFF086;
	s6 =	sadd.s32 @!p0 s3, s7;
	s7 =	simm.s32 @!p0 $0x108  }
0x21: {  	s3 =	sadd.s32 s3, s9;
	s6 =	sadd.s32 @!p0 $0x88, s6;
	s7 =	simm.s32 @p2 $0x1082  }
0x22: {  	[simem:s7], [sflag:s8] =	dma.local @!p0 [hbm:s6], $0xF7A  }
0x23: {  	s9 =	sor.u32 $0xD0000000, s2;
	s6 =	simm.s32 $0x108;
	_ =	swait.ge @!p0 [sflag:s8], $0x0  }
0x24: {  	s3 =	sadd.s32 $0x88, s3;
	s6 =	simm.s32 @!p1 $0x1082;
	[sflag:s4] =	ssyncset.s32 $0xFFFFF086  }
0x25: {  	[simem:s6], [sflag:s4] =	dma.local [hbm:s3], $0xF7A  }
0x26: {  	[smem:$0x3F99] =	sst s1;
	(tag) =	ssettag s2;
	_ =	strace s9  }
0x27: {  	s1 =	sld [smem:$0x3FA9]  }
0x28: {  	s2 =	sld [smem:$0x3FAA]  }
0x29: {  	s4 =	sld [smem:$0x3FAC]  }
0x2a: {  	p0 =	seq.s32 s5, $0x0;
	s5 =	sld [smem:$0x3FAD]  }
0x2b: {  	s6 =	sld [smem:$0x3FAE]  }
0x2c: {  	s7 =	sld [smem:$0x3FAF]  }
0x2d: {  	s3 =	simm.s32 $0x108;
	s8 =	sld [smem:$0x3FB0]  }
0x2e: {  	s3 =	simm.s32 @!p0 $0x1082;
	s9 =	sld [smem:$0x3FB1]  }
0x2f: {  	lr =	sadd.s32 s0, s3;
	s0 =	sld [smem:$0x3FA8]  }
0x30: {  	s3 =	sld [smem:$0x3FAB]  }
0x31: {  	[smem:$0x3FB4] =	sst s10  }
0x32: {  	s10 =	sld [smem:$0x3FB2];
	_ =	sdelay $0x3  }
0x33: {  	p0 =	seq.s32 s10, $0x1;
	s10 =	sld [smem:$0x3FB4];
	_ =	sdelay $0x3  }
0x34: {  	[smem:$0x3FB4] =	sst s10  }
0x35: {  	s10 =	sld [smem:$0x3FB3];
	_ =	sdelay $0x3  }
0x36: {  	p1 =	seq.s32 s10, $0x1;
	s10 =	sld [smem:$0x3FB4];
	_ =	sdelay $0x3  }
0x37: {  	[smem:$0x3FB4] =	sst s10  }
0x38: {  	s10 =	sld [smem:$0x3FB5]  }
0x39: {  	_ = 	snop;
	(pc) =	sbr.ind lr, $3  }
0x3a: {  	_ = 	snop  }
0x3b: {  	_ = 	snop  }
0x3c: {  	p2 =	seq.s32 s10, $0x1;
	s10 =	sld [smem:$0x3FB4]  }
0x3d: {  	_ =	shalt  }
0x3e: {  	_ =	shalt  }
0x3f: {  	_ =	shalt  }
0x40: {  	_ =	shalt  }
0x41: {  	_ =	shalt  }
0x42: {  	_ =	shalt  }
0x43: {  	_ =	shalt  }
0x44: {  	_ =	shalt  }
0x45: {  	_ =	shalt  }
0x46: {  	_ =	shalt  }
0x47: {  	_ =	shalt  }
0x48: {  	_ =	shalt  }
0x49: {  	_ =	shalt  }
0x4a: {  	_ =	shalt  }
0x4b: {  	_ =	shalt  }
0x4c: {  	_ =	shalt  }
0x4d: {  	_ =	shalt  }
0x4e: {  	_ =	shalt  }
0x4f: {  	_ =	shalt  }
0x50: {  	_ =	shalt  }
0x51: {  	_ =	shalt  }
0x52: {  	_ =	shalt  }
0x53: {  	_ =	shalt  }
0x54: {  	_ =	shalt  }
0x55: {  	_ =	shalt  }
0x56: {  	_ =	shalt  }
0x57: {  	_ =	shalt  }
0x58: {  	_ =	shalt  }
0x59: {  	_ =	shalt  }
0x5a: {  	_ =	shalt  }
0x5b: {  	_ =	shalt  }
0x5c: {  	_ =	shalt  }
0x5d: {  	_ =	shalt  }
0x5e: {  	_ =	shalt  }
0x5f: {  	_ =	shalt  }
0x60: {  	_ =	shalt  }
0x61: {  	_ =	shalt  }
0x62: {  	_ =	shalt  }
0x63: {  	_ =	shalt  }
0x64: {  	_ =	shalt  }
0x65: {  	_ =	shalt  }
0x66: {  	_ =	shalt  }
0x67: {  	_ =	shalt  }
0x68: {  	_ =	shalt  }
0x69: {  	_ =	shalt  }
0x6a: {  	_ =	shalt  }
0x6b: {  	_ =	shalt  }
0x6c: {  	_ =	shalt  }
0x6d: {  	_ =	shalt  }
0x6e: {  	_ =	shalt  }
0x6f: {  	_ =	shalt  }
0x70: {  	_ =	shalt  }
0x71: {  	_ =	shalt  }
0x72: {  	_ =	shalt  }
0x73: {  	_ =	shalt  }
0x74: {  	_ =	shalt  }
0x75: {  	_ =	shalt  }
0x76: {  	_ =	shalt  }
0x77: {  	_ =	shalt  }
0x78: {  	_ =	shalt  }
0x79: {  	_ =	shalt  }
0x7a: {  	_ =	shalt  }
0x7b: {  	_ =	shalt  }
0x7c: {  	_ =	shalt  }
0x7d: {  	_ =	shalt  }
0x7e: {  	_ =	shalt  }
0x7f: {  	_ =	shalt  }
0x80: {  	_ =	shalt  }
0x81: {  	_ =	shalt  }
0x82: {  	_ =	shalt  }
0x83: {  	_ =	shalt  }
0x84: {  	_ =	shalt  }
0x85: {  	_ =	shalt  }
0x86: {  	_ =	shalt  }
0x87: {  	_ =	shalt  }
.Lfunc_end0:
.L_simem_size_0:
called_computation.1_lowered:
.L_overlay_start_0:
0x88: {  	s2 =	sld [smem:$0x3FD9]  }
0x89: {  	s3 =	sld [smem:$0x3FFE];
	_ =	sdelay $0x1  }
0x8a: {  	s1 =	srdreg.scid  }
0x8b: {  	s0 =	sand.u32 $0x1, s1  }
0x8c: {  	s17 =	sshll.u32 s0, $0xA;
	s2 =	sadd.s32 s3, s2  }
0x8d: {  	s2 =	sadd.s32 s2, s17  }
0x8e: {  	[smem:$0x3FC0] =	sst s2  }
0x8f: {  	_ = 	snop  }
0x90: {  	s2 =	sld [smem:$0x3FD0];
	(tm) =	ssettm $0x1  }
0x91: {  	s18 =	sld [smem:$0x3FFB];
	_ =	sdelay $0x3  }
0x92: {  	_ =	strace s18  }
0x93: {  	s3 =	sld [smem:$0x3FFC];
	_ =	sdelay $0x3  }
0x94: {  	_ =	strace s3  }
0x95: {  	s3 =	sld [smem:$0x3FFD];
	_ =	sdelay $0x3  }
0x96: {  	_ =	strace s3  }
0x97: {  	_ =	strace $0x8FFFFFFF  }
0x98: {  	s19 =	sld [smem:$0x3FDB];
	_ =	sdelay $0x1  }
0x99: {  	s4 =	simm.s32 $_scs_section_size  }
0x9a: {  	s5 =	simm.s32 $_size__tile_overlayer_lowered;
	s6 =	simm.s32 $_tile_overlayer_lowered  }
0x9b: {  	s22 =	simm.s32 $0x1BFF;
	s21 =	sshll.u32 s6, $0x1;
	s3 =	sadd.s32 s4, s19  }
0x9c: {  	s7 =	simm.s32 $0x0;
	s20 =	sshll.u32 s5, $0x1;
	s5 =	sadd.s32 s21, s3  }
0x9d: {  	[timem:s7], [sflag:s22] =	dma.local [hbm:s5], s20  }
0x9e: {  	_ =	swait.ge [sflag:s22], s20  }
0x9f: {  	s4 =	ssub.s32 $0x0, s20;
	[sflag:s22] =	ssyncset.done $0x0  }
0xa0: {  	[sflag:s22] =	ssyncadd.s32 s4;
	_ =	sdelay $0x1  }
0xa1: {  	s23 =	simm.s32 $0x1B8B  }
0xa2: {  	_ =	swait.ge [sflag:s23], $0x1  }
0xa3: {  	[sflag:s23] =	ssyncset.done $0x0  }
0xa4: {  	s25 =	simm.s32 $0x1B8E;
	s24 =	sld [smem:$0x3FFE];
	[sflag:s23] =	ssyncadd.s32 $0xFFFFFFFF  }
0xa5: {  	s26 =	simm.s32 $execute0_lowered;
	[smem:$0x3FD2] =	sst s25  }
0xa6: {  	s5 =	sshll.u32 s26, $0x1;
	_ =	strace $0x80000049;
	[dreg:$0x1] =	wrdreg $0xFFFFFFFF  }
0xa7: {  	s28 =	simm.s32 $_size_execute0_lowered;
	s3 =	sadd.s32 s3, s5;
	[dreg:$0x0] =	wrdreg $0x0  }
0xa8: {  	s5 =	sshll.u32 s28, $0x1;
	[dreg:$0x2] =	wrdreg s3  }
0xa9: {  	[dreg:$0x3] =	wrdreg s5  }
0xaa: {  	[dreg:$0x4] =	wrdreg $0xC0  }
0xab: {  	_ =	task [dreg:s7], $0x5FFFF  }
0xac: {  	[dreg:$0x1] =	wrdreg $0xFFFFFFFF  }
0xad: {  	[dreg:$0x0] =	wrdreg $0x60  }
0xae: {  	[dreg:$0x2] =	wrdreg s24  }
0xaf: {  	[dreg:$0x3] =	wrdreg s2  }
0xb0: {  	[dreg:$0x4] =	wrdreg $0x0  }
0xb1: {  	[dreg:$0x5] =	wrdreg $0x9  }
0xb2: {  	_ =	task.clear_ibuf [dreg:s7], $0x6FFFF;
	_ =	strace $0x90000049  }
0xb3: {  	s29 =	simm.s32 $0x9;
	_ =	strace $0x8000004B  }
0xb4: {  	_ =	swait.ge [sflag:s29], $0x1  }
0xb5: {  	[sflag:s29] =	ssyncadd.s32 $0xFFFFFFFF  }
0xb6: {  	_ =	strace $0x9000004B  }
0xb7: {  	_ =	sfence  }
0xb8: {  	s30 =	sld [smem:$0x0];
	_ =	sdelay $0x2  }
0xb9: {  	s31 =	sshll.u32 s1, $0xD;
	s1 =	sshrl.u32 s1, $0x2  }
0xba: {  	s3 =	sand.u32 $0x4000, s31;
	s1 =	sadd.s32 s1, s30  }
0xbb: {  	s0 =	sor.u32 s3, s0;
	s1 =	sshll.u32 s1, $0x11  }
0xbc: {  	s0 =	sor.u32 s1, s0  }
0xbd: {  	s0 =	sadd.s32 $0x8F2B, s0  }
0xbe: {  	[sflag:s0] =	ssyncadd.remote.s32 $0x1  }
0xbf: {  	_ =	sfence.sel $0xFFFF  }
0xc0: {  	[dreg:$0x0] =	wrdreg $0xFFFFFFFF;
	(pc) =	sbr.abs _section_cstart, $3  }
0xc1: {  	[dreg:$0x1] =	wrdreg $0xFFFFFFFF  }
0xc2: {  	_ =	task.clear_ibuf [dreg:s7], $0x2FFFF;
	_ =	strace $0x9FFFFFFF  }
0xc3: {  	(tm) =	ssettm $0x7FFFFFFF  }
tec
execute0_lowered:
.L_overlay_start_1:
0x0: {  	(tag) =	ssettag $0x1  }
0x1: {  	s0 =	rddreg [dreg:$0x0]  }
0x2: {  	s3 =	rddreg [dreg:$0x1]  }
0x3: {  	s1 =	rddreg [dreg:$0x2];
	s2 =	simm.s32 $0x0;
	s4 =	srdreg.scid  }
0x4: {  	s18 =	stileid.u32;
	s16 =	simm.s32 $0x13880;
	s20 =	simm.s32 $0x2  }
0x5: {  	s21 =	simm.s32 $0x16000;
	s28 =	simm.s32 $0x1;
	s29 =	simm.s32 $0x3  }
0x6: {  	s30 =	simm.s32 $0x1E100;
	s31 =	simm.s32 $0x4;
	[smem:$0x7FF] =	sst s2  }
0x7: {  	s7 =	sand.u32 $0x1, s4;
	s4 =	sadd.s32 $0xCA00, s0;
	s9 =	smul.u32 $0x2710, s18  }
0x8: {  	s5 =	sadd.s32 $0x2C00, s0;
	s6 =	sadd.s32 $0x33C00, s0;
	s11 =	smul.u32 $0x4F000, s18  }
0x9: {  	s0 =	sadd.s32 $0x36400, s0;
	s13 =	smul.u32 $0x13C00, s18;
	s17 =	sadd.s32 $0x128400, s1  }
0xa: {  	p0 =	seq.s32 s18, $0xF;
	_ =	strace $0x8000004A;
	s8 =	smul.u32 $0x27100, s7  }
0xb: {  	s10 =	ssub.s32 $0x2, s7;
	s7 =	smul.u32 $0x138800, s7;
	s17 =	sshrl.u32 @p0 s17, $0x3  }
0xc: {  	s12 =	sshrl.u32 s10, $0x1;
	s11 =	sshrl.u32 s11, $0x2;
	s9 =	sadd.s32 s9, s8  }
0xd: {  	s10 =	ssub.s32 s10, s12;
	s22 =	sadd.s32 s13, s7;
	s7 =	sshrl.u32 s7, $0x3  }
0xe: {  	s8 =	sshrl.u32 s9, $0x3;
	s7 =	sadd.s32 s0, s7;
	s25 =	smax.u32 s10, $0x1  }
0xf: {  	s26 =	sadd.s32 $0x180, s9;
	s14 =	sadd.s32 $0x100, s9;
	s3 =	sadd.s32 s3, s8  }
0x10: {  	s8 =	sadd.s32 s5, s8;
	s24 =	sadd.s32 $0x25080, s7;
	[dreg:$0x8] =	wrdreg s25  }
0x11: {  	s25 =	simm.s32 $0x1E180;
	[dreg:$0x4] =	wrdreg s3;
	s3 =	sadd.s32 s11, s1  }
0x12: {  	s11 =	sshrl.u32 s22, $0x3;
	s23 =	sadd.s32 $0x4E0, s8;
	[dreg:$0x7] =	wrdreg s24  }
0x13: {  	s13 =	sadd.s32 $0x10, s8;
	s22 =	simm.s32 $0x80;
	s24 =	simm.s32 $0x16080  }
0x14: {  	[dreg:$0x5] =	wrdreg s23;
	s0 =	sadd.s32 s0, s11;
	s19 =	sshrl.u32 @!p0 s3, $0x3  }
0x15: {  	s23 =	simm.s32 $0x16100;
	[dreg:$0x6] =	wrdreg s0;
	s0 =	sshrl.u32 s26, $0x3  }
0x16: {  	s3 =	simm.s32 $0x0;
	s15 =	sadd.s32 s0, s5;
	s0 =	sshll.u32 @!p0 s18, $0x6  }
0x17: {  	s26 =	simm.s32 $0x1A100;
	s18 =	sor.u32 @!p0 $0x1C04, s0;
	s0 =	simm.s32 $0x10  }
.LBB2_1:
0x18: {  	s7 =	rddreg [dreg:$0x4]  }
0x19: {  	[tilespmem:s16], [sflag:$0x2] =	stream.linear.gather [hbm4b:s7+s2], $0x2710, $0x38;
	[tilespmem:$0x1E980] =	vst v63  }
0x1a: {  	s7 =	simm.s32 @p0 $0x1FC4  }
0x1b: {  	[spmem:s17], [sflag:s7] =	dma.local @p0 [hbm:s6], $0x2080  }
0x1c: {  	s7 =	simm.s32 @p0 $0x4  }
0x1d: {  	_ =	swait.ge @p0 [sflag:s7], $0x2080  }
0x1e: {  	[sflag:s7] =	ssyncset.done @p0 $0x0  }
0x1f: {  	[sflag:s7] =	ssyncadd.s32 @p0 $0xFFFFDF80;
	s7 =	simm.s32 @!p0 $0x4  }
0x20: {  	[spmem:s19], [sflag:s18] =	dma.local @!p0 [hbm:s6], $0x2780  }
0x21: {  	_ =	swait.ge @!p0 [sflag:s7], $0x2780  }
0x22: {  	[sflag:s7] =	ssyncset.done @!p0 $0x0  }
0x23: {  	[sflag:s7] =	ssyncadd.s32 @!p0 $0xFFFFD880  }
0x24: {  	_ =	swait.ge [sflag:s20], $0x2710  }
0x25: {  	[sflag:s20] =	ssyncset.done $0x0  }
0x26: {  	[sflag:s20] =	ssyncadd.s32 $0xFFFFD8F0  }
0x27: {  	[bflag:$0x0] =	sbarrier.arrive $0xFFFF  }
0x28: {  	[tilespmem:s21], [sflag:$0x2] =	stream.linear.gather [hbm4b:s8+s2], $0x80, $0x38;
	[tilespmem:$0x1E980] =	vst v63  }
0x29: {  	_ = 	snop  }
0x2a: {  	[tilespmem:s23], [sflag:$0x1] =	stream.indirect.gather [hbm4b:s4+s22], $0x80, s16, s22, $0xb8;
	[tilespmem:$0x1E980] =	vst v63  }
0x2b: {  	_ = 	snop  }
0x2c: {  	[tilespmem:s24], [sflag:$0x2] =	stream.linear.gather [hbm4b:s13+s2], $0x80, $0x38;
	[tilespmem:$0x1E980] =	vst v63  }
0x2d: {  	s12 =	simm.s32 $0x13900  }
0x2e: {  	[tilespmem:s26], [sflag:$0x1] =	stream.indirect.gather [hbm4b:s4+s22], $0x80, s12, s22, $0xb8;
	[tilespmem:$0x1E980] =	vst v63  }
0x2f: {  	_ =	swait.ge [sflag:s20], $0x80  }
0x30: {  	[sflag:s20] =	ssyncset.done $0x0  }
0x31: {  	[sflag:s20] =	ssyncadd.s32 $0xFFFFFF80  }
0x32: {  	_ =	swait.ge [sflag:s28], $0x4000  }
0x33: {  	[sflag:s28] =	ssyncset.done $0x0  }
0x34: {  	[sflag:s28] =	ssyncadd.s32 $0xFFFFC000  }
0x35: {  	[spmem:s1] =	stream.indirect.scatter.add.f32 [tilespmem:s23], [sflag:$0x3], $0x80, s21, s22, $0xb8;
	[tilespmem:$0x1E980] =	vst v63  }
0x36: {  	_ =	swait.ge [sflag:s20], $0x80  }
0x37: {  	[sflag:s20] =	ssyncset.done $0x0  }
0x38: {  	[sflag:s20] =	ssyncadd.s32 $0xFFFFFF80  }
0x39: {  	_ =	swait.ge [sflag:s28], $0x4000  }
0x3a: {  	[sflag:s28] =	ssyncset.done $0x0  }
0x3b: {  	[sflag:s28] =	ssyncadd.s32 $0xFFFFC000  }
0x3c: {  	[spmem:s1] =	stream.indirect.scatter.add.f32 [tilespmem:s26], [sflag:$0x3], $0x80, s24, s22, $0xb8;
	[tilespmem:$0x1E980] =	vst v63  }
0x3d: {  	_ =	swait.ge [sflag:s29], $0x4000  }
0x3e: {  	s9 =	sshrl.u32 s14, $0x3;
	[sflag:s29] =	ssyncset.done $0x0  }
0x3f: {  	s7 =	sadd.s32 s5, s9;
	[sflag:s29] =	ssyncadd.s32 $0xFFFFC000  }
0x40: {  	[tilespmem:s21], [sflag:$0x2] =	stream.linear.gather [hbm4b:s7+s2], $0x80, $0x38;
	[tilespmem:$0x1E980] =	vst v63  }
0x41: {  	s10 =	simm.s32 $0x13980  }
0x42: {  	[tilespmem:s23], [sflag:$0x1] =	stream.indirect.gather [hbm4b:s4+s22], $0x80, s10, s22, $0xb8;
	[tilespmem:$0x1E980] =	vst v63  }
0x43: {  	_ =	swait.ge [sflag:s29], $0x4000  }
0x44: {  	[sflag:s29] =	ssyncset.done $0x0  }
0x45: {  	s11 =	sadd.s32 $0x0, s15;
	[sflag:s29] =	ssyncadd.s32 $0xFFFFC000  }
0x46: {  	[tilespmem:s24], [sflag:$0x2] =	stream.linear.gather [hbm4b:s11+s2], $0x80, $0x38;
	[tilespmem:$0x1E980] =	vst v63  }
0x47: {  	s12 =	simm.s32 $0x13A00  }
0x48: {  	[tilespmem:s26], [sflag:$0x1] =	stream.indirect.gather [hbm4b:s4+s22], $0x80, s12, s22, $0xb8;
	[tilespmem:$0x1E980] =	vst v63  }
0x49: {  	_ =	swait.ge [sflag:s20], $0x80  }
0x4a: {  	[sflag:s20] =	ssyncset.done $0x0  }
0x4b: {  	[sflag:s20] =	ssyncadd.s32 $0xFFFFFF80  }
0x4c: {  	_ =	swait.ge [sflag:s28], $0x4000  }
0x4d: {  	[sflag:s28] =	ssyncset.done $0x0  }
0x4e: {  	[sflag:s28] =	ssyncadd.s32 $0xFFFFC000  }
0x4f: {  	[spmem:s1] =	stream.indirect.scatter.add.f32 [tilespmem:s23], [sflag:$0x3], $0x80, s21, s22, $0xb8;
	[tilespmem:$0x1E980] =	vst v63  }
0x50: {  	_ =	swait.ge [sflag:s20], $0x80  }
0x51: {  	[sflag:s20] =	ssyncset.done $0x0  }
0x52: {  	[sflag:s20] =	ssyncadd.s32 $0xFFFFFF80  }
0x53: {  	_ =	swait.ge [sflag:s28], $0x4000  }
0x54: {  	s9 =	simm.s32 $0x13B00;
	[sflag:s28] =	ssyncset.done $0x0  }
0x55: {  	s7 =	simm.s32 $0x20;
	s10 =	sadd.s32 $0x100, s14;
	[sflag:s28] =	ssyncadd.s32 $0xFFFFC000  }
.LBB2_2:
0x56: {  	[spmem:s1] =	stream.indirect.scatter.add.f32 [tilespmem:s26], [sflag:$0x3], $0x80, s24, s22, $0xb8;
	[tilespmem:$0x1E980] =	vst v63  }
0x57: {  	s11 =	smov.u32 s7  }
0x58: {  	p1 =	sne.s32 s7, $0x4A0;
	s7 =	sadd.s32 $0x20, s7;
	_ =	swait.ge [sflag:s29], $0x4000  }
0x59: {  	s12 =	sshrl.u32 s10, $0x3;
	[sflag:s29] =	ssyncset.done $0x0  }
0x5a: {  	s12 =	sadd.s32 s5, s12;
	[sflag:s29] =	ssyncadd.s32 $0xFFFFC000  }
0x5b: {  	[tilespmem:s21], [sflag:$0x2] =	stream.linear.gather [hbm4b:s12+s2], $0x80, $0x38;
	[tilespmem:$0x1E980] =	vst v63  }
0x5c: {  	s12 =	sadd.s32 $0xFFFFFF80, s9  }
0x5d: {  	[tilespmem:s23], [sflag:$0x1] =	stream.indirect.gather [hbm4b:s4+s22], $0x80, s12, s22, $0xb8;
	[tilespmem:$0x1E980] =	vst v63  }
0x5e: {  	_ =	swait.ge [sflag:s29], $0x4000  }
0x5f: {  	[sflag:s29] =	ssyncset.done $0x0  }
0x60: {  	s11 =	sadd.s32 s11, s15;
	[sflag:s29] =	ssyncadd.s32 $0xFFFFC000  }
0x61: {  	[tilespmem:s24], [sflag:$0x2] =	stream.linear.gather [hbm4b:s11+s2], $0x80, $0x38;
	[tilespmem:$0x1E980] =	vst v63  }
0x62: {  	_ = 	snop  }
0x63: {  	[tilespmem:s26], [sflag:$0x1] =	stream.indirect.gather [hbm4b:s4+s22], $0x80, s9, s22, $0xb8;
	[tilespmem:$0x1E980] =	vst v63  }
0x64: {  	_ =	swait.ge [sflag:s20], $0x80  }
0x65: {  	[sflag:s20] =	ssyncset.done $0x0  }
0x66: {  	[sflag:s20] =	ssyncadd.s32 $0xFFFFFF80  }
0x67: {  	_ =	swait.ge [sflag:s28], $0x4000  }
0x68: {  	[sflag:s28] =	ssyncset.done $0x0  }
0x69: {  	[sflag:s28] =	ssyncadd.s32 $0xFFFFC000  }
0x6a: {  	[spmem:s1] =	stream.indirect.scatter.add.f32 [tilespmem:s23], [sflag:$0x3], $0x80, s21, s22, $0xb8;
	[tilespmem:$0x1E980] =	vst v63  }
0x6b: {  	_ =	swait.ge [sflag:s20], $0x80  }
.Ltmp0:
0x6c: {  	[sflag:s20] =	ssyncset.done $0x0;
	(pc) =	sbr.rel @p1 .LBB2_2-.Ltmp0, $4  }
0x6d: {  	[sflag:s20] =	ssyncadd.s32 $0xFFFFFF80  }
0x6e: {  	_ =	swait.ge [sflag:s28], $0x4000  }
0x6f: {  	[sflag:s28] =	ssyncset.done $0x0  }
0x70: {  	s10 =	sadd.s32 $0x100, s10;
	s9 =	sadd.s32 $0x100, s9;
	[sflag:s28] =	ssyncadd.s32 $0xFFFFC000  }
0x71: {  	[spmem:s1] =	stream.indirect.scatter.add.f32 [tilespmem:s26], [sflag:$0x3], $0x80, s24, s22, $0xb8;
	[tilespmem:$0x1E980] =	vst v63  }
0x72: {  	_ =	swait.ge [sflag:s29], $0x4000  }
0x73: {  	[sflag:s29] =	ssyncset.done $0x0  }
0x74: {  	[sflag:s29] =	ssyncadd.s32 $0xFFFFC000  }
0x75: {  	_ =	swait.ge [sflag:s29], $0x4000  }
0x76: {  	[sflag:s29] =	ssyncset.done $0x0  }
0x77: {  	s7 =	rddreg [dreg:$0x5];
	[sflag:s29] =	ssyncadd.s32 $0xFFFFC000  }
0x78: {  	[tilespmem:s30], [sflag:$0x4] =	stream.linear.gather [hbm4b:s7+s2], $0x10, $0x38;
	[tilespmem:$0x1E980] =	vst v63  }
0x79: {  	_ =	swait.ge [sflag:s31], $0x10  }
0x7a: {  	[sflag:s31] =	ssyncset.done $0x0  }
0x7b: {  	s11 =	simm.s32 $0x15F80;
	[sflag:s31] =	ssyncadd.s32 $0xFFFFFFF0  }
0x7c: {  	[tilespmem:s25], [sflag:$0x1] =	stream.indirect.gather [hbm4b:s4+s0], $0x80, s11, s0, $0xb8;
	[tilespmem:$0x1E980] =	vst v63  }
0x7d: {  	_ =	swait.ge [sflag:s28], $0x800  }
0x7e: {  	[sflag:s28] =	ssyncset.done $0x0  }
0x7f: {  	[sflag:s28] =	ssyncadd.s32 $0xFFFFF800  }
0x80: {  	[spmem:s1] =	stream.indirect.scatter.add.f32 [tilespmem:s25], [sflag:$0x4], $0x80, s30, s0, $0xb8;
	[tilespmem:$0x1E980] =	vst v63  }
0x81: {  	_ =	swait.ge [sflag:s31], $0x800  }
0x82: {  	[sflag:s31] =	ssyncset.done $0x0  }
0x83: {  	[sflag:s31] =	ssyncadd.s32 $0xFFFFF800  }
0x84: {  	[bflag:$0x0] =	sbarrier.arrive $0xFFFF  }
0x85: {  	s7 =	simm.s32 @p0 $0x1FC4;
	s9 =	rddreg [dreg:$0x7]  }
0x86: {  	[hbm:s9], [sflag:s7] =	dma.local @p0 [spmem:s17], $0x2080  }
0x87: {  	s7 =	simm.s32 @p0 $0x4  }
0x88: {  	_ =	swait.ge @p0 [sflag:s7], $0x2080  }
0x89: {  	[sflag:s7] =	ssyncset.done @p0 $0x0  }
0x8a: {  	[sflag:s7] =	ssyncadd.s32 @p0 $0xFFFFDF80;
	s7 =	rddreg [dreg:$0x6]  }
0x8b: {  	[hbm:s7], [sflag:s18] =	dma.local @!p0 [spmem:s19], $0x2780  }
0x8c: {  	s7 =	simm.s32 @!p0 $0x4  }
0x8d: {  	_ =	swait.ge @!p0 [sflag:s7], $0x2780  }
0x8e: {  	s3 =	sadd.s32 $0x1, s3;
	s12 =	rddreg [dreg:$0x8]  }
0x8f: {  	p1 =	sne.s32 s3, s12  }
.Ltmp1:
0x90: {  	_ = 	snop;
	(pc) =	sbr.rel @p1 .LBB2_1-.Ltmp1, $3  }
0x91: {  	_ =	sdelay $0x1  }
0x92: {  	[sflag:s7] =	ssyncset.done @!p0 $0x0  }
0x93: {  	[sflag:s7] =	ssyncadd.s32 @!p0 $0xFFFFD880  }
0x94: {  	_ =	sfence.sel $0x180000  }
0x95: {  	[bflag:$0x0] =	sbarrier.arrive $0xFFFF  }
0x96: {  	_ =	strace $0x9000004A  }
0x97: {  	s0 =	stileid.u32;
	[bflag:$0x2] =	sbarrier.arrive $0xFFFF  }
0x98: {  	p0 =	sne.s32 s0, $0x0;
	s0 =	rddreg [dreg:$0x3]  }
0x99: {  	s0 =	sadd.s32 @!p0 $0x100000, s0  }
0x9a: {  	[sflag:s0] =	ssyncadd.tile.s32 @!p0 $0x1;
	_ =	shalt  }
.Lfunc_end2:
_tile_overlayer_lowered:
.L_overlay_start_2:
0x9b: {  	(tag) =	ssettag $0x2  }
0x9c: {  	s0 =	rddreg [dreg:$0x0];
	s2 =	stileid.u32  }
0x9d: {  	s1 =	rddreg [dreg:$0x1];
	p0 =	sne.s32 s2, $0x0  }
0x9e: {  	s3 =	rddreg [dreg:$0x2];
	[bflag:$0x3] =	sbarrier.arrive $0xFFFF;
	s2 =	simm.s32 @!p0 $0x1C04  }
0x9f: {  	[timem:s3], [sflag:s2] =	dma.local @!p0 [hbm:s0], s1  }
0xa0: {  	s0 =	simm.s32 @!p0 $0x4  }
0xa1: {  	_ =	swait.ge @!p0 [sflag:s0], s1  }
0xa2: {  	s1 =	ssub.s32 @!p0 $0x0, s1;
	[sflag:s0] =	ssyncset.done @!p0 $0x0  }
0xa3: {  	[sflag:s0] =	ssyncadd.s32 @!p0 s1  }
0xa4: {  	[bflag:$0x3] =	sbarrier.arrive $0xFFFF  }
0xa5: {  	_ =	shalt  }

// kernel: kernel.16.cloned.1.call-start
scs
__scs_entry_jumppad:
0x0: {  	(pc) =	sbr.rel $0x88, $3  }
0x1: {  	(tag) =	ssettag $0x0;
	lr =	simm.s32 $0x1  }
0x2: {  	[smem:$0x3F99] =	sst lr;
	_ =	strace $0xD0000000  }
0x3: {  	_ = 	snop  }
0x4: {  	_ = 	snop  }
0x5: {  	_ = 	snop  }
0x6: {  	_ = 	snop  }
0x7: {  	_ = 	snop  }
__scs_overlays_trampoline_lowered:
0x8: {  	[smem:$0x3FA8] =	sst s0  }
0x9: {  	[smem:$0x3FA9] =	sst s1  }
0xa: {  	[smem:$0x3FAA] =	sst s2  }
0xb: {  	[smem:$0x3FAB] =	sst s3  }
0xc: {  	[smem:$0x3FAC] =	sst s4  }
0xd: {  	[smem:$0x3FAD] =	sst s5  }
0xe: {  	[smem:$0x3FAE] =	sst s6  }
0xf: {  	[smem:$0x3FAF] =	sst s7  }
0x10: {  	[smem:$0x3FB0] =	sst s8  }
0x11: {  	[smem:$0x3FB1] =	sst s9;
	s0 =	simm.s32 @!p0 $0x0  }
0x12: {  	s1 =	sld [smem:$0x3F97];
	s0 =	simm.s32 @p0 $0x1  }
0x13: {  	[smem:$0x3FB2] =	sst s0;
	s0 =	simm.s32 @!p1 $0x0  }
0x14: {  	s2 =	sld [smem:$0x3F96];
	s0 =	simm.s32 @p1 $0x1  }
0x15: {  	[smem:$0x3FB3] =	sst s0;
	s0 =	simm.s32 @!p2 $0x0  }
0x16: {  	s3 =	sld [smem:$0x3FDB];
	s0 =	simm.s32 @p2 $0x1  }
0x17: {  	s4 =	simm.s32 $0x1BF5;
	[smem:$0x3FB5] =	sst s0  }
0x18: {  	s0 =	sld [smem:$0x3F98];
	_ =	swait.ge [sflag:s4], $0x0  }
0x19: {  	s7 =	sld [smem:$0x3F99]  }
0x1a: {  	s8 =	sadd.s32 $0xFFFFE003, lr  }
0x1b: {  	s9 =	sadd.s32 $0xFFFFFEF7, lr;
	s5 =	simm.s32 $0xFFFFFFFF;
	p2 =	slt.u32 s8, $0xFFFFF086  }
0x1c: {  	p1 =	slt.u32 s9, $0xF7A;
	s5 =	simm.s32 @!p2 $0x0  }
0x1d: {  	s5 =	simm.s32 @p1 $0x1;
	p0 =	seq.s32 s7, s2  }
0x1e: {  	s7 =	smul.u32 @!p0 $0xF7A, s2;
	p2 =	seq.s32 @!p0 s5, $0x0  }
0x1f: {  	s9 =	smul.u32 $0xF7A, s1;
	s8 =	simm.s32 @!p0 $0x1BF5;
	p2 =	por !p2, p0  }
0x20: {  	[sflag:s8] =	ssyncset.s32 @!p0 $0xFFFFF086;
	s6 =	sadd.s32 @!p0 s3, s7;
	s7 =	simm.s32 @!p0 $0x108  }
0x21: {  	s3 =	sadd.s32 s3, s9;
	s6 =	sadd.s32 @!p0 $0x88, s6;
	s7 =	simm.s32 @p2 $0x1082  }
0x22: {  	[simem:s7], [sflag:s8] =	dma.local @!p0 [hbm:s6], $0xF7A  }
0x23: {  	s9 =	sor.u32 $0xD0000000, s2;
	s6 =	simm.s32 $0x108;
	_ =	swait.ge @!p0 [sflag:s8], $0x0  }
0x24: {  	s3 =	sadd.s32 $0x88, s3;
	s6 =	simm.s32 @!p1 $0x1082;
	[sflag:s4] =	ssyncset.s32 $0xFFFFF086  }
0x25: {  	[simem:s6], [sflag:s4] =	dma.local [hbm:s3], $0xF7A  }
0x26: {  	[smem:$0x3F99] =	sst s1;
	(tag) =	ssettag s2;
	_ =	strace s9  }
0x27: {  	s1 =	sld [smem:$0x3FA9]  }
0x28: {  	s2 =	sld [smem:$0x3FAA]  }
0x29: {  	s4 =	sld [smem:$0x3FAC]  }
0x2a: {  	p0 =	seq.s32 s5, $0x0;
	s5 =	sld [smem:$0x3FAD]  }
0x2b: {  	s6 =	sld [smem:$0x3FAE]  }
0x2c: {  	s7 =	sld [smem:$0x3FAF]  }
0x2d: {  	s3 =	simm.s32 $0x108;
	s8 =	sld [smem:$0x3FB0]  }
0x2e: {  	s3 =	simm.s32 @!p0 $0x1082;
	s9 =	sld [smem:$0x3FB1]  }
0x2f: {  	lr =	sadd.s32 s0, s3;
	s0 =	sld [smem:$0x3FA8]  }
0x30: {  	s3 =	sld [smem:$0x3FAB]  }
0x31: {  	[smem:$0x3FB4] =	sst s10  }
0x32: {  	s10 =	sld [smem:$0x3FB2];
	_ =	sdelay $0x3  }
0x33: {  	p0 =	seq.s32 s10, $0x1;
	s10 =	sld [smem:$0x3FB4];
	_ =	sdelay $0x3  }
0x34: {  	[smem:$0x3FB4] =	sst s10  }
0x35: {  	s10 =	sld [smem:$0x3FB3];
	_ =	sdelay $0x3  }
0x36: {  	p1 =	seq.s32 s10, $0x1;
	s10 =	sld [smem:$0x3FB4];
	_ =	sdelay $0x3  }
0x37: {  	[smem:$0x3FB4] =	sst s10  }
0x38: {  	s10 =	sld [smem:$0x3FB5]  }
0x39: {  	_ = 	snop;
	(pc) =	sbr.ind lr, $3  }
0x3a: {  	_ = 	snop  }
0x3b: {  	_ = 	snop  }
0x3c: {  	p2 =	seq.s32 s10, $0x1;
	s10 =	sld [smem:$0x3FB4]  }
0x3d: {  	_ =	shalt  }
0x3e: {  	_ =	shalt  }
0x3f: {  	_ =	shalt  }
0x40: {  	_ =	shalt  }
0x41: {  	_ =	shalt  }
0x42: {  	_ =	shalt  }
0x43: {  	_ =	shalt  }
0x44: {  	_ =	shalt  }
0x45: {  	_ =	shalt  }
0x46: {  	_ =	shalt  }
0x47: {  	_ =	shalt  }
0x48: {  	_ =	shalt  }
0x49: {  	_ =	shalt  }
0x4a: {  	_ =	shalt  }
0x4b: {  	_ =	shalt  }
0x4c: {  	_ =	shalt  }
0x4d: {  	_ =	shalt  }
0x4e: {  	_ =	shalt  }
0x4f: {  	_ =	shalt  }
0x50: {  	_ =	shalt  }
0x51: {  	_ =	shalt  }
0x52: {  	_ =	shalt  }
0x53: {  	_ =	shalt  }
0x54: {  	_ =	shalt  }
0x55: {  	_ =	shalt  }
0x56: {  	_ =	shalt  }
0x57: {  	_ =	shalt  }
0x58: {  	_ =	shalt  }
0x59: {  	_ =	shalt  }
0x5a: {  	_ =	shalt  }
0x5b: {  	_ =	shalt  }
0x5c: {  	_ =	shalt  }
0x5d: {  	_ =	shalt  }
0x5e: {  	_ =	shalt  }
0x5f: {  	_ =	shalt  }
0x60: {  	_ =	shalt  }
0x61: {  	_ =	shalt  }
0x62: {  	_ =	shalt  }
0x63: {  	_ =	shalt  }
0x64: {  	_ =	shalt  }
0x65: {  	_ =	shalt  }
0x66: {  	_ =	shalt  }
0x67: {  	_ =	shalt  }
0x68: {  	_ =	shalt  }
0x69: {  	_ =	shalt  }
0x6a: {  	_ =	shalt  }
0x6b: {  	_ =	shalt  }
0x6c: {  	_ =	shalt  }
0x6d: {  	_ =	shalt  }
0x6e: {  	_ =	shalt  }
0x6f: {  	_ =	shalt  }
0x70: {  	_ =	shalt  }
0x71: {  	_ =	shalt  }
0x72: {  	_ =	shalt  }
0x73: {  	_ =	shalt  }
0x74: {  	_ =	shalt  }
0x75: {  	_ =	shalt  }
0x76: {  	_ =	shalt  }
0x77: {  	_ =	shalt  }
0x78: {  	_ =	shalt  }
0x79: {  	_ =	shalt  }
0x7a: {  	_ =	shalt  }
0x7b: {  	_ =	shalt  }
0x7c: {  	_ =	shalt  }
0x7d: {  	_ =	shalt  }
0x7e: {  	_ =	shalt  }
0x7f: {  	_ =	shalt  }
0x80: {  	_ =	shalt  }
0x81: {  	_ =	shalt  }
0x82: {  	_ =	shalt  }
0x83: {  	_ =	shalt  }
0x84: {  	_ =	shalt  }
0x85: {  	_ =	shalt  }
0x86: {  	_ =	shalt  }
0x87: {  	_ =	shalt  }
.Lfunc_end0:
.L_simem_size_0:
called_computation.2_lowered:
.L_overlay_start_0:
0x88: {  	s2 =	sld [smem:$0x3FD9]  }
0x89: {  	s3 =	sld [smem:$0x3FFE];
	_ =	sdelay $0x1  }
0x8a: {  	s1 =	srdreg.scid  }
0x8b: {  	s0 =	sand.u32 $0x1, s1  }
0x8c: {  	s17 =	sshll.u32 s0, $0xA;
	s2 =	sadd.s32 s3, s2  }
0x8d: {  	s2 =	sadd.s32 s2, s17  }
0x8e: {  	[smem:$0x3FC0] =	sst s2  }
0x8f: {  	_ = 	snop  }
0x90: {  	s2 =	sld [smem:$0x3FD0];
	(tm) =	ssettm $0x1  }
0x91: {  	s18 =	sld [smem:$0x3FFB];
	_ =	sdelay $0x3  }
0x92: {  	_ =	strace s18  }
0x93: {  	s3 =	sld [smem:$0x3FFC];
	_ =	sdelay $0x3  }
0x94: {  	_ =	strace s3  }
0x95: {  	s3 =	sld [smem:$0x3FFD];
	_ =	sdelay $0x3  }
0x96: {  	_ =	strace s3  }
0x97: {  	_ =	strace $0x8FFFFFFF  }
0x98: {  	s19 =	sld [smem:$0x3FDB];
	_ =	sdelay $0x1  }
0x99: {  	s4 =	simm.s32 $_scs_section_size  }
0x9a: {  	s5 =	simm.s32 $_size__tile_overlayer_lowered;
	s6 =	simm.s32 $_tile_overlayer_lowered  }
0x9b: {  	s22 =	simm.s32 $0x1BFF;
	s21 =	sshll.u32 s6, $0x1;
	s3 =	sadd.s32 s4, s19  }
0x9c: {  	s7 =	simm.s32 $0x0;
	s20 =	sshll.u32 s5, $0x1;
	s5 =	sadd.s32 s21, s3  }
0x9d: {  	[timem:s7], [sflag:s22] =	dma.local [hbm:s5], s20  }
0x9e: {  	_ =	swait.ge [sflag:s22], s20  }
0x9f: {  	s4 =	ssub.s32 $0x0, s20;
	[sflag:s22] =	ssyncset.done $0x0  }
0xa0: {  	[sflag:s22] =	ssyncadd.s32 s4;
	_ =	sdelay $0x1  }
0xa1: {  	s23 =	simm.s32 $0x1B8B  }
0xa2: {  	_ =	swait.ge [sflag:s23], $0x1  }
0xa3: {  	[sflag:s23] =	ssyncset.done $0x0  }
0xa4: {  	s25 =	simm.s32 $0x1B8E;
	s24 =	sld [smem:$0x3FFE];
	[sflag:s23] =	ssyncadd.s32 $0xFFFFFFFF  }
0xa5: {  	s26 =	simm.s32 $execute0_lowered;
	[smem:$0x3FD2] =	sst s25  }
0xa6: {  	s5 =	sshll.u32 s26, $0x1;
	_ =	strace $0x8000004C;
	[dreg:$0x1] =	wrdreg $0xFFFFFFFF  }
0xa7: {  	s28 =	simm.s32 $_size_execute0_lowered;
	s3 =	sadd.s32 s3, s5;
	[dreg:$0x0] =	wrdreg $0x0  }
0xa8: {  	s5 =	sshll.u32 s28, $0x1;
	[dreg:$0x2] =	wrdreg s3  }
0xa9: {  	[dreg:$0x3] =	wrdreg s5  }
0xaa: {  	[dreg:$0x4] =	wrdreg $0xC0  }
0xab: {  	_ =	task [dreg:s7], $0x5FFFF  }
0xac: {  	[dreg:$0x1] =	wrdreg $0xFFFFFFFF  }
0xad: {  	[dreg:$0x0] =	wrdreg $0x60  }
0xae: {  	[dreg:$0x2] =	wrdreg s24  }
0xaf: {  	[dreg:$0x3] =	wrdreg s2  }
0xb0: {  	[dreg:$0x4] =	wrdreg $0x0  }
0xb1: {  	[dreg:$0x5] =	wrdreg $0x9  }
0xb2: {  	_ =	task.clear_ibuf [dreg:s7], $0x6FFFF;
	_ =	strace $0x9000004C  }
0xb3: {  	s29 =	simm.s32 $0x9;
	_ =	strace $0x8000004E  }
0xb4: {  	_ =	swait.ge [sflag:s29], $0x1  }
0xb5: {  	[sflag:s29] =	ssyncadd.s32 $0xFFFFFFFF  }
0xb6: {  	_ =	strace $0x9000004E  }
0xb7: {  	_ =	sfence  }
0xb8: {  	s30 =	sld [smem:$0x0];
	_ =	sdelay $0x2  }
0xb9: {  	s31 =	sshll.u32 s1, $0xD;
	s1 =	sshrl.u32 s1, $0x2  }
0xba: {  	s3 =	sand.u32 $0x4000, s31;
	s1 =	sadd.s32 s1, s30  }
0xbb: {  	s0 =	sor.u32 s3, s0;
	s1 =	sshll.u32 s1, $0x11  }
0xbc: {  	s0 =	sor.u32 s1, s0  }
0xbd: {  	s0 =	sadd.s32 $0x8F2B, s0  }
0xbe: {  	[sflag:s0] =	ssyncadd.remote.s32 $0x1  }
0xbf: {  	_ =	sfence.sel $0xFFFF  }
0xc0: {  	[dreg:$0x0] =	wrdreg $0xFFFFFFFF;
	(pc) =	sbr.abs _section_cstart, $3  }
0xc1: {  	[dreg:$0x1] =	wrdreg $0xFFFFFFFF  }
0xc2: {  	_ =	task.clear_ibuf [dreg:s7], $0x2FFFF;
	_ =	strace $0x9FFFFFFF  }
0xc3: {  	(tm) =	ssettm $0x7FFFFFFF  }
tec
execute0_lowered:
.L_overlay_start_1:
0x0: {  	(tag) =	ssettag $0x1  }
0x1: {  	s0 =	rddreg [dreg:$0x0]  }
0x2: {  	s3 =	rddreg [dreg:$0x1]  }
0x3: {  	s1 =	rddreg [dreg:$0x2];
	s2 =	simm.s32 $0x0;
	s4 =	srdreg.scid  }
0x4: {  	s18 =	stileid.u32;
	s16 =	simm.s32 $0x13880;
	s20 =	simm.s32 $0x2  }
0x5: {  	s21 =	simm.s32 $0x16000;
	s28 =	simm.s32 $0x1;
	s29 =	simm.s32 $0x3  }
0x6: {  	s30 =	simm.s32 $0x1E100;
	s31 =	simm.s32 $0x4;
	[smem:$0x7FF] =	sst s2  }
0x7: {  	s7 =	sand.u32 $0x1, s4;
	s4 =	sadd.s32 $0xCA00, s0;
	s9 =	smul.u32 $0x2710, s18  }
0x8: {  	s5 =	sadd.s32 $0x2C00, s0;
	s6 =	sadd.s32 $0x33C00, s0;
	s11 =	smul.u32 $0x4F000, s18  }
0x9: {  	s0 =	sadd.s32 $0x36400, s0;
	s13 =	smul.u32 $0x13C00, s18;
	s17 =	sadd.s32 $0x128400, s1  }
0xa: {  	p0 =	seq.s32 s18, $0xF;
	_ =	strace $0x8000004D;
	s8 =	smul.u32 $0x27100, s7  }
0xb: {  	s10 =	ssub.s32 $0x2, s7;
	s7 =	smul.u32 $0x138800, s7;
	s17 =	sshrl.u32 @p0 s17, $0x3  }
0xc: {  	s12 =	sshrl.u32 s10, $0x1;
	s11 =	sshrl.u32 s11, $0x2;
	s9 =	sadd.s32 s9, s8  }
0xd: {  	s10 =	ssub.s32 s10, s12;
	s22 =	sadd.s32 s13, s7;
	s7 =	sshrl.u32 s7, $0x3  }
0xe: {  	s8 =	sshrl.u32 s9, $0x3;
	s7 =	sadd.s32 s0, s7;
	s25 =	smax.u32 s10, $0x1  }
0xf: {  	s26 =	sadd.s32 $0x180, s9;
	s14 =	sadd.s32 $0x100, s9;
	s3 =	sadd.s32 s3, s8  }
0x10: {  	s8 =	sadd.s32 s5, s8;
	s24 =	sadd.s32 $0x25080, s7;
	[dreg:$0x8] =	wrdreg s25  }
0x11: {  	s25 =	simm.s32 $0x1E180;
	[dreg:$0x4] =	wrdreg s3;
	s3 =	sadd.s32 s11, s1  }
0x12: {  	s11 =	sshrl.u32 s22, $0x3;
	s23 =	sadd.s32 $0x4E0, s8;
	[dreg:$0x7] =	wrdreg s24  }
0x13: {  	s13 =	sadd.s32 $0x10, s8;
	s22 =	simm.s32 $0x80;
	s24 =	simm.s32 $0x16080  }
0x14: {  	[dreg:$0x5] =	wrdreg s23;
	s0 =	sadd.s32 s0, s11;
	s19 =	sshrl.u32 @!p0 s3, $0x3  }
0x15: {  	s23 =	simm.s32 $0x16100;
	[dreg:$0x6] =	wrdreg s0;
	s0 =	sshrl.u32 s26, $0x3  }
0x16: {  	s3 =	simm.s32 $0x0;
	s15 =	sadd.s32 s0, s5;
	s0 =	sshll.u32 @!p0 s18, $0x6  }
0x17: {  	s26 =	simm.s32 $0x1A100;
	s18 =	sor.u32 @!p0 $0x1C04, s0;
	s0 =	simm.s32 $0x10  }
.LBB2_1:
0x18: {  	s7 =	rddreg [dreg:$0x4]  }
0x19: {  	[tilespmem:s16], [sflag:$0x2] =	stream.linear.gather [hbm4b:s7+s2], $0x2710, $0x38;
	[tilespmem:$0x1E980] =	vst v63  }
0x1a: {  	s7 =	simm.s32 @p0 $0x1FC4  }
0x1b: {  	[spmem:s17], [sflag:s7] =	dma.local @p0 [hbm:s6], $0x2080  }
0x1c: {  	s7 =	simm.s32 @p0 $0x4  }
0x1d: {  	_ =	swait.ge @p0 [sflag:s7], $0x2080  }
0x1e: {  	[sflag:s7] =	ssyncset.done @p0 $0x0  }
0x1f: {  	[sflag:s7] =	ssyncadd.s32 @p0 $0xFFFFDF80;
	s7 =	simm.s32 @!p0 $0x4  }
0x20: {  	[spmem:s19], [sflag:s18] =	dma.local @!p0 [hbm:s6], $0x2780  }
0x21: {  	_ =	swait.ge @!p0 [sflag:s7], $0x2780  }
0x22: {  	[sflag:s7] =	ssyncset.done @!p0 $0x0  }
0x23: {  	[sflag:s7] =	ssyncadd.s32 @!p0 $0xFFFFD880  }
0x24: {  	_ =	swait.ge [sflag:s20], $0x2710  }
0x25: {  	[sflag:s20] =	ssyncset.done $0x0  }
0x26: {  	[sflag:s20] =	ssyncadd.s32 $0xFFFFD8F0  }
0x27: {  	[bflag:$0x0] =	sbarrier.arrive $0xFFFF  }
0x28: {  	[tilespmem:s21], [sflag:$0x2] =	stream.linear.gather [hbm4b:s8+s2], $0x80, $0x38;
	[tilespmem:$0x1E980] =	vst v63  }
0x29: {  	_ = 	snop  }
0x2a: {  	[tilespmem:s23], [sflag:$0x1] =	stream.indirect.gather [hbm4b:s4+s22], $0x80, s16, s22, $0xb8;
	[tilespmem:$0x1E980] =	vst v63  }
0x2b: {  	_ = 	snop  }
0x2c: {  	[tilespmem:s24], [sflag:$0x2] =	stream.linear.gather [hbm4b:s13+s2], $0x80, $0x38;
	[tilespmem:$0x1E980] =	vst v63  }
0x2d: {  	s12 =	simm.s32 $0x13900  }
0x2e: {  	[tilespmem:s26], [sflag:$0x1] =	stream.indirect.gather [hbm4b:s4+s22], $0x80, s12, s22, $0xb8;
	[tilespmem:$0x1E980] =	vst v63  }
0x2f: {  	_ =	swait.ge [sflag:s20], $0x80  }
0x30: {  	[sflag:s20] =	ssyncset.done $0x0  }
0x31: {  	[sflag:s20] =	ssyncadd.s32 $0xFFFFFF80  }
0x32: {  	_ =	swait.ge [sflag:s28], $0x4000  }
0x33: {  	[sflag:s28] =	ssyncset.done $0x0  }
0x34: {  	[sflag:s28] =	ssyncadd.s32 $0xFFFFC000  }
0x35: {  	[spmem:s1] =	stream.indirect.scatter.add.f32 [tilespmem:s23], [sflag:$0x3], $0x80, s21, s22, $0xb8;
	[tilespmem:$0x1E980] =	vst v63  }
0x36: {  	_ =	swait.ge [sflag:s20], $0x80  }
0x37: {  	[sflag:s20] =	ssyncset.done $0x0  }
0x38: {  	[sflag:s20] =	ssyncadd.s32 $0xFFFFFF80  }
0x39: {  	_ =	swait.ge [sflag:s28], $0x4000  }
0x3a: {  	[sflag:s28] =	ssyncset.done $0x0  }
0x3b: {  	[sflag:s28] =	ssyncadd.s32 $0xFFFFC000  }
0x3c: {  	[spmem:s1] =	stream.indirect.scatter.add.f32 [tilespmem:s26], [sflag:$0x3], $0x80, s24, s22, $0xb8;
	[tilespmem:$0x1E980] =	vst v63  }
0x3d: {  	_ =	swait.ge [sflag:s29], $0x4000  }
0x3e: {  	s9 =	sshrl.u32 s14, $0x3;
	[sflag:s29] =	ssyncset.done $0x0  }
0x3f: {  	s7 =	sadd.s32 s5, s9;
	[sflag:s29] =	ssyncadd.s32 $0xFFFFC000  }
0x40: {  	[tilespmem:s21], [sflag:$0x2] =	stream.linear.gather [hbm4b:s7+s2], $0x80, $0x38;
	[tilespmem:$0x1E980] =	vst v63  }
0x41: {  	s10 =	simm.s32 $0x13980  }
0x42: {  	[tilespmem:s23], [sflag:$0x1] =	stream.indirect.gather [hbm4b:s4+s22], $0x80, s10, s22, $0xb8;
	[tilespmem:$0x1E980] =	vst v63  }
0x43: {  	_ =	swait.ge [sflag:s29], $0x4000  }
0x44: {  	[sflag:s29] =	ssyncset.done $0x0  }
0x45: {  	s11 =	sadd.s32 $0x0, s15;
	[sflag:s29] =	ssyncadd.s32 $0xFFFFC000  }
0x46: {  	[tilespmem:s24], [sflag:$0x2] =	stream.linear.gather [hbm4b:s11+s2], $0x80, $0x38;
	[tilespmem:$0x1E980] =	vst v63  }
0x47: {  	s12 =	simm.s32 $0x13A00  }
0x48: {  	[tilespmem:s26], [sflag:$0x1] =	stream.indirect.gather [hbm4b:s4+s22], $0x80, s12, s22, $0xb8;
	[tilespmem:$0x1E980] =	vst v63  }
0x49: {  	_ =	swait.ge [sflag:s20], $0x80  }
0x4a: {  	[sflag:s20] =	ssyncset.done $0x0  }
0x4b: {  	[sflag:s20] =	ssyncadd.s32 $0xFFFFFF80  }
0x4c: {  	_ =	swait.ge [sflag:s28], $0x4000  }
0x4d: {  	[sflag:s28] =	ssyncset.done $0x0  }
0x4e: {  	[sflag:s28] =	ssyncadd.s32 $0xFFFFC000  }
0x4f: {  	[spmem:s1] =	stream.indirect.scatter.add.f32 [tilespmem:s23], [sflag:$0x3], $0x80, s21, s22, $0xb8;
	[tilespmem:$0x1E980] =	vst v63  }
0x50: {  	_ =	swait.ge [sflag:s20], $0x80  }
0x51: {  	[sflag:s20] =	ssyncset.done $0x0  }
0x52: {  	[sflag:s20] =	ssyncadd.s32 $0xFFFFFF80  }
0x53: {  	_ =	swait.ge [sflag:s28], $0x4000  }
0x54: {  	s9 =	simm.s32 $0x13B00;
	[sflag:s28] =	ssyncset.done $0x0  }
0x55: {  	s7 =	simm.s32 $0x20;
	s10 =	sadd.s32 $0x100, s14;
	[sflag:s28] =	ssyncadd.s32 $0xFFFFC000  }
.LBB2_2:
0x56: {  	[spmem:s1] =	stream.indirect.scatter.add.f32 [tilespmem:s26], [sflag:$0x3], $0x80, s24, s22, $0xb8;
	[tilespmem:$0x1E980] =	vst v63  }
0x57: {  	s11 =	smov.u32 s7  }
0x58: {  	p1 =	sne.s32 s7, $0x4A0;
	s7 =	sadd.s32 $0x20, s7;
	_ =	swait.ge [sflag:s29], $0x4000  }
0x59: {  	s12 =	sshrl.u32 s10, $0x3;
	[sflag:s29] =	ssyncset.done $0x0  }
0x5a: {  	s12 =	sadd.s32 s5, s12;
	[sflag:s29] =	ssyncadd.s32 $0xFFFFC000  }
0x5b: {  	[tilespmem:s21], [sflag:$0x2] =	stream.linear.gather [hbm4b:s12+s2], $0x80, $0x38;
	[tilespmem:$0x1E980] =	vst v63  }
0x5c: {  	s12 =	sadd.s32 $0xFFFFFF80, s9  }
0x5d: {  	[tilespmem:s23], [sflag:$0x1] =	stream.indirect.gather [hbm4b:s4+s22], $0x80, s12, s22, $0xb8;
	[tilespmem:$0x1E980] =	vst v63  }
0x5e: {  	_ =	swait.ge [sflag:s29], $0x4000  }
0x5f: {  	[sflag:s29] =	ssyncset.done $0x0  }
0x60: {  	s11 =	sadd.s32 s11, s15;
	[sflag:s29] =	ssyncadd.s32 $0xFFFFC000  }
0x61: {  	[tilespmem:s24], [sflag:$0x2] =	stream.linear.gather [hbm4b:s11+s2], $0x80, $0x38;
	[tilespmem:$0x1E980] =	vst v63  }
0x62: {  	_ = 	snop  }
0x63: {  	[tilespmem:s26], [sflag:$0x1] =	stream.indirect.gather [hbm4b:s4+s22], $0x80, s9, s22, $0xb8;
	[tilespmem:$0x1E980] =	vst v63  }
0x64: {  	_ =	swait.ge [sflag:s20], $0x80  }
0x65: {  	[sflag:s20] =	ssyncset.done $0x0  }
0x66: {  	[sflag:s20] =	ssyncadd.s32 $0xFFFFFF80  }
0x67: {  	_ =	swait.ge [sflag:s28], $0x4000  }
0x68: {  	[sflag:s28] =	ssyncset.done $0x0  }
0x69: {  	[sflag:s28] =	ssyncadd.s32 $0xFFFFC000  }
0x6a: {  	[spmem:s1] =	stream.indirect.scatter.add.f32 [tilespmem:s23], [sflag:$0x3], $0x80, s21, s22, $0xb8;
	[tilespmem:$0x1E980] =	vst v63  }
0x6b: {  	_ =	swait.ge [sflag:s20], $0x80  }
.Ltmp0:
0x6c: {  	[sflag:s20] =	ssyncset.done $0x0;
	(pc) =	sbr.rel @p1 .LBB2_2-.Ltmp0, $4  }
0x6d: {  	[sflag:s20] =	ssyncadd.s32 $0xFFFFFF80  }
0x6e: {  	_ =	swait.ge [sflag:s28], $0x4000  }
0x6f: {  	[sflag:s28] =	ssyncset.done $0x0  }
0x70: {  	s10 =	sadd.s32 $0x100, s10;
	s9 =	sadd.s32 $0x100, s9;
	[sflag:s28] =	ssyncadd.s32 $0xFFFFC000  }
0x71: {  	[spmem:s1] =	stream.indirect.scatter.add.f32 [tilespmem:s26], [sflag:$0x3], $0x80, s24, s22, $0xb8;
	[tilespmem:$0x1E980] =	vst v63  }
0x72: {  	_ =	swait.ge [sflag:s29], $0x4000  }
0x73: {  	[sflag:s29] =	ssyncset.done $0x0  }
0x74: {  	[sflag:s29] =	ssyncadd.s32 $0xFFFFC000  }
0x75: {  	_ =	swait.ge [sflag:s29], $0x4000  }
0x76: {  	[sflag:s29] =	ssyncset.done $0x0  }
0x77: {  	s7 =	rddreg [dreg:$0x5];
	[sflag:s29] =	ssyncadd.s32 $0xFFFFC000  }
0x78: {  	[tilespmem:s30], [sflag:$0x4] =	stream.linear.gather [hbm4b:s7+s2], $0x10, $0x38;
	[tilespmem:$0x1E980] =	vst v63  }
0x79: {  	_ =	swait.ge [sflag:s31], $0x10  }
0x7a: {  	[sflag:s31] =	ssyncset.done $0x0  }
0x7b: {  	s11 =	simm.s32 $0x15F80;
	[sflag:s31] =	ssyncadd.s32 $0xFFFFFFF0  }
0x7c: {  	[tilespmem:s25], [sflag:$0x1] =	stream.indirect.gather [hbm4b:s4+s0], $0x80, s11, s0, $0xb8;
	[tilespmem:$0x1E980] =	vst v63  }
0x7d: {  	_ =	swait.ge [sflag:s28], $0x800  }
0x7e: {  	[sflag:s28] =	ssyncset.done $0x0  }
0x7f: {  	[sflag:s28] =	ssyncadd.s32 $0xFFFFF800  }
0x80: {  	[spmem:s1] =	stream.indirect.scatter.add.f32 [tilespmem:s25], [sflag:$0x4], $0x80, s30, s0, $0xb8;
	[tilespmem:$0x1E980] =	vst v63  }
0x81: {  	_ =	swait.ge [sflag:s31], $0x800  }
0x82: {  	[sflag:s31] =	ssyncset.done $0x0  }
0x83: {  	[sflag:s31] =	ssyncadd.s32 $0xFFFFF800  }
0x84: {  	[bflag:$0x0] =	sbarrier.arrive $0xFFFF  }
0x85: {  	s7 =	simm.s32 @p0 $0x1FC4;
	s9 =	rddreg [dreg:$0x7]  }
0x86: {  	[hbm:s9], [sflag:s7] =	dma.local @p0 [spmem:s17], $0x2080  }
0x87: {  	s7 =	simm.s32 @p0 $0x4  }
0x88: {  	_ =	swait.ge @p0 [sflag:s7], $0x2080  }
0x89: {  	[sflag:s7] =	ssyncset.done @p0 $0x0  }
0x8a: {  	[sflag:s7] =	ssyncadd.s32 @p0 $0xFFFFDF80;
	s7 =	rddreg [dreg:$0x6]  }
0x8b: {  	[hbm:s7], [sflag:s18] =	dma.local @!p0 [spmem:s19], $0x2780  }
0x8c: {  	s7 =	simm.s32 @!p0 $0x4  }
0x8d: {  	_ =	swait.ge @!p0 [sflag:s7], $0x2780  }
0x8e: {  	s3 =	sadd.s32 $0x1, s3;
	s12 =	rddreg [dreg:$0x8]  }
0x8f: {  	p1 =	sne.s32 s3, s12  }
.Ltmp1:
0x90: {  	_ = 	snop;
	(pc) =	sbr.rel @p1 .LBB2_1-.Ltmp1, $3  }
0x91: {  	_ =	sdelay $0x1  }
0x92: {  	[sflag:s7] =	ssyncset.done @!p0 $0x0  }
0x93: {  	[sflag:s7] =	ssyncadd.s32 @!p0 $0xFFFFD880  }
0x94: {  	_ =	sfence.sel $0x180000  }
0x95: {  	[bflag:$0x0] =	sbarrier.arrive $0xFFFF  }
0x96: {  	_ =	strace $0x9000004D  }
0x97: {  	s0 =	stileid.u32;
	[bflag:$0x2] =	sbarrier.arrive $0xFFFF  }
0x98: {  	p0 =	sne.s32 s0, $0x0;
	s0 =	rddreg [dreg:$0x3]  }
0x99: {  	s0 =	sadd.s32 @!p0 $0x100000, s0  }
0x9a: {  	[sflag:s0] =	ssyncadd.tile.s32 @!p0 $0x1;
	_ =	shalt  }
.Lfunc_end2:
_tile_overlayer_lowered:
.L_overlay_start_2:
0x9b: {  	(tag) =	ssettag $0x2  }
0x9c: {  	s0 =	rddreg [dreg:$0x0];
	s2 =	stileid.u32  }
0x9d: {  	s1 =	rddreg [dreg:$0x1];
	p0 =	sne.s32 s2, $0x0  }
0x9e: {  	s3 =	rddreg [dreg:$0x2];
	[bflag:$0x3] =	sbarrier.arrive $0xFFFF;
	s2 =	simm.s32 @!p0 $0x1C04  }
0x9f: {  	[timem:s3], [sflag:s2] =	dma.local @!p0 [hbm:s0], s1  }
0xa0: {  	s0 =	simm.s32 @!p0 $0x4  }
0xa1: {  	_ =	swait.ge @!p0 [sflag:s0], s1  }
0xa2: {  	s1 =	ssub.s32 @!p0 $0x0, s1;
	[sflag:s0] =	ssyncset.done @!p0 $0x0  }
0xa3: {  	[sflag:s0] =	ssyncadd.s32 @!p0 s1  }
0xa4: {  	[bflag:$0x3] =	sbarrier.arrive $0xFFFF  }
0xa5: {  	_ =	shalt  }

// kernel: kernel.19.cloned.1.call-start
scs
__scs_entry_jumppad:
0x0: {  	(pc) =	sbr.rel $0x88, $3  }
0x1: {  	(tag) =	ssettag $0x0;
	lr =	simm.s32 $0x1  }
0x2: {  	[smem:$0x3F99] =	sst lr;
	_ =	strace $0xD0000000  }
0x3: {  	_ = 	snop  }
0x4: {  	_ = 	snop  }
0x5: {  	_ = 	snop  }
0x6: {  	_ = 	snop  }
0x7: {  	_ = 	snop  }
__scs_overlays_trampoline_lowered:
0x8: {  	[smem:$0x3FA8] =	sst s0  }
0x9: {  	[smem:$0x3FA9] =	sst s1  }
0xa: {  	[smem:$0x3FAA] =	sst s2  }
0xb: {  	[smem:$0x3FAB] =	sst s3  }
0xc: {  	[smem:$0x3FAC] =	sst s4  }
0xd: {  	[smem:$0x3FAD] =	sst s5  }
0xe: {  	[smem:$0x3FAE] =	sst s6  }
0xf: {  	[smem:$0x3FAF] =	sst s7  }
0x10: {  	[smem:$0x3FB0] =	sst s8  }
0x11: {  	[smem:$0x3FB1] =	sst s9;
	s0 =	simm.s32 @!p0 $0x0  }
0x12: {  	s1 =	sld [smem:$0x3F97];
	s0 =	simm.s32 @p0 $0x1  }
0x13: {  	[smem:$0x3FB2] =	sst s0;
	s0 =	simm.s32 @!p1 $0x0  }
0x14: {  	s2 =	sld [smem:$0x3F96];
	s0 =	simm.s32 @p1 $0x1  }
0x15: {  	[smem:$0x3FB3] =	sst s0;
	s0 =	simm.s32 @!p2 $0x0  }
0x16: {  	s3 =	sld [smem:$0x3FDB];
	s0 =	simm.s32 @p2 $0x1  }
0x17: {  	s4 =	simm.s32 $0x1BF5;
	[smem:$0x3FB5] =	sst s0  }
0x18: {  	s0 =	sld [smem:$0x3F98];
	_ =	swait.ge [sflag:s4], $0x0  }
0x19: {  	s7 =	sld [smem:$0x3F99]  }
0x1a: {  	s8 =	sadd.s32 $0xFFFFE003, lr  }
0x1b: {  	s9 =	sadd.s32 $0xFFFFFEF7, lr;
	s5 =	simm.s32 $0xFFFFFFFF;
	p2 =	slt.u32 s8, $0xFFFFF086  }
0x1c: {  	p1 =	slt.u32 s9, $0xF7A;
	s5 =	simm.s32 @!p2 $0x0  }
0x1d: {  	s5 =	simm.s32 @p1 $0x1;
	p0 =	seq.s32 s7, s2  }
0x1e: {  	s7 =	smul.u32 @!p0 $0xF7A, s2;
	p2 =	seq.s32 @!p0 s5, $0x0  }
0x1f: {  	s9 =	smul.u32 $0xF7A, s1;
	s8 =	simm.s32 @!p0 $0x1BF5;
	p2 =	por !p2, p0  }
0x20: {  	[sflag:s8] =	ssyncset.s32 @!p0 $0xFFFFF086;
	s6 =	sadd.s32 @!p0 s3, s7;
	s7 =	simm.s32 @!p0 $0x108  }
0x21: {  	s3 =	sadd.s32 s3, s9;
	s6 =	sadd.s32 @!p0 $0x88, s6;
	s7 =	simm.s32 @p2 $0x1082  }
0x22: {  	[simem:s7], [sflag:s8] =	dma.local @!p0 [hbm:s6], $0xF7A  }
0x23: {  	s9 =	sor.u32 $0xD0000000, s2;
	s6 =	simm.s32 $0x108;
	_ =	swait.ge @!p0 [sflag:s8], $0x0  }
0x24: {  	s3 =	sadd.s32 $0x88, s3;
	s6 =	simm.s32 @!p1 $0x1082;
	[sflag:s4] =	ssyncset.s32 $0xFFFFF086  }
0x25: {  	[simem:s6], [sflag:s4] =	dma.local [hbm:s3], $0xF7A  }
0x26: {  	[smem:$0x3F99] =	sst s1;
	(tag) =	ssettag s2;
	_ =	strace s9  }
0x27: {  	s1 =	sld [smem:$0x3FA9]  }
0x28: {  	s2 =	sld [smem:$0x3FAA]  }
0x29: {  	s4 =	sld [smem:$0x3FAC]  }
0x2a: {  	p0 =	seq.s32 s5, $0x0;
	s5 =	sld [smem:$0x3FAD]  }
0x2b: {  	s6 =	sld [smem:$0x3FAE]  }
0x2c: {  	s7 =	sld [smem:$0x3FAF]  }
0x2d: {  	s3 =	simm.s32 $0x108;
	s8 =	sld [smem:$0x3FB0]  }
0x2e: {  	s3 =	simm.s32 @!p0 $0x1082;
	s9 =	sld [smem:$0x3FB1]  }
0x2f: {  	lr =	sadd.s32 s0, s3;
	s0 =	sld [smem:$0x3FA8]  }
0x30: {  	s3 =	sld [smem:$0x3FAB]  }
0x31: {  	[smem:$0x3FB4] =	sst s10  }
0x32: {  	s10 =	sld [smem:$0x3FB2];
	_ =	sdelay $0x3  }
0x33: {  	p0 =	seq.s32 s10, $0x1;
	s10 =	sld [smem:$0x3FB4];
	_ =	sdelay $0x3  }
0x34: {  	[smem:$0x3FB4] =	sst s10  }
0x35: {  	s10 =	sld [smem:$0x3FB3];
	_ =	sdelay $0x3  }
0x36: {  	p1 =	seq.s32 s10, $0x1;
	s10 =	sld [smem:$0x3FB4];
	_ =	sdelay $0x3  }
0x37: {  	[smem:$0x3FB4] =	sst s10  }
0x38: {  	s10 =	sld [smem:$0x3FB5]  }
0x39: {  	_ = 	snop;
	(pc) =	sbr.ind lr, $3  }
0x3a: {  	_ = 	snop  }
0x3b: {  	_ = 	snop  }
0x3c: {  	p2 =	seq.s32 s10, $0x1;
	s10 =	sld [smem:$0x3FB4]  }
0x3d: {  	_ =	shalt  }
0x3e: {  	_ =	shalt  }
0x3f: {  	_ =	shalt  }
0x40: {  	_ =	shalt  }
0x41: {  	_ =	shalt  }
0x42: {  	_ =	shalt  }
0x43: {  	_ =	shalt  }
0x44: {  	_ =	shalt  }
0x45: {  	_ =	shalt  }
0x46: {  	_ =	shalt  }
0x47: {  	_ =	shalt  }
0x48: {  	_ =	shalt  }
0x49: {  	_ =	shalt  }
0x4a: {  	_ =	shalt  }
0x4b: {  	_ =	shalt  }
0x4c: {  	_ =	shalt  }
0x4d: {  	_ =	shalt  }
0x4e: {  	_ =	shalt  }
0x4f: {  	_ =	shalt  }
0x50: {  	_ =	shalt  }
0x51: {  	_ =	shalt  }
0x52: {  	_ =	shalt  }
0x53: {  	_ =	shalt  }
0x54: {  	_ =	shalt  }
0x55: {  	_ =	shalt  }
0x56: {  	_ =	shalt  }
0x57: {  	_ =	shalt  }
0x58: {  	_ =	shalt  }
0x59: {  	_ =	shalt  }
0x5a: {  	_ =	shalt  }
0x5b: {  	_ =	shalt  }
0x5c: {  	_ =	shalt  }
0x5d: {  	_ =	shalt  }
0x5e: {  	_ =	shalt  }
0x5f: {  	_ =	shalt  }
0x60: {  	_ =	shalt  }
0x61: {  	_ =	shalt  }
0x62: {  	_ =	shalt  }
0x63: {  	_ =	shalt  }
0x64: {  	_ =	shalt  }
0x65: {  	_ =	shalt  }
0x66: {  	_ =	shalt  }
0x67: {  	_ =	shalt  }
0x68: {  	_ =	shalt  }
0x69: {  	_ =	shalt  }
0x6a: {  	_ =	shalt  }
0x6b: {  	_ =	shalt  }
0x6c: {  	_ =	shalt  }
0x6d: {  	_ =	shalt  }
0x6e: {  	_ =	shalt  }
0x6f: {  	_ =	shalt  }
0x70: {  	_ =	shalt  }
0x71: {  	_ =	shalt  }
0x72: {  	_ =	shalt  }
0x73: {  	_ =	shalt  }
0x74: {  	_ =	shalt  }
0x75: {  	_ =	shalt  }
0x76: {  	_ =	shalt  }
0x77: {  	_ =	shalt  }
0x78: {  	_ =	shalt  }
0x79: {  	_ =	shalt  }
0x7a: {  	_ =	shalt  }
0x7b: {  	_ =	shalt  }
0x7c: {  	_ =	shalt  }
0x7d: {  	_ =	shalt  }
0x7e: {  	_ =	shalt  }
0x7f: {  	_ =	shalt  }
0x80: {  	_ =	shalt  }
0x81: {  	_ =	shalt  }
0x82: {  	_ =	shalt  }
0x83: {  	_ =	shalt  }
0x84: {  	_ =	shalt  }
0x85: {  	_ =	shalt  }
0x86: {  	_ =	shalt  }
0x87: {  	_ =	shalt  }
.Lfunc_end0:
.L_simem_size_0:
called_computation.3_lowered:
.L_overlay_start_0:
0x88: {  	s2 =	sld [smem:$0x3FD9]  }
0x89: {  	s3 =	sld [smem:$0x3FFE];
	_ =	sdelay $0x1  }
0x8a: {  	s1 =	srdreg.scid  }
0x8b: {  	s0 =	sand.u32 $0x1, s1  }
0x8c: {  	s17 =	sshll.u32 s0, $0xA;
	s2 =	sadd.s32 s3, s2  }
0x8d: {  	s2 =	sadd.s32 s2, s17  }
0x8e: {  	[smem:$0x3FC0] =	sst s2  }
0x8f: {  	_ = 	snop  }
0x90: {  	s2 =	sld [smem:$0x3FD0];
	(tm) =	ssettm $0x1  }
0x91: {  	s18 =	sld [smem:$0x3FFB];
	_ =	sdelay $0x3  }
0x92: {  	_ =	strace s18  }
0x93: {  	s3 =	sld [smem:$0x3FFC];
	_ =	sdelay $0x3  }
0x94: {  	_ =	strace s3  }
0x95: {  	s3 =	sld [smem:$0x3FFD];
	_ =	sdelay $0x3  }
0x96: {  	_ =	strace s3  }
0x97: {  	_ =	strace $0x8FFFFFFF  }
0x98: {  	s19 =	sld [smem:$0x3FDB];
	_ =	sdelay $0x1  }
0x99: {  	s4 =	simm.s32 $_scs_section_size  }
0x9a: {  	s5 =	simm.s32 $_size__tile_overlayer_lowered;
	s6 =	simm.s32 $_tile_overlayer_lowered  }
0x9b: {  	s22 =	simm.s32 $0x1BFF;
	s21 =	sshll.u32 s6, $0x1;
	s3 =	sadd.s32 s4, s19  }
0x9c: {  	s7 =	simm.s32 $0x0;
	s20 =	sshll.u32 s5, $0x1;
	s5 =	sadd.s32 s21, s3  }
0x9d: {  	[timem:s7], [sflag:s22] =	dma.local [hbm:s5], s20  }
0x9e: {  	_ =	swait.ge [sflag:s22], s20  }
0x9f: {  	s4 =	ssub.s32 $0x0, s20;
	[sflag:s22] =	ssyncset.done $0x0  }
0xa0: {  	[sflag:s22] =	ssyncadd.s32 s4;
	_ =	sdelay $0x1  }
0xa1: {  	s23 =	simm.s32 $0x1B8B  }
0xa2: {  	_ =	swait.ge [sflag:s23], $0x1  }
0xa3: {  	[sflag:s23] =	ssyncset.done $0x0  }
0xa4: {  	s25 =	simm.s32 $0x1B8E;
	s24 =	sld [smem:$0x3FFE];
	[sflag:s23] =	ssyncadd.s32 $0xFFFFFFFF  }
0xa5: {  	s26 =	simm.s32 $execute0_lowered;
	[smem:$0x3FD2] =	sst s25  }
0xa6: {  	s5 =	sshll.u32 s26, $0x1;
	_ =	strace $0x8000004F;
	[dreg:$0x1] =	wrdreg $0xFFFFFFFF  }
0xa7: {  	s28 =	simm.s32 $_size_execute0_lowered;
	s3 =	sadd.s32 s3, s5;
	[dreg:$0x0] =	wrdreg $0x0  }
0xa8: {  	s5 =	sshll.u32 s28, $0x1;
	[dreg:$0x2] =	wrdreg s3  }
0xa9: {  	[dreg:$0x3] =	wrdreg s5  }
0xaa: {  	[dreg:$0x4] =	wrdreg $0xC0  }
0xab: {  	_ =	task [dreg:s7], $0x5FFFF  }
0xac: {  	[dreg:$0x1] =	wrdreg $0xFFFFFFFF  }
0xad: {  	[dreg:$0x0] =	wrdreg $0x60  }
0xae: {  	[dreg:$0x2] =	wrdreg s24  }
0xaf: {  	[dreg:$0x3] =	wrdreg s2  }
0xb0: {  	[dreg:$0x4] =	wrdreg $0x0  }
0xb1: {  	[dreg:$0x5] =	wrdreg $0x9  }
0xb2: {  	_ =	task.clear_ibuf [dreg:s7], $0x6FFFF;
	_ =	strace $0x9000004F  }
0xb3: {  	s29 =	simm.s32 $0x9;
	_ =	strace $0x80000051  }
0xb4: {  	_ =	swait.ge [sflag:s29], $0x1  }
0xb5: {  	[sflag:s29] =	ssyncadd.s32 $0xFFFFFFFF  }
0xb6: {  	_ =	strace $0x90000051  }
0xb7: {  	_ =	sfence  }
0xb8: {  	s30 =	sld [smem:$0x0];
	_ =	sdelay $0x2  }
0xb9: {  	s31 =	sshll.u32 s1, $0xD;
	s1 =	sshrl.u32 s1, $0x2  }
0xba: {  	s3 =	sand.u32 $0x4000, s31;
	s1 =	sadd.s32 s1, s30  }
0xbb: {  	s0 =	sor.u32 s3, s0;
	s1 =	sshll.u32 s1, $0x11  }
0xbc: {  	s0 =	sor.u32 s1, s0  }
0xbd: {  	s0 =	sadd.s32 $0x8F2B, s0  }
0xbe: {  	[sflag:s0] =	ssyncadd.remote.s32 $0x1  }
0xbf: {  	_ =	sfence.sel $0xFFFF  }
0xc0: {  	[dreg:$0x0] =	wrdreg $0xFFFFFFFF;
	(pc) =	sbr.abs _section_cstart, $3  }
0xc1: {  	[dreg:$0x1] =	wrdreg $0xFFFFFFFF  }
0xc2: {  	_ =	task.clear_ibuf [dreg:s7], $0x2FFFF;
	_ =	strace $0x9FFFFFFF  }
0xc3: {  	(tm) =	ssettm $0x7FFFFFFF  }
tec
execute0_lowered:
.L_overlay_start_1:
0x0: {  	(tag) =	ssettag $0x1  }
0x1: {  	s0 =	rddreg [dreg:$0x0]  }
0x2: {  	s3 =	rddreg [dreg:$0x1]  }
0x3: {  	s1 =	rddreg [dreg:$0x2];
	s2 =	simm.s32 $0x0;
	s4 =	srdreg.scid  }
0x4: {  	s18 =	stileid.u32;
	s16 =	simm.s32 $0x13880;
	s20 =	simm.s32 $0x2  }
0x5: {  	s21 =	simm.s32 $0x16000;
	s28 =	simm.s32 $0x1;
	s29 =	simm.s32 $0x3  }
0x6: {  	s30 =	simm.s32 $0x1E100;
	s31 =	simm.s32 $0x4;
	[smem:$0x7FF] =	sst s2  }
0x7: {  	s7 =	sand.u32 $0x1, s4;
	s4 =	sadd.s32 $0xCA00, s0;
	s9 =	smul.u32 $0x2710, s18  }
0x8: {  	s5 =	sadd.s32 $0x2C00, s0;
	s6 =	sadd.s32 $0x33C00, s0;
	s11 =	smul.u32 $0x4F000, s18  }
0x9: {  	s0 =	sadd.s32 $0x36400, s0;
	s13 =	smul.u32 $0x13C00, s18;
	s17 =	sadd.s32 $0x128400, s1  }
0xa: {  	p0 =	seq.s32 s18, $0xF;
	_ =	strace $0x80000050;
	s8 =	smul.u32 $0x27100, s7  }
0xb: {  	s10 =	ssub.s32 $0x2, s7;
	s7 =	smul.u32 $0x138800, s7;
	s17 =	sshrl.u32 @p0 s17, $0x3  }
0xc: {  	s12 =	sshrl.u32 s10, $0x1;
	s11 =	sshrl.u32 s11, $0x2;
	s9 =	sadd.s32 s9, s8  }
0xd: {  	s10 =	ssub.s32 s10, s12;
	s22 =	sadd.s32 s13, s7;
	s7 =	sshrl.u32 s7, $0x3  }
0xe: {  	s8 =	sshrl.u32 s9, $0x3;
	s7 =	sadd.s32 s0, s7;
	s25 =	smax.u32 s10, $0x1  }
0xf: {  	s26 =	sadd.s32 $0x180, s9;
	s14 =	sadd.s32 $0x100, s9;
	s3 =	sadd.s32 s3, s8  }
0x10: {  	s8 =	sadd.s32 s5, s8;
	s24 =	sadd.s32 $0x25080, s7;
	[dreg:$0x8] =	wrdreg s25  }
0x11: {  	s25 =	simm.s32 $0x1E180;
	[dreg:$0x4] =	wrdreg s3;
	s3 =	sadd.s32 s11, s1  }
0x12: {  	s11 =	sshrl.u32 s22, $0x3;
	s23 =	sadd.s32 $0x4E0, s8;
	[dreg:$0x7] =	wrdreg s24  }
0x13: {  	s13 =	sadd.s32 $0x10, s8;
	s22 =	simm.s32 $0x80;
	s24 =	simm.s32 $0x16080  }
0x14: {  	[dreg:$0x5] =	wrdreg s23;
	s0 =	sadd.s32 s0, s11;
	s19 =	sshrl.u32 @!p0 s3, $0x3  }
0x15: {  	s23 =	simm.s32 $0x16100;
	[dreg:$0x6] =	wrdreg s0;
	s0 =	sshrl.u32 s26, $0x3  }
0x16: {  	s3 =	simm.s32 $0x0;
	s15 =	sadd.s32 s0, s5;
	s0 =	sshll.u32 @!p0 s18, $0x6  }
0x17: {  	s26 =	simm.s32 $0x1A100;
	s18 =	sor.u32 @!p0 $0x1C04, s0;
	s0 =	simm.s32 $0x10  }
.LBB2_1:
0x18: {  	s7 =	rddreg [dreg:$0x4]  }
0x19: {  	[tilespmem:s16], [sflag:$0x2] =	stream.linear.gather [hbm4b:s7+s2], $0x2710, $0x38;
	[tilespmem:$0x1E980] =	vst v63  }
0x1a: {  	s7 =	simm.s32 @p0 $0x1FC4  }
0x1b: {  	[spmem:s17], [sflag:s7] =	dma.local @p0 [hbm:s6], $0x2080  }
0x1c: {  	s7 =	simm.s32 @p0 $0x4  }
0x1d: {  	_ =	swait.ge @p0 [sflag:s7], $0x2080  }
0x1e: {  	[sflag:s7] =	ssyncset.done @p0 $0x0  }
0x1f: {  	[sflag:s7] =	ssyncadd.s32 @p0 $0xFFFFDF80;
	s7 =	simm.s32 @!p0 $0x4  }
0x20: {  	[spmem:s19], [sflag:s18] =	dma.local @!p0 [hbm:s6], $0x2780  }
0x21: {  	_ =	swait.ge @!p0 [sflag:s7], $0x2780  }
0x22: {  	[sflag:s7] =	ssyncset.done @!p0 $0x0  }
0x23: {  	[sflag:s7] =	ssyncadd.s32 @!p0 $0xFFFFD880  }
0x24: {  	_ =	swait.ge [sflag:s20], $0x2710  }
0x25: {  	[sflag:s20] =	ssyncset.done $0x0  }
0x26: {  	[sflag:s20] =	ssyncadd.s32 $0xFFFFD8F0  }
0x27: {  	[bflag:$0x0] =	sbarrier.arrive $0xFFFF  }
0x28: {  	[tilespmem:s21], [sflag:$0x2] =	stream.linear.gather [hbm4b:s8+s2], $0x80, $0x38;
	[tilespmem:$0x1E980] =	vst v63  }
0x29: {  	_ = 	snop  }
0x2a: {  	[tilespmem:s23], [sflag:$0x1] =	stream.indirect.gather [hbm4b:s4+s22], $0x80, s16, s22, $0xb8;
	[tilespmem:$0x1E980] =	vst v63  }
0x2b: {  	_ = 	snop  }
0x2c: {  	[tilespmem:s24], [sflag:$0x2] =	stream.linear.gather [hbm4b:s13+s2], $0x80, $0x38;
	[tilespmem:$0x1E980] =	vst v63  }
0x2d: {  	s12 =	simm.s32 $0x13900  }
0x2e: {  	[tilespmem:s26], [sflag:$0x1] =	stream.indirect.gather [hbm4b:s4+s22], $0x80, s12, s22, $0xb8;
	[tilespmem:$0x1E980] =	vst v63  }
0x2f: {  	_ =	swait.ge [sflag:s20], $0x80  }
0x30: {  	[sflag:s20] =	ssyncset.done $0x0  }
0x31: {  	[sflag:s20] =	ssyncadd.s32 $0xFFFFFF80  }
0x32: {  	_ =	swait.ge [sflag:s28], $0x4000  }
0x33: {  	[sflag:s28] =	ssyncset.done $0x0  }
0x34: {  	[sflag:s28] =	ssyncadd.s32 $0xFFFFC000  }
0x35: {  	[spmem:s1] =	stream.indirect.scatter.add.f32 [tilespmem:s23], [sflag:$0x3], $0x80, s21, s22, $0xb8;
	[tilespmem:$0x1E980] =	vst v63  }
0x36: {  	_ =	swait.ge [sflag:s20], $0x80  }
0x37: {  	[sflag:s20] =	ssyncset.done $0x0  }
0x38: {  	[sflag:s20] =	ssyncadd.s32 $0xFFFFFF80  }
0x39: {  	_ =	swait.ge [sflag:s28], $0x4000  }
0x3a: {  	[sflag:s28] =	ssyncset.done $0x0  }
0x3b: {  	[sflag:s28] =	ssyncadd.s32 $0xFFFFC000  }
0x3c: {  	[spmem:s1] =	stream.indirect.scatter.add.f32 [tilespmem:s26], [sflag:$0x3], $0x80, s24, s22, $0xb8;
	[tilespmem:$0x1E980] =	vst v63  }
0x3d: {  	_ =	swait.ge [sflag:s29], $0x4000  }
0x3e: {  	s9 =	sshrl.u32 s14, $0x3;
	[sflag:s29] =	ssyncset.done $0x0  }
0x3f: {  	s7 =	sadd.s32 s5, s9;
	[sflag:s29] =	ssyncadd.s32 $0xFFFFC000  }
0x40: {  	[tilespmem:s21], [sflag:$0x2] =	stream.linear.gather [hbm4b:s7+s2], $0x80, $0x38;
	[tilespmem:$0x1E980] =	vst v63  }
0x41: {  	s10 =	simm.s32 $0x13980  }
0x42: {  	[tilespmem:s23], [sflag:$0x1] =	stream.indirect.gather [hbm4b:s4+s22], $0x80, s10, s22, $0xb8;
	[tilespmem:$0x1E980] =	vst v63  }
0x43: {  	_ =	swait.ge [sflag:s29], $0x4000  }
0x44: {  	[sflag:s29] =	ssyncset.done $0x0  }
0x45: {  	s11 =	sadd.s32 $0x0, s15;
	[sflag:s29] =	ssyncadd.s32 $0xFFFFC000  }
0x46: {  	[tilespmem:s24], [sflag:$0x2] =	stream.linear.gather [hbm4b:s11+s2], $0x80, $0x38;
	[tilespmem:$0x1E980] =	vst v63  }
0x47: {  	s12 =	simm.s32 $0x13A00  }
0x48: {  	[tilespmem:s26], [sflag:$0x1] =	stream.indirect.gather [hbm4b:s4+s22], $0x80, s12, s22, $0xb8;
	[tilespmem:$0x1E980] =	vst v63  }
0x49: {  	_ =	swait.ge [sflag:s20], $0x80  }
0x4a: {  	[sflag:s20] =	ssyncset.done $0x0  }
0x4b: {  	[sflag:s20] =	ssyncadd.s32 $0xFFFFFF80  }
0x4c: {  	_ =	swait.ge [sflag:s28], $0x4000  }
0x4d: {  	[sflag:s28] =	ssyncset.done $0x0  }
0x4e: {  	[sflag:s28] =	ssyncadd.s32 $0xFFFFC000  }
0x4f: {  	[spmem:s1] =	stream.indirect.scatter.add.f32 [tilespmem:s23], [sflag:$0x3], $0x80, s21, s22, $0xb8;
	[tilespmem:$0x1E980] =	vst v63  }
0x50: {  	_ =	swait.ge [sflag:s20], $0x80  }
0x51: {  	[sflag:s20] =	ssyncset.done $0x0  }
0x52: {  	[sflag:s20] =	ssyncadd.s32 $0xFFFFFF80  }
0x53: {  	_ =	swait.ge [sflag:s28], $0x4000  }
0x54: {  	s9 =	simm.s32 $0x13B00;
	[sflag:s28] =	ssyncset.done $0x0  }
0x55: {  	s7 =	simm.s32 $0x20;
	s10 =	sadd.s32 $0x100, s14;
	[sflag:s28] =	ssyncadd.s32 $0xFFFFC000  }
.LBB2_2:
0x56: {  	[spmem:s1] =	stream.indirect.scatter.add.f32 [tilespmem:s26], [sflag:$0x3], $0x80, s24, s22, $0xb8;
	[tilespmem:$0x1E980] =	vst v63  }
0x57: {  	s11 =	smov.u32 s7  }
0x58: {  	p1 =	sne.s32 s7, $0x4A0;
	s7 =	sadd.s32 $0x20, s7;
	_ =	swait.ge [sflag:s29], $0x4000  }
0x59: {  	s12 =	sshrl.u32 s10, $0x3;
	[sflag:s29] =	ssyncset.done $0x0  }
0x5a: {  	s12 =	sadd.s32 s5, s12;
	[sflag:s29] =	ssyncadd.s32 $0xFFFFC000  }
0x5b: {  	[tilespmem:s21], [sflag:$0x2] =	stream.linear.gather [hbm4b:s12+s2], $0x80, $0x38;
	[tilespmem:$0x1E980] =	vst v63  }
0x5c: {  	s12 =	sadd.s32 $0xFFFFFF80, s9  }
0x5d: {  	[tilespmem:s23], [sflag:$0x1] =	stream.indirect.gather [hbm4b:s4+s22], $0x80, s12, s22, $0xb8;
	[tilespmem:$0x1E980] =	vst v63  }
0x5e: {  	_ =	swait.ge [sflag:s29], $0x4000  }
0x5f: {  	[sflag:s29] =	ssyncset.done $0x0  }
0x60: {  	s11 =	sadd.s32 s11, s15;
	[sflag:s29] =	ssyncadd.s32 $0xFFFFC000  }
0x61: {  	[tilespmem:s24], [sflag:$0x2] =	stream.linear.gather [hbm4b:s11+s2], $0x80, $0x38;
	[tilespmem:$0x1E980] =	vst v63  }
0x62: {  	_ = 	snop  }
0x63: {  	[tilespmem:s26], [sflag:$0x1] =	stream.indirect.gather [hbm4b:s4+s22], $0x80, s9, s22, $0xb8;
	[tilespmem:$0x1E980] =	vst v63  }
0x64: {  	_ =	swait.ge [sflag:s20], $0x80  }
0x65: {  	[sflag:s20] =	ssyncset.done $0x0  }
0x66: {  	[sflag:s20] =	ssyncadd.s32 $0xFFFFFF80  }
0x67: {  	_ =	swait.ge [sflag:s28], $0x4000  }
0x68: {  	[sflag:s28] =	ssyncset.done $0x0  }
0x69: {  	[sflag:s28] =	ssyncadd.s32 $0xFFFFC000  }
0x6a: {  	[spmem:s1] =	stream.indirect.scatter.add.f32 [tilespmem:s23], [sflag:$0x3], $0x80, s21, s22, $0xb8;
	[tilespmem:$0x1E980] =	vst v63  }
0x6b: {  	_ =	swait.ge [sflag:s20], $0x80  }
.Ltmp0:
0x6c: {  	[sflag:s20] =	ssyncset.done $0x0;
	(pc) =	sbr.rel @p1 .LBB2_2-.Ltmp0, $4  }
0x6d: {  	[sflag:s20] =	ssyncadd.s32 $0xFFFFFF80  }
0x6e: {  	_ =	swait.ge [sflag:s28], $0x4000  }
0x6f: {  	[sflag:s28] =	ssyncset.done $0x0  }
0x70: {  	s10 =	sadd.s32 $0x100, s10;
	s9 =	sadd.s32 $0x100, s9;
	[sflag:s28] =	ssyncadd.s32 $0xFFFFC000  }
0x71: {  	[spmem:s1] =	stream.indirect.scatter.add.f32 [tilespmem:s26], [sflag:$0x3], $0x80, s24, s22, $0xb8;
	[tilespmem:$0x1E980] =	vst v63  }
0x72: {  	_ =	swait.ge [sflag:s29], $0x4000  }
0x73: {  	[sflag:s29] =	ssyncset.done $0x0  }
0x74: {  	[sflag:s29] =	ssyncadd.s32 $0xFFFFC000  }
0x75: {  	_ =	swait.ge [sflag:s29], $0x4000  }
0x76: {  	[sflag:s29] =	ssyncset.done $0x0  }
0x77: {  	s7 =	rddreg [dreg:$0x5];
	[sflag:s29] =	ssyncadd.s32 $0xFFFFC000  }
0x78: {  	[tilespmem:s30], [sflag:$0x4] =	stream.linear.gather [hbm4b:s7+s2], $0x10, $0x38;
	[tilespmem:$0x1E980] =	vst v63  }
0x79: {  	_ =	swait.ge [sflag:s31], $0x10  }
0x7a: {  	[sflag:s31] =	ssyncset.done $0x0  }
0x7b: {  	s11 =	simm.s32 $0x15F80;
	[sflag:s31] =	ssyncadd.s32 $0xFFFFFFF0  }
0x7c: {  	[tilespmem:s25], [sflag:$0x1] =	stream.indirect.gather [hbm4b:s4+s0], $0x80, s11, s0, $0xb8;
	[tilespmem:$0x1E980] =	vst v63  }
0x7d: {  	_ =	swait.ge [sflag:s28], $0x800  }
0x7e: {  	[sflag:s28] =	ssyncset.done $0x0  }
0x7f: {  	[sflag:s28] =	ssyncadd.s32 $0xFFFFF800  }
0x80: {  	[spmem:s1] =	stream.indirect.scatter.add.f32 [tilespmem:s25], [sflag:$0x4], $0x80, s30, s0, $0xb8;
	[tilespmem:$0x1E980] =	vst v63  }
0x81: {  	_ =	swait.ge [sflag:s31], $0x800  }
0x82: {  	[sflag:s31] =	ssyncset.done $0x0  }
0x83: {  	[sflag:s31] =	ssyncadd.s32 $0xFFFFF800  }
0x84: {  	[bflag:$0x0] =	sbarrier.arrive $0xFFFF  }
0x85: {  	s7 =	simm.s32 @p0 $0x1FC4;
	s9 =	rddreg [dreg:$0x7]  }
0x86: {  	[hbm:s9], [sflag:s7] =	dma.local @p0 [spmem:s17], $0x2080  }
0x87: {  	s7 =	simm.s32 @p0 $0x4  }
0x88: {  	_ =	swait.ge @p0 [sflag:s7], $0x2080  }
0x89: {  	[sflag:s7] =	ssyncset.done @p0 $0x0  }
0x8a: {  	[sflag:s7] =	ssyncadd.s32 @p0 $0xFFFFDF80;
	s7 =	rddreg [dreg:$0x6]  }
0x8b: {  	[hbm:s7], [sflag:s18] =	dma.local @!p0 [spmem:s19], $0x2780  }
0x8c: {  	s7 =	simm.s32 @!p0 $0x4  }
0x8d: {  	_ =	swait.ge @!p0 [sflag:s7], $0x2780  }
0x8e: {  	s3 =	sadd.s32 $0x1, s3;
	s12 =	rddreg [dreg:$0x8]  }
0x8f: {  	p1 =	sne.s32 s3, s12  }
.Ltmp1:
0x90: {  	_ = 	snop;
	(pc) =	sbr.rel @p1 .LBB2_1-.Ltmp1, $3  }
0x91: {  	_ =	sdelay $0x1  }
0x92: {  	[sflag:s7] =	ssyncset.done @!p0 $0x0  }
0x93: {  	[sflag:s7] =	ssyncadd.s32 @!p0 $0xFFFFD880  }
0x94: {  	_ =	sfence.sel $0x180000  }
0x95: {  	[bflag:$0x0] =	sbarrier.arrive $0xFFFF  }
0x96: {  	_ =	strace $0x90000050  }
0x97: {  	s0 =	stileid.u32;
	[bflag:$0x2] =	sbarrier.arrive $0xFFFF  }
0x98: {  	p0 =	sne.s32 s0, $0x0;
	s0 =	rddreg [dreg:$0x3]  }
0x99: {  	s0 =	sadd.s32 @!p0 $0x100000, s0  }
0x9a: {  	[sflag:s0] =	ssyncadd.tile.s32 @!p0 $0x1;
	_ =	shalt  }
.Lfunc_end2:
_tile_overlayer_lowered:
.L_overlay_start_2:
0x9b: {  	(tag) =	ssettag $0x2  }
0x9c: {  	s0 =	rddreg [dreg:$0x0];
	s2 =	stileid.u32  }
0x9d: {  	s1 =	rddreg [dreg:$0x1];
	p0 =	sne.s32 s2, $0x0  }
0x9e: {  	s3 =	rddreg [dreg:$0x2];
	[bflag:$0x3] =	sbarrier.arrive $0xFFFF;
	s2 =	simm.s32 @!p0 $0x1C04  }
0x9f: {  	[timem:s3], [sflag:s2] =	dma.local @!p0 [hbm:s0], s1  }
0xa0: {  	s0 =	simm.s32 @!p0 $0x4  }
0xa1: {  	_ =	swait.ge @!p0 [sflag:s0], s1  }
0xa2: {  	s1 =	ssub.s32 @!p0 $0x0, s1;
	[sflag:s0] =	ssyncset.done @!p0 $0x0  }
0xa3: {  	[sflag:s0] =	ssyncadd.s32 @!p0 s1  }
0xa4: {  	[bflag:$0x3] =	sbarrier.arrive $0xFFFF  }
0xa5: {  	_ =	shalt  }

</sc_bundles>
